<compile_context>
chip_gen: v7x
topology: tpu7x:2x2x1
jax: 0.10.2.dev20260603
libtpu: 0.0.44.dev20260713+nightly
codegen_flags: <defaults>
</compile_context>

<pallas_src>
import functools

import jax
import jax.numpy as jnp
from jax import lax
from jax.experimental import pallas as pl
from jax.experimental.pallas import tpu as pltpu
from jax.experimental.pallas import tpu_sc as plsc

NC = 2
NS = 16
NW = NC * NS
CH = 128
ZR = 80
CW = 2000


@functools.cache
def _seg_sum(n, e, d, with_count):
    assert e % CH == 0 and n % ZR == 0 and d % 16 == 0
    nchunk = e // CH
    base_trips = nchunk // NW
    rem = nchunk % NW
    n_units = n // ZR
    units_per_sub = -(-n_units // NS)
    ncw = n // CW

    mesh = plsc.VectorSubcoreMesh(core_axis_name="c", subcore_axis_name="s")
    out_type = [jax.ShapeDtypeStruct((NC * n, d), jnp.float32)]
    if with_count:
        out_type.append(jax.ShapeDtypeStruct((NC * n,), jnp.float32))

    scratch = [
        pltpu.VMEM_SHARED((n, d), jnp.float32),
        pltpu.VMEM((CH,), jnp.int32),
        pltpu.VMEM((CH,), jnp.int32),
        pltpu.VMEM((CH, d), jnp.float32),
        pltpu.VMEM((ZR, d), jnp.float32),
        pltpu.SemaphoreType.DMA,
    ]
    if with_count:
        scratch += [
            pltpu.VMEM_SHARED((n,), jnp.float32),
            pltpu.VMEM((CH,), jnp.float32),
            pltpu.VMEM((CW,), jnp.float32),
        ]

    def body(*refs):
        if with_count:
            (tab, srcr, dstr, out, cnt_out,
             acc, srcb, dstb, rowb, zbuf, sem, cacc, onesb, czbuf) = refs
        else:
            (tab, srcr, dstr, out,
             acc, srcb, dstb, rowb, zbuf, sem) = refs

        c = lax.axis_index("c")
        s = lax.axis_index("s")
        w = s * NC + c

        def zrow(i, carry):
            for k in range(d // 16):
                zbuf[i, pl.ds(k * 16, 16)] = jnp.zeros((16,), jnp.float32)
            return carry
        lax.fori_loop(0, ZR, zrow, 0)
        for k in range(units_per_sub):
            u = s + k * NS

            @pl.when(u < n_units)
            def _():
                pltpu.sync_copy(zbuf, acc.at[pl.ds(u * ZR, ZR)])
        if with_count:
            def zc(i, carry):
                czbuf[pl.ds(i * 16, 16)] = jnp.zeros((16,), jnp.float32)
                return carry
            lax.fori_loop(0, CW // 16, zc, 0)

            @pl.when(s < ncw)
            def _():
                pltpu.sync_copy(czbuf, cacc.at[pl.ds(s * CW, CW)])
            for k in range(CH // 16):
                onesb[pl.ds(k * 16, 16)] = jnp.full((16,), 1.0, jnp.float32)
        plsc.subcore_barrier()

        trips = base_trips + jnp.where(w < rem, 1, 0)

        def chunk(i, carry):
            base = (w + i * NW) * CH
            pltpu.sync_copy(srcr.at[pl.ds(base, CH)], srcb)
            pltpu.sync_copy(dstr.at[pl.ds(base, CH)], dstb)
            pltpu.async_copy(tab.at[srcb], rowb, sem).wait()
            pltpu.sync_copy(rowb, acc.at[dstb], add=True)
            if with_count:
                pltpu.sync_copy(onesb, cacc.at[dstb], add=True)
            return carry

        lax.fori_loop(0, trips, chunk, 0)
        plsc.subcore_barrier()

        for k in range(units_per_sub):
            u = s + k * NS

            @pl.when(u < n_units)
            def _():
                pltpu.sync_copy(acc.at[pl.ds(u * ZR, ZR)], zbuf)
                pltpu.sync_copy(zbuf, out.at[pl.ds(c * n + u * ZR, ZR)])
        if with_count:
            @pl.when(s < ncw)
            def _():
                pltpu.sync_copy(cacc.at[pl.ds(s * CW, CW)], czbuf)
                pltpu.sync_copy(czbuf, cnt_out.at[pl.ds(c * n + s * CW, CW)])

    return pl.kernel(body, out_type=out_type, mesh=mesh,
                     scratch_types=scratch)


def _lin2_body(x_ref, wl_ref, wr_ref, b_ref, t_ref, r_ref):
    xv = x_ref[...]
    t_ref[...] = jnp.dot(xv, wl_ref[...], preferred_element_type=jnp.float32)
    r_ref[...] = (jnp.dot(xv, wr_ref[...], preferred_element_type=jnp.float32)
                  + b_ref[...])


def _mid_body(p_ref, cp_ref, r1_ref, w2r_ref, b2_ref, h_ref, r2_ref):
    cnt = jnp.maximum(cp_ref[0, :] + cp_ref[1, :], 1.0)
    agg = (p_ref[0] + p_ref[1]) / cnt[:, None]
    h = jnp.maximum(agg + r1_ref[...], 0.0)
    h_ref[...] = h
    r2_ref[...] = (jnp.dot(h, w2r_ref[...], preferred_element_type=jnp.float32)
                   + b2_ref[...])


def _out_body(q_ref, cp_ref, r2_ref, w2l_ref, o_ref):
    cnt = jnp.maximum(cp_ref[0, :] + cp_ref[1, :], 1.0)
    agg = (q_ref[0] + q_ref[1]) / cnt[:, None]
    o_ref[...] = (jnp.dot(agg, w2l_ref[...], preferred_element_type=jnp.float32)
                  + r2_ref[...])


def kernel(x, edge_index, W1l, b1l, W1r, W2l, b2l, W2r):
    n, f = x.shape
    e = edge_index.shape[1]
    hid = W1l.shape[0]
    ncls = W2l.shape[0]
    src = edge_index[0]
    dst = edge_index[1]

    f32 = jnp.float32
    t1, r1 = pl.pallas_call(
        _lin2_body,
        out_shape=[jax.ShapeDtypeStruct((n, hid), f32),
                   jax.ShapeDtypeStruct((n, hid), f32)],
    )(x, W1l.T, W1r.T, b1l[None, :])

    p, cnt2 = _seg_sum(n, e, hid, True)(t1, src, dst)
    p = p.reshape(2, n, hid)
    cp = cnt2.reshape(2, n)

    h, r2 = pl.pallas_call(
        _mid_body,
        out_shape=[jax.ShapeDtypeStruct((n, hid), f32),
                   jax.ShapeDtypeStruct((n, ncls), f32)],
    )(p, cp, r1, W2r.T, b2l[None, :])

    (q,) = _seg_sum(n, e, hid, False)(h, src, dst)
    q = q.reshape(2, n, hid)

    out = pl.pallas_call(
        _out_body,
        out_shape=jax.ShapeDtypeStruct((n, ncls), f32),
    )(q, cp, r2, W2l.T)
    return out

# --- scband reference (transcript-rebuilt; emitter-appended) ---
"""Pipeline reference for scband-graph-sage-8761733284693 (READ-ONLY COPY).

The authoritative reference and input builder live on the scoring server;
editing this copy changes nothing except your own understanding.
"""

import jax, jax.numpy as jnp
import numpy as np

N, E_EDGES, F_IN, HID, N_CLS = 10000, 320000, 128, 128, 64


def sage_conv(x, edge_index, Wl, bl, Wr):
    # PyG SAGEConv with mean aggregation:
    # out = lin_l(mean_{j in N(i)} x_j) + lin_r(x_i)
    src = edge_index[0]
    dst = edge_index[1]
    msgs = x[src]  # gather
    agg = jax.ops.segment_sum(msgs, dst, num_segments=N)
    cnt = jax.ops.segment_sum(jnp.ones((msgs.shape[0],), x.dtype), dst, num_segments=N)
    agg = agg / jnp.maximum(cnt, 1.0)[:, None]
    return agg @ Wl.T + bl + x @ Wr.T


def setup_inputs(seed: int = 0) -> dict:
    key = jax.random.key(seed)
    ks = jax.random.split(key, 8)
    x = jax.random.normal(ks[0], (N, F_IN), dtype=jnp.float32)
    edge_index = jax.random.randint(ks[1], (2, E_EDGES), 0, N, dtype=jnp.int32)
    s1 = 1.0 / np.sqrt(F_IN)
    s2 = 1.0 / np.sqrt(HID)
    W1l = jax.random.uniform(ks[2], (HID, F_IN), jnp.float32, -s1, s1)
    b1l = jax.random.uniform(ks[3], (HID,), jnp.float32, -s1, s1)
    W1r = jax.random.uniform(ks[4], (HID, F_IN), jnp.float32, -s1, s1)
    W2l = jax.random.uniform(ks[5], (N_CLS, HID), jnp.float32, -s2, s2)
    b2l = jax.random.uniform(ks[6], (N_CLS,), jnp.float32, -s2, s2)
    W2r = jax.random.uniform(ks[7], (N_CLS, HID), jnp.float32, -s2, s2)
    return {"x": x, "edge_index": edge_index, "W1l": W1l, "b1l": b1l, "W1r": W1r, "W2l": W2l, "b2l": b2l, "W2r": W2r}


def reference(x, edge_index, W1l, b1l, W1r, W2l, b2l, W2r):
    h = sage_conv(x, edge_index, W1l, b1l, W1r)
    h = jax.nn.relu(h)
    # F.dropout(p=0.5, training=self.training): identity in eval mode
    out = sage_conv(h, edge_index, W2l, b2l, W2r)
    return out

if __name__ == "__main__":
    import jax
    _d = setup_inputs()
    print(jax.jit(kernel)(*tuple(_d.values())))

</pallas_src>

<mosaic_0001>
#map = affine_map<(d0, d1) -> (0, 0)>
#map1 = affine_map<(d0, d1) -> (0)>
module attributes {stable_mosaic.version = 14 : i64} {
  func.func @body(%arg0: i32, %arg1: i32, %arg2: memref<10000x128xf32, #tpu.memory_space<hbm>>, %arg3: memref<320000xi32, #tpu.memory_space<hbm>>, %arg4: memref<320000xi32, #tpu.memory_space<hbm>>, %arg5: memref<20000x128xf32, #tpu.memory_space<hbm>>, %arg6: memref<20000xf32, #tpu.memory_space<hbm>>, %arg7: memref<10000x128xf32, #tpu.memory_space<vmem_shared>>, %arg8: memref<128xi32, #tpu.memory_space<vmem>>, %arg9: memref<128xi32, #tpu.memory_space<vmem>>, %arg10: memref<128x128xf32, #tpu.memory_space<vmem>>, %arg11: memref<80x128xf32, #tpu.memory_space<vmem>>, %arg12: memref<!tpu.dma_semaphore, #tpu.memory_space<semaphore_mem>>, %arg13: memref<10000xf32, #tpu.memory_space<vmem_shared>>, %arg14: memref<128xf32, #tpu.memory_space<vmem>>, %arg15: memref<2000xf32, #tpu.memory_space<vmem>>) attributes {dimension_semantics = [#tpu.dimension_semantics<core_parallel>, #tpu.dimension_semantics<subcore_parallel>], iteration_bounds = array<i64: 2, 16>, scalar_prefetch = 0 : i64, scratch_operands = 9 : i64, tpu.core_type = #tpu.core_type<sc_vector_subcore>, window_params = [{transform_indices = #map}, {transform_indices = #map1}, {transform_indices = #map1}, {transform_indices = #map}, {transform_indices = #map1}]} {
    %mul3A = arith.constant 2 : i32
    %mul3A_0 = arith.muli %arg1, %mul3A : i32
    %add3A = arith.addi %mul3A_0, %arg0 : i32
    %scan3A = arith.constant 0 : i32
    %scan3A_1 = arith.constant 0 : i32
    %scan3A_2 = arith.constant 80 : i32
    %scan3A_3 = arith.addi %scan3A_1, %scan3A_2 : i32
    %scan3A_4 = arith.constant 1 : i32
    scf.for %scan3A_192 = %scan3A_1 to %scan3A_3 step %scan3A_4  : i32 {
      %broadcast_in_dim3A_193 = arith.constant 0.000000e+00 : f32
      %broadcast_in_dim3A_194 = vector.broadcast %broadcast_in_dim3A_193 : f32 to vector<16xf32>
      %swap3A_195 = arith.index_cast %scan3A_192 : i32 to index
      %swap3A_196 = arith.constant 0 : index
      %swap3A_197 = tpu.vector_load %arg11[%swap3A_195, %swap3A_196] {strides = array<i32>} : memref<80x128xf32, #tpu.memory_space<vmem>>, vector<1x16xf32>,
      %swap3A_198 = vector.shape_cast %swap3A_197 : vector<1x16xf32> to vector<16xf32>
      %swap3A_199 = vector.shape_cast %broadcast_in_dim3A_194 : vector<16xf32> to vector<1x16xf32>
      tpu.vector_store %arg11[%swap3A_195, %swap3A_196], %swap3A_199 {strides = array<i32>} : memref<80x128xf32, #tpu.memory_space<vmem>>, vector<1x16xf32>,
      %broadcast_in_dim3A_200 = arith.constant 0.000000e+00 : f32
      %broadcast_in_dim3A_201 = vector.broadcast %broadcast_in_dim3A_200 : f32 to vector<16xf32>
      %swap3A_202 = arith.index_cast %scan3A_192 : i32 to index
      %swap3A_203 = arith.constant 16 : index
      %swap3A_204 = tpu.vector_load %arg11[%swap3A_202, %swap3A_203] {strides = array<i32>} : memref<80x128xf32, #tpu.memory_space<vmem>>, vector<1x16xf32>,
      %swap3A_205 = vector.shape_cast %swap3A_204 : vector<1x16xf32> to vector<16xf32>
      %swap3A_206 = vector.shape_cast %broadcast_in_dim3A_201 : vector<16xf32> to vector<1x16xf32>
      tpu.vector_store %arg11[%swap3A_202, %swap3A_203], %swap3A_206 {strides = array<i32>} : memref<80x128xf32, #tpu.memory_space<vmem>>, vector<1x16xf32>,
      %broadcast_in_dim3A_207 = arith.constant 0.000000e+00 : f32
      %broadcast_in_dim3A_208 = vector.broadcast %broadcast_in_dim3A_207 : f32 to vector<16xf32>
      %swap3A_209 = arith.index_cast %scan3A_192 : i32 to index
      %swap3A_210 = arith.constant 32 : index
      %swap3A_211 = tpu.vector_load %arg11[%swap3A_209, %swap3A_210] {strides = array<i32>} : memref<80x128xf32, #tpu.memory_space<vmem>>, vector<1x16xf32>,
      %swap3A_212 = vector.shape_cast %swap3A_211 : vector<1x16xf32> to vector<16xf32>
      %swap3A_213 = vector.shape_cast %broadcast_in_dim3A_208 : vector<16xf32> to vector<1x16xf32>
      tpu.vector_store %arg11[%swap3A_209, %swap3A_210], %swap3A_213 {strides = array<i32>} : memref<80x128xf32, #tpu.memory_space<vmem>>, vector<1x16xf32>,
      %broadcast_in_dim3A_214 = arith.constant 0.000000e+00 : f32
      %broadcast_in_dim3A_215 = vector.broadcast %broadcast_in_dim3A_214 : f32 to vector<16xf32>
      %swap3A_216 = arith.index_cast %scan3A_192 : i32 to index
      %swap3A_217 = arith.constant 48 : index
      %swap3A_218 = tpu.vector_load %arg11[%swap3A_216, %swap3A_217] {strides = array<i32>} : memref<80x128xf32, #tpu.memory_space<vmem>>, vector<1x16xf32>,
      %swap3A_219 = vector.shape_cast %swap3A_218 : vector<1x16xf32> to vector<16xf32>
      %swap3A_220 = vector.shape_cast %broadcast_in_dim3A_215 : vector<16xf32> to vector<1x16xf32>
      tpu.vector_store %arg11[%swap3A_216, %swap3A_217], %swap3A_220 {strides = array<i32>} : memref<80x128xf32, #tpu.memory_space<vmem>>, vector<1x16xf32>,
      %broadcast_in_dim3A_221 = arith.constant 0.000000e+00 : f32
      %broadcast_in_dim3A_222 = vector.broadcast %broadcast_in_dim3A_221 : f32 to vector<16xf32>
      %swap3A_223 = arith.index_cast %scan3A_192 : i32 to index
      %swap3A_224 = arith.constant 64 : index
      %swap3A_225 = tpu.vector_load %arg11[%swap3A_223, %swap3A_224] {strides = array<i32>} : memref<80x128xf32, #tpu.memory_space<vmem>>, vector<1x16xf32>,
      %swap3A_226 = vector.shape_cast %swap3A_225 : vector<1x16xf32> to vector<16xf32>
      %swap3A_227 = vector.shape_cast %broadcast_in_dim3A_222 : vector<16xf32> to vector<1x16xf32>
      tpu.vector_store %arg11[%swap3A_223, %swap3A_224], %swap3A_227 {strides = array<i32>} : memref<80x128xf32, #tpu.memory_space<vmem>>, vector<1x16xf32>,
      %broadcast_in_dim3A_228 = arith.constant 0.000000e+00 : f32
      %broadcast_in_dim3A_229 = vector.broadcast %broadcast_in_dim3A_228 : f32 to vector<16xf32>
      %swap3A_230 = arith.index_cast %scan3A_192 : i32 to index
      %swap3A_231 = arith.constant 80 : index
      %swap3A_232 = tpu.vector_load %arg11[%swap3A_230, %swap3A_231] {strides = array<i32>} : memref<80x128xf32, #tpu.memory_space<vmem>>, vector<1x16xf32>,
      %swap3A_233 = vector.shape_cast %swap3A_232 : vector<1x16xf32> to vector<16xf32>
      %swap3A_234 = vector.shape_cast %broadcast_in_dim3A_229 : vector<16xf32> to vector<1x16xf32>
      tpu.vector_store %arg11[%swap3A_230, %swap3A_231], %swap3A_234 {strides = array<i32>} : memref<80x128xf32, #tpu.memory_space<vmem>>, vector<1x16xf32>,
      %broadcast_in_dim3A_235 = arith.constant 0.000000e+00 : f32
      %broadcast_in_dim3A_236 = vector.broadcast %broadcast_in_dim3A_235 : f32 to vector<16xf32>
      %swap3A_237 = arith.index_cast %scan3A_192 : i32 to index
      %swap3A_238 = arith.constant 96 : index
      %swap3A_239 = tpu.vector_load %arg11[%swap3A_237, %swap3A_238] {strides = array<i32>} : memref<80x128xf32, #tpu.memory_space<vmem>>, vector<1x16xf32>,
      %swap3A_240 = vector.shape_cast %swap3A_239 : vector<1x16xf32> to vector<16xf32>
      %swap3A_241 = vector.shape_cast %broadcast_in_dim3A_236 : vector<16xf32> to vector<1x16xf32>
      tpu.vector_store %arg11[%swap3A_237, %swap3A_238], %swap3A_241 {strides = array<i32>} : memref<80x128xf32, #tpu.memory_space<vmem>>, vector<1x16xf32>,
      %broadcast_in_dim3A_242 = arith.constant 0.000000e+00 : f32
      %broadcast_in_dim3A_243 = vector.broadcast %broadcast_in_dim3A_242 : f32 to vector<16xf32>
      %swap3A_244 = arith.index_cast %scan3A_192 : i32 to index
      %swap3A_245 = arith.constant 112 : index
      %swap3A_246 = tpu.vector_load %arg11[%swap3A_244, %swap3A_245] {strides = array<i32>} : memref<80x128xf32, #tpu.memory_space<vmem>>, vector<1x16xf32>,
      %swap3A_247 = vector.shape_cast %swap3A_246 : vector<1x16xf32> to vector<16xf32>
      %swap3A_248 = vector.shape_cast %broadcast_in_dim3A_243 : vector<16xf32> to vector<1x16xf32>
      tpu.vector_store %arg11[%swap3A_244, %swap3A_245], %swap3A_248 {strides = array<i32>} : memref<80x128xf32, #tpu.memory_space<vmem>>, vector<1x16xf32>,
    }
    %scan3A_5 = arith.constant 80 : i32
    %add3A_6 = arith.constant 0 : i32
    %add3A_7 = arith.addi %arg1, %add3A_6 : i32
    %lt3A = arith.constant 125 : i32
    %lt3A_8 = arith.cmpi slt, %add3A_7, %lt3A : i32
    %convert_element_type3A = arith.extui %lt3A_8 : i1 to i32
    %cond3A = arith.constant 0 : i32
    %cond3A_9 = arith.cmpi ne, %convert_element_type3A, %cond3A : i32
    scf.if %cond3A_9 {
      %mul3A_192 = arith.constant 80 : i32
      %mul3A_193 = arith.muli %add3A_7, %mul3A_192 : i32
      "tpu.region"() ({
        %run_scoped3A = tpu.sem_alloc : memref<!tpu.dma_semaphore, #tpu.memory_space<semaphore_mem>>
        %dma_start3A = arith.constant 0 : i32
        %dma_start3A_194 = tpu.memref_slice %arg7[%mul3A_193, %dma_start3A] : memref<10000x128xf32, #tpu.memory_space<vmem_shared>> -> memref<80x128xf32, #tpu.memory_space<vmem_shared>>
        %dma_start3A_195 = arith.constant 0 : i32
        %dma_start3A_196 = tpu.memref_slice %arg7[%mul3A_193, %dma_start3A_195] : memref<10000x128xf32, #tpu.memory_space<vmem_shared>> -> memref<80x128xf32, #tpu.memory_space<vmem_shared>>
        tpu.enqueue_dma source(%arg11 : memref<80x128xf32, #tpu.memory_space<vmem>>) target(%dma_start3A_196 : memref<80x128xf32, #tpu.memory_space<vmem_shared>>) target_semaphore(%run_scoped3A : memref<!tpu.dma_semaphore, #tpu.memory_space<semaphore_mem>>)
        %dma_wait3A = arith.constant 0 : i32
        %dma_wait3A_197 = tpu.memref_slice %arg7[%mul3A_193, %dma_wait3A] : memref<10000x128xf32, #tpu.memory_space<vmem_shared>> -> memref<80x128xf32, #tpu.memory_space<vmem_shared>>
        %dma_wait3A_198 = arith.constant 0 : i32
        %dma_wait3A_199 = tpu.memref_slice %arg7[%mul3A_193, %dma_wait3A_198] : memref<10000x128xf32, #tpu.memory_space<vmem_shared>> -> memref<80x128xf32, #tpu.memory_space<vmem_shared>>
        tpu.wait_dma2 semaphore(%run_scoped3A : memref<!tpu.dma_semaphore, #tpu.memory_space<semaphore_mem>>) src(%arg11 : memref<80x128xf32, #tpu.memory_space<vmem>>) dst(%dma_wait3A_199 : memref<80x128xf32, #tpu.memory_space<vmem_shared>>)
        tpu.yield
      }) : () -> ()
    } else {
    }
    %add3A_10 = arith.constant 16 : i32
    %add3A_11 = arith.addi %arg1, %add3A_10 : i32
    %lt3A_12 = arith.constant 125 : i32
    %lt3A_13 = arith.cmpi slt, %add3A_11, %lt3A_12 : i32
    %convert_element_type3A_14 = arith.extui %lt3A_13 : i1 to i32
    %cond3A_15 = arith.constant 0 : i32
    %cond3A_16 = arith.cmpi ne, %convert_element_type3A_14, %cond3A_15 : i32
    scf.if %cond3A_16 {
      %mul3A_192 = arith.constant 80 : i32
      %mul3A_193 = arith.muli %add3A_11, %mul3A_192 : i32
      "tpu.region"() ({
        %run_scoped3A = tpu.sem_alloc : memref<!tpu.dma_semaphore, #tpu.memory_space<semaphore_mem>>
        %dma_start3A = arith.constant 0 : i32
        %dma_start3A_194 = tpu.memref_slice %arg7[%mul3A_193, %dma_start3A] : memref<10000x128xf32, #tpu.memory_space<vmem_shared>> -> memref<80x128xf32, #tpu.memory_space<vmem_shared>>
        %dma_start3A_195 = arith.constant 0 : i32
        %dma_start3A_196 = tpu.memref_slice %arg7[%mul3A_193, %dma_start3A_195] : memref<10000x128xf32, #tpu.memory_space<vmem_shared>> -> memref<80x128xf32, #tpu.memory_space<vmem_shared>>
        tpu.enqueue_dma source(%arg11 : memref<80x128xf32, #tpu.memory_space<vmem>>) target(%dma_start3A_196 : memref<80x128xf32, #tpu.memory_space<vmem_shared>>) target_semaphore(%run_scoped3A : memref<!tpu.dma_semaphore, #tpu.memory_space<semaphore_mem>>)
        %dma_wait3A = arith.constant 0 : i32
        %dma_wait3A_197 = tpu.memref_slice %arg7[%mul3A_193, %dma_wait3A] : memref<10000x128xf32, #tpu.memory_space<vmem_shared>> -> memref<80x128xf32, #tpu.memory_space<vmem_shared>>
        %dma_wait3A_198 = arith.constant 0 : i32
        %dma_wait3A_199 = tpu.memref_slice %arg7[%mul3A_193, %dma_wait3A_198] : memref<10000x128xf32, #tpu.memory_space<vmem_shared>> -> memref<80x128xf32, #tpu.memory_space<vmem_shared>>
        tpu.wait_dma2 semaphore(%run_scoped3A : memref<!tpu.dma_semaphore, #tpu.memory_space<semaphore_mem>>) src(%arg11 : memref<80x128xf32, #tpu.memory_space<vmem>>) dst(%dma_wait3A_199 : memref<80x128xf32, #tpu.memory_space<vmem_shared>>)
        tpu.yield
      }) : () -> ()
    } else {
    }
    %add3A_17 = arith.constant 32 : i32
    %add3A_18 = arith.addi %arg1, %add3A_17 : i32
    %lt3A_19 = arith.constant 125 : i32
    %lt3A_20 = arith.cmpi slt, %add3A_18, %lt3A_19 : i32
    %convert_element_type3A_21 = arith.extui %lt3A_20 : i1 to i32
    %cond3A_22 = arith.constant 0 : i32
    %cond3A_23 = arith.cmpi ne, %convert_element_type3A_21, %cond3A_22 : i32
    scf.if %cond3A_23 {
      %mul3A_192 = arith.constant 80 : i32
      %mul3A_193 = arith.muli %add3A_18, %mul3A_192 : i32
      "tpu.region"() ({
        %run_scoped3A = tpu.sem_alloc : memref<!tpu.dma_semaphore, #tpu.memory_space<semaphore_mem>>
        %dma_start3A = arith.constant 0 : i32
        %dma_start3A_194 = tpu.memref_slice %arg7[%mul3A_193, %dma_start3A] : memref<10000x128xf32, #tpu.memory_space<vmem_shared>> -> memref<80x128xf32, #tpu.memory_space<vmem_shared>>
        %dma_start3A_195 = arith.constant 0 : i32
        %dma_start3A_196 = tpu.memref_slice %arg7[%mul3A_193, %dma_start3A_195] : memref<10000x128xf32, #tpu.memory_space<vmem_shared>> -> memref<80x128xf32, #tpu.memory_space<vmem_shared>>
        tpu.enqueue_dma source(%arg11 : memref<80x128xf32, #tpu.memory_space<vmem>>) target(%dma_start3A_196 : memref<80x128xf32, #tpu.memory_space<vmem_shared>>) target_semaphore(%run_scoped3A : memref<!tpu.dma_semaphore, #tpu.memory_space<semaphore_mem>>)
        %dma_wait3A = arith.constant 0 : i32
        %dma_wait3A_197 = tpu.memref_slice %arg7[%mul3A_193, %dma_wait3A] : memref<10000x128xf32, #tpu.memory_space<vmem_shared>> -> memref<80x128xf32, #tpu.memory_space<vmem_shared>>
        %dma_wait3A_198 = arith.constant 0 : i32
        %dma_wait3A_199 = tpu.memref_slice %arg7[%mul3A_193, %dma_wait3A_198] : memref<10000x128xf32, #tpu.memory_space<vmem_shared>> -> memref<80x128xf32, #tpu.memory_space<vmem_shared>>
        tpu.wait_dma2 semaphore(%run_scoped3A : memref<!tpu.dma_semaphore, #tpu.memory_space<semaphore_mem>>) src(%arg11 : memref<80x128xf32, #tpu.memory_space<vmem>>) dst(%dma_wait3A_199 : memref<80x128xf32, #tpu.memory_space<vmem_shared>>)
        tpu.yield
      }) : () -> ()
    } else {
    }
    %add3A_24 = arith.constant 48 : i32
    %add3A_25 = arith.addi %arg1, %add3A_24 : i32
    %lt3A_26 = arith.constant 125 : i32
    %lt3A_27 = arith.cmpi slt, %add3A_25, %lt3A_26 : i32
    %convert_element_type3A_28 = arith.extui %lt3A_27 : i1 to i32
    %cond3A_29 = arith.constant 0 : i32
    %cond3A_30 = arith.cmpi ne, %convert_element_type3A_28, %cond3A_29 : i32
    scf.if %cond3A_30 {
      %mul3A_192 = arith.constant 80 : i32
      %mul3A_193 = arith.muli %add3A_25, %mul3A_192 : i32
      "tpu.region"() ({
        %run_scoped3A = tpu.sem_alloc : memref<!tpu.dma_semaphore, #tpu.memory_space<semaphore_mem>>
        %dma_start3A = arith.constant 0 : i32
        %dma_start3A_194 = tpu.memref_slice %arg7[%mul3A_193, %dma_start3A] : memref<10000x128xf32, #tpu.memory_space<vmem_shared>> -> memref<80x128xf32, #tpu.memory_space<vmem_shared>>
        %dma_start3A_195 = arith.constant 0 : i32
        %dma_start3A_196 = tpu.memref_slice %arg7[%mul3A_193, %dma_start3A_195] : memref<10000x128xf32, #tpu.memory_space<vmem_shared>> -> memref<80x128xf32, #tpu.memory_space<vmem_shared>>
        tpu.enqueue_dma source(%arg11 : memref<80x128xf32, #tpu.memory_space<vmem>>) target(%dma_start3A_196 : memref<80x128xf32, #tpu.memory_space<vmem_shared>>) target_semaphore(%run_scoped3A : memref<!tpu.dma_semaphore, #tpu.memory_space<semaphore_mem>>)
        %dma_wait3A = arith.constant 0 : i32
        %dma_wait3A_197 = tpu.memref_slice %arg7[%mul3A_193, %dma_wait3A] : memref<10000x128xf32, #tpu.memory_space<vmem_shared>> -> memref<80x128xf32, #tpu.memory_space<vmem_shared>>
        %dma_wait3A_198 = arith.constant 0 : i32
        %dma_wait3A_199 = tpu.memref_slice %arg7[%mul3A_193, %dma_wait3A_198] : memref<10000x128xf32, #tpu.memory_space<vmem_shared>> -> memref<80x128xf32, #tpu.memory_space<vmem_shared>>
        tpu.wait_dma2 semaphore(%run_scoped3A : memref<!tpu.dma_semaphore, #tpu.memory_space<semaphore_mem>>) src(%arg11 : memref<80x128xf32, #tpu.memory_space<vmem>>) dst(%dma_wait3A_199 : memref<80x128xf32, #tpu.memory_space<vmem_shared>>)
        tpu.yield
      }) : () -> ()
    } else {
    }
    %add3A_31 = arith.constant 64 : i32
    %add3A_32 = arith.addi %arg1, %add3A_31 : i32
    %lt3A_33 = arith.constant 125 : i32
    %lt3A_34 = arith.cmpi slt, %add3A_32, %lt3A_33 : i32
    %convert_element_type3A_35 = arith.extui %lt3A_34 : i1 to i32
    %cond3A_36 = arith.constant 0 : i32
    %cond3A_37 = arith.cmpi ne, %convert_element_type3A_35, %cond3A_36 : i32
    scf.if %cond3A_37 {
      %mul3A_192 = arith.constant 80 : i32
      %mul3A_193 = arith.muli %add3A_32, %mul3A_192 : i32
      "tpu.region"() ({
        %run_scoped3A = tpu.sem_alloc : memref<!tpu.dma_semaphore, #tpu.memory_space<semaphore_mem>>
        %dma_start3A = arith.constant 0 : i32
        %dma_start3A_194 = tpu.memref_slice %arg7[%mul3A_193, %dma_start3A] : memref<10000x128xf32, #tpu.memory_space<vmem_shared>> -> memref<80x128xf32, #tpu.memory_space<vmem_shared>>
        %dma_start3A_195 = arith.constant 0 : i32
        %dma_start3A_196 = tpu.memref_slice %arg7[%mul3A_193, %dma_start3A_195] : memref<10000x128xf32, #tpu.memory_space<vmem_shared>> -> memref<80x128xf32, #tpu.memory_space<vmem_shared>>
        tpu.enqueue_dma source(%arg11 : memref<80x128xf32, #tpu.memory_space<vmem>>) target(%dma_start3A_196 : memref<80x128xf32, #tpu.memory_space<vmem_shared>>) target_semaphore(%run_scoped3A : memref<!tpu.dma_semaphore, #tpu.memory_space<semaphore_mem>>)
        %dma_wait3A = arith.constant 0 : i32
        %dma_wait3A_197 = tpu.memref_slice %arg7[%mul3A_193, %dma_wait3A] : memref<10000x128xf32, #tpu.memory_space<vmem_shared>> -> memref<80x128xf32, #tpu.memory_space<vmem_shared>>
        %dma_wait3A_198 = arith.constant 0 : i32
        %dma_wait3A_199 = tpu.memref_slice %arg7[%mul3A_193, %dma_wait3A_198] : memref<10000x128xf32, #tpu.memory_space<vmem_shared>> -> memref<80x128xf32, #tpu.memory_space<vmem_shared>>
        tpu.wait_dma2 semaphore(%run_scoped3A : memref<!tpu.dma_semaphore, #tpu.memory_space<semaphore_mem>>) src(%arg11 : memref<80x128xf32, #tpu.memory_space<vmem>>) dst(%dma_wait3A_199 : memref<80x128xf32, #tpu.memory_space<vmem_shared>>)
        tpu.yield
      }) : () -> ()
    } else {
    }
    %add3A_38 = arith.constant 80 : i32
    %add3A_39 = arith.addi %arg1, %add3A_38 : i32
    %lt3A_40 = arith.constant 125 : i32
    %lt3A_41 = arith.cmpi slt, %add3A_39, %lt3A_40 : i32
    %convert_element_type3A_42 = arith.extui %lt3A_41 : i1 to i32
    %cond3A_43 = arith.constant 0 : i32
    %cond3A_44 = arith.cmpi ne, %convert_element_type3A_42, %cond3A_43 : i32
    scf.if %cond3A_44 {
      %mul3A_192 = arith.constant 80 : i32
      %mul3A_193 = arith.muli %add3A_39, %mul3A_192 : i32
      "tpu.region"() ({
        %run_scoped3A = tpu.sem_alloc : memref<!tpu.dma_semaphore, #tpu.memory_space<semaphore_mem>>
        %dma_start3A = arith.constant 0 : i32
        %dma_start3A_194 = tpu.memref_slice %arg7[%mul3A_193, %dma_start3A] : memref<10000x128xf32, #tpu.memory_space<vmem_shared>> -> memref<80x128xf32, #tpu.memory_space<vmem_shared>>
        %dma_start3A_195 = arith.constant 0 : i32
        %dma_start3A_196 = tpu.memref_slice %arg7[%mul3A_193, %dma_start3A_195] : memref<10000x128xf32, #tpu.memory_space<vmem_shared>> -> memref<80x128xf32, #tpu.memory_space<vmem_shared>>
        tpu.enqueue_dma source(%arg11 : memref<80x128xf32, #tpu.memory_space<vmem>>) target(%dma_start3A_196 : memref<80x128xf32, #tpu.memory_space<vmem_shared>>) target_semaphore(%run_scoped3A : memref<!tpu.dma_semaphore, #tpu.memory_space<semaphore_mem>>)
        %dma_wait3A = arith.constant 0 : i32
        %dma_wait3A_197 = tpu.memref_slice %arg7[%mul3A_193, %dma_wait3A] : memref<10000x128xf32, #tpu.memory_space<vmem_shared>> -> memref<80x128xf32, #tpu.memory_space<vmem_shared>>
        %dma_wait3A_198 = arith.constant 0 : i32
        %dma_wait3A_199 = tpu.memref_slice %arg7[%mul3A_193, %dma_wait3A_198] : memref<10000x128xf32, #tpu.memory_space<vmem_shared>> -> memref<80x128xf32, #tpu.memory_space<vmem_shared>>
        tpu.wait_dma2 semaphore(%run_scoped3A : memref<!tpu.dma_semaphore, #tpu.memory_space<semaphore_mem>>) src(%arg11 : memref<80x128xf32, #tpu.memory_space<vmem>>) dst(%dma_wait3A_199 : memref<80x128xf32, #tpu.memory_space<vmem_shared>>)
        tpu.yield
      }) : () -> ()
    } else {
    }
    %add3A_45 = arith.constant 96 : i32
    %add3A_46 = arith.addi %arg1, %add3A_45 : i32
    %lt3A_47 = arith.constant 125 : i32
    %lt3A_48 = arith.cmpi slt, %add3A_46, %lt3A_47 : i32
    %convert_element_type3A_49 = arith.extui %lt3A_48 : i1 to i32
    %cond3A_50 = arith.constant 0 : i32
    %cond3A_51 = arith.cmpi ne, %convert_element_type3A_49, %cond3A_50 : i32
    scf.if %cond3A_51 {
      %mul3A_192 = arith.constant 80 : i32
      %mul3A_193 = arith.muli %add3A_46, %mul3A_192 : i32
      "tpu.region"() ({
        %run_scoped3A = tpu.sem_alloc : memref<!tpu.dma_semaphore, #tpu.memory_space<semaphore_mem>>
        %dma_start3A = arith.constant 0 : i32
        %dma_start3A_194 = tpu.memref_slice %arg7[%mul3A_193, %dma_start3A] : memref<10000x128xf32, #tpu.memory_space<vmem_shared>> -> memref<80x128xf32, #tpu.memory_space<vmem_shared>>
        %dma_start3A_195 = arith.constant 0 : i32
        %dma_start3A_196 = tpu.memref_slice %arg7[%mul3A_193, %dma_start3A_195] : memref<10000x128xf32, #tpu.memory_space<vmem_shared>> -> memref<80x128xf32, #tpu.memory_space<vmem_shared>>
        tpu.enqueue_dma source(%arg11 : memref<80x128xf32, #tpu.memory_space<vmem>>) target(%dma_start3A_196 : memref<80x128xf32, #tpu.memory_space<vmem_shared>>) target_semaphore(%run_scoped3A : memref<!tpu.dma_semaphore, #tpu.memory_space<semaphore_mem>>)
        %dma_wait3A = arith.constant 0 : i32
        %dma_wait3A_197 = tpu.memref_slice %arg7[%mul3A_193, %dma_wait3A] : memref<10000x128xf32, #tpu.memory_space<vmem_shared>> -> memref<80x128xf32, #tpu.memory_space<vmem_shared>>
        %dma_wait3A_198 = arith.constant 0 : i32
        %dma_wait3A_199 = tpu.memref_slice %arg7[%mul3A_193, %dma_wait3A_198] : memref<10000x128xf32, #tpu.memory_space<vmem_shared>> -> memref<80x128xf32, #tpu.memory_space<vmem_shared>>
        tpu.wait_dma2 semaphore(%run_scoped3A : memref<!tpu.dma_semaphore, #tpu.memory_space<semaphore_mem>>) src(%arg11 : memref<80x128xf32, #tpu.memory_space<vmem>>) dst(%dma_wait3A_199 : memref<80x128xf32, #tpu.memory_space<vmem_shared>>)
        tpu.yield
      }) : () -> ()
    } else {
    }
    %add3A_52 = arith.constant 112 : i32
    %add3A_53 = arith.addi %arg1, %add3A_52 : i32
    %lt3A_54 = arith.constant 125 : i32
    %lt3A_55 = arith.cmpi slt, %add3A_53, %lt3A_54 : i32
    %convert_element_type3A_56 = arith.extui %lt3A_55 : i1 to i32
    %cond3A_57 = arith.constant 0 : i32
    %cond3A_58 = arith.cmpi ne, %convert_element_type3A_56, %cond3A_57 : i32
    scf.if %cond3A_58 {
      %mul3A_192 = arith.constant 80 : i32
      %mul3A_193 = arith.muli %add3A_53, %mul3A_192 : i32
      "tpu.region"() ({
        %run_scoped3A = tpu.sem_alloc : memref<!tpu.dma_semaphore, #tpu.memory_space<semaphore_mem>>
        %dma_start3A = arith.constant 0 : i32
        %dma_start3A_194 = tpu.memref_slice %arg7[%mul3A_193, %dma_start3A] : memref<10000x128xf32, #tpu.memory_space<vmem_shared>> -> memref<80x128xf32, #tpu.memory_space<vmem_shared>>
        %dma_start3A_195 = arith.constant 0 : i32
        %dma_start3A_196 = tpu.memref_slice %arg7[%mul3A_193, %dma_start3A_195] : memref<10000x128xf32, #tpu.memory_space<vmem_shared>> -> memref<80x128xf32, #tpu.memory_space<vmem_shared>>
        tpu.enqueue_dma source(%arg11 : memref<80x128xf32, #tpu.memory_space<vmem>>) target(%dma_start3A_196 : memref<80x128xf32, #tpu.memory_space<vmem_shared>>) target_semaphore(%run_scoped3A : memref<!tpu.dma_semaphore, #tpu.memory_space<semaphore_mem>>)
        %dma_wait3A = arith.constant 0 : i32
        %dma_wait3A_197 = tpu.memref_slice %arg7[%mul3A_193, %dma_wait3A] : memref<10000x128xf32, #tpu.memory_space<vmem_shared>> -> memref<80x128xf32, #tpu.memory_space<vmem_shared>>
        %dma_wait3A_198 = arith.constant 0 : i32
        %dma_wait3A_199 = tpu.memref_slice %arg7[%mul3A_193, %dma_wait3A_198] : memref<10000x128xf32, #tpu.memory_space<vmem_shared>> -> memref<80x128xf32, #tpu.memory_space<vmem_shared>>
        tpu.wait_dma2 semaphore(%run_scoped3A : memref<!tpu.dma_semaphore, #tpu.memory_space<semaphore_mem>>) src(%arg11 : memref<80x128xf32, #tpu.memory_space<vmem>>) dst(%dma_wait3A_199 : memref<80x128xf32, #tpu.memory_space<vmem_shared>>)
        tpu.yield
      }) : () -> ()
    } else {
    }
    %scan3A_59 = arith.constant 0 : i32
    %scan3A_60 = arith.constant 0 : i32
    %scan3A_61 = arith.constant 125 : i32
    %scan3A_62 = arith.addi %scan3A_60, %scan3A_61 : i32
    %scan3A_63 = arith.constant 1 : i32
    scf.for %scan3A_192 = %scan3A_60 to %scan3A_62 step %scan3A_63  : i32 {
      %broadcast_in_dim3A_193 = arith.constant 0.000000e+00 : f32
      %broadcast_in_dim3A_194 = vector.broadcast %broadcast_in_dim3A_193 : f32 to vector<16xf32>
      %mul3A_195 = arith.constant 16 : i32
      %mul3A_196 = arith.muli %scan3A_192, %mul3A_195 : i32
      %swap3A_197 = arith.index_cast %mul3A_196 : i32 to index
      %swap3A_198 = tpu.vector_load %arg15[%swap3A_197] {strides = array<i32>} : memref<2000xf32, #tpu.memory_space<vmem>>, vector<16xf32>,
      %swap3A_199 = vector.shape_cast %swap3A_198 : vector<16xf32> to vector<16xf32>
      %swap3A_200 = vector.shape_cast %broadcast_in_dim3A_194 : vector<16xf32> to vector<16xf32>
      tpu.vector_store %arg15[%swap3A_197], %swap3A_200 {strides = array<i32>} : memref<2000xf32, #tpu.memory_space<vmem>>, vector<16xf32>,
    }
    %scan3A_64 = arith.constant 125 : i32
    %lt3A_65 = arith.constant 5 : i32
    %lt3A_66 = arith.cmpi slt, %arg1, %lt3A_65 : i32
    %convert_element_type3A_67 = arith.extui %lt3A_66 : i1 to i32
    %cond3A_68 = arith.constant 0 : i32
    %cond3A_69 = arith.cmpi ne, %convert_element_type3A_67, %cond3A_68 : i32
    scf.if %cond3A_69 {
      %mul3A_192 = arith.constant 2000 : i32
      %mul3A_193 = arith.muli %arg1, %mul3A_192 : i32
      "tpu.region"() ({
        %run_scoped3A = tpu.sem_alloc : memref<!tpu.dma_semaphore, #tpu.memory_space<semaphore_mem>>
        %dma_start3A = tpu.memref_slice %arg13[%mul3A_193] : memref<10000xf32, #tpu.memory_space<vmem_shared>> -> memref<2000xf32, #tpu.memory_space<vmem_shared>>
        %dma_start3A_194 = tpu.memref_slice %arg13[%mul3A_193] : memref<10000xf32, #tpu.memory_space<vmem_shared>> -> memref<2000xf32, #tpu.memory_space<vmem_shared>>
        tpu.enqueue_dma source(%arg15 : memref<2000xf32, #tpu.memory_space<vmem>>) target(%dma_start3A_194 : memref<2000xf32, #tpu.memory_space<vmem_shared>>) target_semaphore(%run_scoped3A : memref<!tpu.dma_semaphore, #tpu.memory_space<semaphore_mem>>)
        %dma_wait3A = tpu.memref_slice %arg13[%mul3A_193] : memref<10000xf32, #tpu.memory_space<vmem_shared>> -> memref<2000xf32, #tpu.memory_space<vmem_shared>>
        %dma_wait3A_195 = tpu.memref_slice %arg13[%mul3A_193] : memref<10000xf32, #tpu.memory_space<vmem_shared>> -> memref<2000xf32, #tpu.memory_space<vmem_shared>>
        tpu.wait_dma2 semaphore(%run_scoped3A : memref<!tpu.dma_semaphore, #tpu.memory_space<semaphore_mem>>) src(%arg15 : memref<2000xf32, #tpu.memory_space<vmem>>) dst(%dma_wait3A_195 : memref<2000xf32, #tpu.memory_space<vmem_shared>>)
        tpu.yield
      }) : () -> ()
    } else {
    }
    %broadcast_in_dim3A = arith.constant 1.000000e+00 : f32
    %broadcast_in_dim3A_70 = vector.broadcast %broadcast_in_dim3A : f32 to vector<16xf32>
    %swap3A = arith.constant 0 : index
    %swap3A_71 = tpu.vector_load %arg14[%swap3A] {strides = array<i32>} : memref<128xf32, #tpu.memory_space<vmem>>, vector<16xf32>,
    %swap3A_72 = vector.shape_cast %swap3A_71 : vector<16xf32> to vector<16xf32>
    %swap3A_73 = vector.shape_cast %broadcast_in_dim3A_70 : vector<16xf32> to vector<16xf32>
    tpu.vector_store %arg14[%swap3A], %swap3A_73 {strides = array<i32>} : memref<128xf32, #tpu.memory_space<vmem>>, vector<16xf32>,
    %broadcast_in_dim3A_74 = arith.constant 1.000000e+00 : f32
    %broadcast_in_dim3A_75 = vector.broadcast %broadcast_in_dim3A_74 : f32 to vector<16xf32>
    %swap3A_76 = arith.constant 16 : index
    %swap3A_77 = tpu.vector_load %arg14[%swap3A_76] {strides = array<i32>} : memref<128xf32, #tpu.memory_space<vmem>>, vector<16xf32>,
    %swap3A_78 = vector.shape_cast %swap3A_77 : vector<16xf32> to vector<16xf32>
    %swap3A_79 = vector.shape_cast %broadcast_in_dim3A_75 : vector<16xf32> to vector<16xf32>
    tpu.vector_store %arg14[%swap3A_76], %swap3A_79 {strides = array<i32>} : memref<128xf32, #tpu.memory_space<vmem>>, vector<16xf32>,
    %broadcast_in_dim3A_80 = arith.constant 1.000000e+00 : f32
    %broadcast_in_dim3A_81 = vector.broadcast %broadcast_in_dim3A_80 : f32 to vector<16xf32>
    %swap3A_82 = arith.constant 32 : index
    %swap3A_83 = tpu.vector_load %arg14[%swap3A_82] {strides = array<i32>} : memref<128xf32, #tpu.memory_space<vmem>>, vector<16xf32>,
    %swap3A_84 = vector.shape_cast %swap3A_83 : vector<16xf32> to vector<16xf32>
    %swap3A_85 = vector.shape_cast %broadcast_in_dim3A_81 : vector<16xf32> to vector<16xf32>
    tpu.vector_store %arg14[%swap3A_82], %swap3A_85 {strides = array<i32>} : memref<128xf32, #tpu.memory_space<vmem>>, vector<16xf32>,
    %broadcast_in_dim3A_86 = arith.constant 1.000000e+00 : f32
    %broadcast_in_dim3A_87 = vector.broadcast %broadcast_in_dim3A_86 : f32 to vector<16xf32>
    %swap3A_88 = arith.constant 48 : index
    %swap3A_89 = tpu.vector_load %arg14[%swap3A_88] {strides = array<i32>} : memref<128xf32, #tpu.memory_space<vmem>>, vector<16xf32>,
    %swap3A_90 = vector.shape_cast %swap3A_89 : vector<16xf32> to vector<16xf32>
    %swap3A_91 = vector.shape_cast %broadcast_in_dim3A_87 : vector<16xf32> to vector<16xf32>
    tpu.vector_store %arg14[%swap3A_88], %swap3A_91 {strides = array<i32>} : memref<128xf32, #tpu.memory_space<vmem>>, vector<16xf32>,
    %broadcast_in_dim3A_92 = arith.constant 1.000000e+00 : f32
    %broadcast_in_dim3A_93 = vector.broadcast %broadcast_in_dim3A_92 : f32 to vector<16xf32>
    %swap3A_94 = arith.constant 64 : index
    %swap3A_95 = tpu.vector_load %arg14[%swap3A_94] {strides = array<i32>} : memref<128xf32, #tpu.memory_space<vmem>>, vector<16xf32>,
    %swap3A_96 = vector.shape_cast %swap3A_95 : vector<16xf32> to vector<16xf32>
    %swap3A_97 = vector.shape_cast %broadcast_in_dim3A_93 : vector<16xf32> to vector<16xf32>
    tpu.vector_store %arg14[%swap3A_94], %swap3A_97 {strides = array<i32>} : memref<128xf32, #tpu.memory_space<vmem>>, vector<16xf32>,
    %broadcast_in_dim3A_98 = arith.constant 1.000000e+00 : f32
    %broadcast_in_dim3A_99 = vector.broadcast %broadcast_in_dim3A_98 : f32 to vector<16xf32>
    %swap3A_100 = arith.constant 80 : index
    %swap3A_101 = tpu.vector_load %arg14[%swap3A_100] {strides = array<i32>} : memref<128xf32, #tpu.memory_space<vmem>>, vector<16xf32>,
    %swap3A_102 = vector.shape_cast %swap3A_101 : vector<16xf32> to vector<16xf32>
    %swap3A_103 = vector.shape_cast %broadcast_in_dim3A_99 : vector<16xf32> to vector<16xf32>
    tpu.vector_store %arg14[%swap3A_100], %swap3A_103 {strides = array<i32>} : memref<128xf32, #tpu.memory_space<vmem>>, vector<16xf32>,
    %broadcast_in_dim3A_104 = arith.constant 1.000000e+00 : f32
    %broadcast_in_dim3A_105 = vector.broadcast %broadcast_in_dim3A_104 : f32 to vector<16xf32>
    %swap3A_106 = arith.constant 96 : index
    %swap3A_107 = tpu.vector_load %arg14[%swap3A_106] {strides = array<i32>} : memref<128xf32, #tpu.memory_space<vmem>>, vector<16xf32>,
    %swap3A_108 = vector.shape_cast %swap3A_107 : vector<16xf32> to vector<16xf32>
    %swap3A_109 = vector.shape_cast %broadcast_in_dim3A_105 : vector<16xf32> to vector<16xf32>
    tpu.vector_store %arg14[%swap3A_106], %swap3A_109 {strides = array<i32>} : memref<128xf32, #tpu.memory_space<vmem>>, vector<16xf32>,
    %broadcast_in_dim3A_110 = arith.constant 1.000000e+00 : f32
    %broadcast_in_dim3A_111 = vector.broadcast %broadcast_in_dim3A_110 : f32 to vector<16xf32>
    %swap3A_112 = arith.constant 112 : index
    %swap3A_113 = tpu.vector_load %arg14[%swap3A_112] {strides = array<i32>} : memref<128xf32, #tpu.memory_space<vmem>>, vector<16xf32>,
    %swap3A_114 = vector.shape_cast %swap3A_113 : vector<16xf32> to vector<16xf32>
    %swap3A_115 = vector.shape_cast %broadcast_in_dim3A_111 : vector<16xf32> to vector<16xf32>
    tpu.vector_store %arg14[%swap3A_112], %swap3A_115 {strides = array<i32>} : memref<128xf32, #tpu.memory_space<vmem>>, vector<16xf32>,
    %barrier3A = arith.constant 0 : index
    tpu.barrier barrier_id(%barrier3A)
    %lt3A_116 = arith.constant 4 : i32
    %lt3A_117 = arith.cmpi slt, %add3A, %lt3A_116 : i32
    %jit3A = arith.constant 1 : i32
    %jit3A_118 = arith.constant 0 : i32
    %select_n3A = arith.select %lt3A_117, %jit3A, %jit3A_118 : i32
    %add3A_119 = arith.constant 78 : i32
    %add3A_120 = arith.addi %add3A_119, %select_n3A : i32
    %while3A = arith.constant 0 : i32
    %while3A_121 = arith.constant 0 : i32
    %while3A_122 = arith.subi %add3A_120, %while3A_121 : i32
    %while3A_123 = arith.addi %while3A_121, %while3A_122 : i32
    %while3A_124 = arith.constant 1 : i32
    %while3A_125 = arith.divsi %while3A_122, %while3A_124 : i32
    %while3A_126 = arith.muli %while3A_125, %while3A_124 : i32
    %while3A_127 = arith.addi %while3A_121, %while3A_126 : i32
    %while3A_128 = arith.constant 1 : i32
    scf.for %while3A_192 = %while3A_121 to %while3A_127 step %while3A_128  : i32 {
      %mul3A_193 = arith.constant 32 : i32
      %mul3A_194 = arith.muli %while3A_192, %mul3A_193 : i32
      %add3A_195 = arith.addi %add3A, %mul3A_194 : i32
      %mul3A_196 = arith.constant 128 : i32
      %mul3A_197 = arith.muli %add3A_195, %mul3A_196 : i32
      "tpu.region"() ({
        %run_scoped3A = tpu.sem_alloc : memref<!tpu.dma_semaphore, #tpu.memory_space<semaphore_mem>>
        %dma_start3A_202 = tpu.memref_slice %arg3[%mul3A_197] : memref<320000xi32, #tpu.memory_space<hbm>> -> memref<128xi32, #tpu.memory_space<hbm>>
        %dma_start3A_203 = tpu.memref_slice %arg3[%mul3A_197] : memref<320000xi32, #tpu.memory_space<hbm>> -> memref<128xi32, #tpu.memory_space<hbm>>
        tpu.enqueue_dma source(%dma_start3A_203 : memref<128xi32, #tpu.memory_space<hbm>>) target(%arg8 : memref<128xi32, #tpu.memory_space<vmem>>) target_semaphore(%run_scoped3A : memref<!tpu.dma_semaphore, #tpu.memory_space<semaphore_mem>>)
        %dma_wait3A_204 = tpu.memref_slice %arg3[%mul3A_197] : memref<320000xi32, #tpu.memory_space<hbm>> -> memref<128xi32, #tpu.memory_space<hbm>>
        %dma_wait3A_205 = tpu.memref_slice %arg3[%mul3A_197] : memref<320000xi32, #tpu.memory_space<hbm>> -> memref<128xi32, #tpu.memory_space<hbm>>
        tpu.wait_dma2 semaphore(%run_scoped3A : memref<!tpu.dma_semaphore, #tpu.memory_space<semaphore_mem>>) src(%dma_wait3A_205 : memref<128xi32, #tpu.memory_space<hbm>>) dst(%arg8 : memref<128xi32, #tpu.memory_space<vmem>>)
        tpu.yield
      }) : () -> ()
      "tpu.region"() ({
        %run_scoped3A = tpu.sem_alloc : memref<!tpu.dma_semaphore, #tpu.memory_space<semaphore_mem>>
        %dma_start3A_202 = tpu.memref_slice %arg4[%mul3A_197] : memref<320000xi32, #tpu.memory_space<hbm>> -> memref<128xi32, #tpu.memory_space<hbm>>
        %dma_start3A_203 = tpu.memref_slice %arg4[%mul3A_197] : memref<320000xi32, #tpu.memory_space<hbm>> -> memref<128xi32, #tpu.memory_space<hbm>>
        tpu.enqueue_dma source(%dma_start3A_203 : memref<128xi32, #tpu.memory_space<hbm>>) target(%arg9 : memref<128xi32, #tpu.memory_space<vmem>>) target_semaphore(%run_scoped3A : memref<!tpu.dma_semaphore, #tpu.memory_space<semaphore_mem>>)
        %dma_wait3A_204 = tpu.memref_slice %arg4[%mul3A_197] : memref<320000xi32, #tpu.memory_space<hbm>> -> memref<128xi32, #tpu.memory_space<hbm>>
        %dma_wait3A_205 = tpu.memref_slice %arg4[%mul3A_197] : memref<320000xi32, #tpu.memory_space<hbm>> -> memref<128xi32, #tpu.memory_space<hbm>>
        tpu.wait_dma2 semaphore(%run_scoped3A : memref<!tpu.dma_semaphore, #tpu.memory_space<semaphore_mem>>) src(%dma_wait3A_205 : memref<128xi32, #tpu.memory_space<hbm>>) dst(%arg9 : memref<128xi32, #tpu.memory_space<vmem>>)
        tpu.yield
      }) : () -> ()
      %dma_start3A = arith.constant 0 : i32
      %dma_start3A_198 = arith.constant 0 : i32
      %dma_start3A_199 = tpu.memref_slice %arg2[%dma_start3A, %dma_start3A_198] : memref<10000x128xf32, #tpu.memory_space<hbm>> -> memref<10000x128xf32, #tpu.memory_space<hbm>>
      tpu.enqueue_indirect_dma source(%dma_start3A_199 : memref<10000x128xf32, #tpu.memory_space<hbm>>) target(%arg10 : memref<128x128xf32, #tpu.memory_space<vmem>>) offsets(%arg8 : memref<128xi32, #tpu.memory_space<vmem>>) semaphore(%arg12 : memref<!tpu.dma_semaphore, #tpu.memory_space<semaphore_mem>>)
      %dma_wait3A = arith.constant 0 : i32
      %dma_wait3A_200 = arith.constant 0 : i32
      %dma_wait3A_201 = tpu.memref_slice %arg2[%dma_wait3A, %dma_wait3A_200] : memref<10000x128xf32, #tpu.memory_space<hbm>> -> memref<10000x128xf32, #tpu.memory_space<hbm>>
      tpu.wait_indirect_dma semaphore(%arg12 : memref<!tpu.dma_semaphore, #tpu.memory_space<semaphore_mem>>) src(%dma_wait3A_201 : memref<10000x128xf32, #tpu.memory_space<hbm>>) dst(%arg10 : memref<128x128xf32, #tpu.memory_space<vmem>>)
      "tpu.region"() ({
        %run_scoped3A = tpu.sem_alloc : memref<!tpu.dma_semaphore, #tpu.memory_space<semaphore_mem>>
        %dma_start3A_202 = arith.constant 0 : i32
        %dma_start3A_203 = arith.constant 0 : i32
        %dma_start3A_204 = tpu.memref_slice %arg7[%dma_start3A_202, %dma_start3A_203] : memref<10000x128xf32, #tpu.memory_space<vmem_shared>> -> memref<10000x128xf32, #tpu.memory_space<vmem_shared>>
        tpu.enqueue_indirect_dma source(%arg10 : memref<128x128xf32, #tpu.memory_space<vmem>>) target(%dma_start3A_204 : memref<10000x128xf32, #tpu.memory_space<vmem_shared>>) offsets(%arg9 : memref<128xi32, #tpu.memory_space<vmem>>) semaphore(%run_scoped3A : memref<!tpu.dma_semaphore, #tpu.memory_space<semaphore_mem>>) {add = true}
        %dma_wait3A_205 = arith.constant 0 : i32
        %dma_wait3A_206 = arith.constant 0 : i32
        %dma_wait3A_207 = tpu.memref_slice %arg7[%dma_wait3A_205, %dma_wait3A_206] : memref<10000x128xf32, #tpu.memory_space<vmem_shared>> -> memref<10000x128xf32, #tpu.memory_space<vmem_shared>>
        tpu.wait_indirect_dma semaphore(%run_scoped3A : memref<!tpu.dma_semaphore, #tpu.memory_space<semaphore_mem>>) src(%arg10 : memref<128x128xf32, #tpu.memory_space<vmem>>) dst(%dma_wait3A_207 : memref<10000x128xf32, #tpu.memory_space<vmem_shared>>)
        tpu.yield
      }) : () -> ()
      "tpu.region"() ({
        %run_scoped3A = tpu.sem_alloc : memref<!tpu.dma_semaphore, #tpu.memory_space<semaphore_mem>>
        %dma_start3A_202 = arith.constant 0 : i32
        %dma_start3A_203 = tpu.memref_slice %arg13[%dma_start3A_202] : memref<10000xf32, #tpu.memory_space<vmem_shared>> -> memref<10000xf32, #tpu.memory_space<vmem_shared>>
        tpu.enqueue_indirect_dma source(%arg14 : memref<128xf32, #tpu.memory_space<vmem>>) target(%dma_start3A_203 : memref<10000xf32, #tpu.memory_space<vmem_shared>>) offsets(%arg9 : memref<128xi32, #tpu.memory_space<vmem>>) semaphore(%run_scoped3A : memref<!tpu.dma_semaphore, #tpu.memory_space<semaphore_mem>>) {add = true}
        %dma_wait3A_204 = arith.constant 0 : i32
        %dma_wait3A_205 = tpu.memref_slice %arg13[%dma_wait3A_204] : memref<10000xf32, #tpu.memory_space<vmem_shared>> -> memref<10000xf32, #tpu.memory_space<vmem_shared>>
        tpu.wait_indirect_dma semaphore(%run_scoped3A : memref<!tpu.dma_semaphore, #tpu.memory_space<semaphore_mem>>) src(%arg14 : memref<128xf32, #tpu.memory_space<vmem>>) dst(%dma_wait3A_205 : memref<10000xf32, #tpu.memory_space<vmem_shared>>)
        tpu.yield
      }) : () -> ()
    }
    %while3A_129 = arith.constant 1 : i32
    scf.for %while3A_192 = %while3A_127 to %while3A_123 step %while3A_129  : i32 {
      %mul3A_193 = arith.constant 32 : i32
      %mul3A_194 = arith.muli %while3A_192, %mul3A_193 : i32
      %add3A_195 = arith.addi %add3A, %mul3A_194 : i32
      %mul3A_196 = arith.constant 128 : i32
      %mul3A_197 = arith.muli %add3A_195, %mul3A_196 : i32
      "tpu.region"() ({
        %run_scoped3A = tpu.sem_alloc : memref<!tpu.dma_semaphore, #tpu.memory_space<semaphore_mem>>
        %dma_start3A_202 = tpu.memref_slice %arg3[%mul3A_197] : memref<320000xi32, #tpu.memory_space<hbm>> -> memref<128xi32, #tpu.memory_space<hbm>>
        %dma_start3A_203 = tpu.memref_slice %arg3[%mul3A_197] : memref<320000xi32, #tpu.memory_space<hbm>> -> memref<128xi32, #tpu.memory_space<hbm>>
        tpu.enqueue_dma source(%dma_start3A_203 : memref<128xi32, #tpu.memory_space<hbm>>) target(%arg8 : memref<128xi32, #tpu.memory_space<vmem>>) target_semaphore(%run_scoped3A : memref<!tpu.dma_semaphore, #tpu.memory_space<semaphore_mem>>)
        %dma_wait3A_204 = tpu.memref_slice %arg3[%mul3A_197] : memref<320000xi32, #tpu.memory_space<hbm>> -> memref<128xi32, #tpu.memory_space<hbm>>
        %dma_wait3A_205 = tpu.memref_slice %arg3[%mul3A_197] : memref<320000xi32, #tpu.memory_space<hbm>> -> memref<128xi32, #tpu.memory_space<hbm>>
        tpu.wait_dma2 semaphore(%run_scoped3A : memref<!tpu.dma_semaphore, #tpu.memory_space<semaphore_mem>>) src(%dma_wait3A_205 : memref<128xi32, #tpu.memory_space<hbm>>) dst(%arg8 : memref<128xi32, #tpu.memory_space<vmem>>)
        tpu.yield
      }) : () -> ()
      "tpu.region"() ({
        %run_scoped3A = tpu.sem_alloc : memref<!tpu.dma_semaphore, #tpu.memory_space<semaphore_mem>>
        %dma_start3A_202 = tpu.memref_slice %arg4[%mul3A_197] : memref<320000xi32, #tpu.memory_space<hbm>> -> memref<128xi32, #tpu.memory_space<hbm>>
        %dma_start3A_203 = tpu.memref_slice %arg4[%mul3A_197] : memref<320000xi32, #tpu.memory_space<hbm>> -> memref<128xi32, #tpu.memory_space<hbm>>
        tpu.enqueue_dma source(%dma_start3A_203 : memref<128xi32, #tpu.memory_space<hbm>>) target(%arg9 : memref<128xi32, #tpu.memory_space<vmem>>) target_semaphore(%run_scoped3A : memref<!tpu.dma_semaphore, #tpu.memory_space<semaphore_mem>>)
        %dma_wait3A_204 = tpu.memref_slice %arg4[%mul3A_197] : memref<320000xi32, #tpu.memory_space<hbm>> -> memref<128xi32, #tpu.memory_space<hbm>>
        %dma_wait3A_205 = tpu.memref_slice %arg4[%mul3A_197] : memref<320000xi32, #tpu.memory_space<hbm>> -> memref<128xi32, #tpu.memory_space<hbm>>
        tpu.wait_dma2 semaphore(%run_scoped3A : memref<!tpu.dma_semaphore, #tpu.memory_space<semaphore_mem>>) src(%dma_wait3A_205 : memref<128xi32, #tpu.memory_space<hbm>>) dst(%arg9 : memref<128xi32, #tpu.memory_space<vmem>>)
        tpu.yield
      }) : () -> ()
      %dma_start3A = arith.constant 0 : i32
      %dma_start3A_198 = arith.constant 0 : i32
      %dma_start3A_199 = tpu.memref_slice %arg2[%dma_start3A, %dma_start3A_198] : memref<10000x128xf32, #tpu.memory_space<hbm>> -> memref<10000x128xf32, #tpu.memory_space<hbm>>
      tpu.enqueue_indirect_dma source(%dma_start3A_199 : memref<10000x128xf32, #tpu.memory_space<hbm>>) target(%arg10 : memref<128x128xf32, #tpu.memory_space<vmem>>) offsets(%arg8 : memref<128xi32, #tpu.memory_space<vmem>>) semaphore(%arg12 : memref<!tpu.dma_semaphore, #tpu.memory_space<semaphore_mem>>)
      %dma_wait3A = arith.constant 0 : i32
      %dma_wait3A_200 = arith.constant 0 : i32
      %dma_wait3A_201 = tpu.memref_slice %arg2[%dma_wait3A, %dma_wait3A_200] : memref<10000x128xf32, #tpu.memory_space<hbm>> -> memref<10000x128xf32, #tpu.memory_space<hbm>>
      tpu.wait_indirect_dma semaphore(%arg12 : memref<!tpu.dma_semaphore, #tpu.memory_space<semaphore_mem>>) src(%dma_wait3A_201 : memref<10000x128xf32, #tpu.memory_space<hbm>>) dst(%arg10 : memref<128x128xf32, #tpu.memory_space<vmem>>)
      "tpu.region"() ({
        %run_scoped3A = tpu.sem_alloc : memref<!tpu.dma_semaphore, #tpu.memory_space<semaphore_mem>>
        %dma_start3A_202 = arith.constant 0 : i32
        %dma_start3A_203 = arith.constant 0 : i32
        %dma_start3A_204 = tpu.memref_slice %arg7[%dma_start3A_202, %dma_start3A_203] : memref<10000x128xf32, #tpu.memory_space<vmem_shared>> -> memref<10000x128xf32, #tpu.memory_space<vmem_shared>>
        tpu.enqueue_indirect_dma source(%arg10 : memref<128x128xf32, #tpu.memory_space<vmem>>) target(%dma_start3A_204 : memref<10000x128xf32, #tpu.memory_space<vmem_shared>>) offsets(%arg9 : memref<128xi32, #tpu.memory_space<vmem>>) semaphore(%run_scoped3A : memref<!tpu.dma_semaphore, #tpu.memory_space<semaphore_mem>>) {add = true}
        %dma_wait3A_205 = arith.constant 0 : i32
        %dma_wait3A_206 = arith.constant 0 : i32
        %dma_wait3A_207 = tpu.memref_slice %arg7[%dma_wait3A_205, %dma_wait3A_206] : memref<10000x128xf32, #tpu.memory_space<vmem_shared>> -> memref<10000x128xf32, #tpu.memory_space<vmem_shared>>
        tpu.wait_indirect_dma semaphore(%run_scoped3A : memref<!tpu.dma_semaphore, #tpu.memory_space<semaphore_mem>>) src(%arg10 : memref<128x128xf32, #tpu.memory_space<vmem>>) dst(%dma_wait3A_207 : memref<10000x128xf32, #tpu.memory_space<vmem_shared>>)
        tpu.yield
      }) : () -> ()
      "tpu.region"() ({
        %run_scoped3A = tpu.sem_alloc : memref<!tpu.dma_semaphore, #tpu.memory_space<semaphore_mem>>
        %dma_start3A_202 = arith.constant 0 : i32
        %dma_start3A_203 = tpu.memref_slice %arg13[%dma_start3A_202] : memref<10000xf32, #tpu.memory_space<vmem_shared>> -> memref<10000xf32, #tpu.memory_space<vmem_shared>>
        tpu.enqueue_indirect_dma source(%arg14 : memref<128xf32, #tpu.memory_space<vmem>>) target(%dma_start3A_203 : memref<10000xf32, #tpu.memory_space<vmem_shared>>) offsets(%arg9 : memref<128xi32, #tpu.memory_space<vmem>>) semaphore(%run_scoped3A : memref<!tpu.dma_semaphore, #tpu.memory_space<semaphore_mem>>) {add = true}
        %dma_wait3A_204 = arith.constant 0 : i32
        %dma_wait3A_205 = tpu.memref_slice %arg13[%dma_wait3A_204] : memref<10000xf32, #tpu.memory_space<vmem_shared>> -> memref<10000xf32, #tpu.memory_space<vmem_shared>>
        tpu.wait_indirect_dma semaphore(%run_scoped3A : memref<!tpu.dma_semaphore, #tpu.memory_space<semaphore_mem>>) src(%arg14 : memref<128xf32, #tpu.memory_space<vmem>>) dst(%dma_wait3A_205 : memref<10000xf32, #tpu.memory_space<vmem_shared>>)
        tpu.yield
      }) : () -> ()
    }
    %barrier3A_130 = arith.constant 0 : index
    tpu.barrier barrier_id(%barrier3A_130)
    %add3A_131 = arith.constant 0 : i32
    %add3A_132 = arith.addi %arg1, %add3A_131 : i32
    %lt3A_133 = arith.constant 125 : i32
    %lt3A_134 = arith.cmpi slt, %add3A_132, %lt3A_133 : i32
    %convert_element_type3A_135 = arith.extui %lt3A_134 : i1 to i32
    %cond3A_136 = arith.constant 0 : i32
    %cond3A_137 = arith.cmpi ne, %convert_element_type3A_135, %cond3A_136 : i32
    scf.if %cond3A_137 {
      %mul3A_192 = arith.constant 80 : i32
      %mul3A_193 = arith.muli %add3A_132, %mul3A_192 : i32
      "tpu.region"() ({
        %run_scoped3A = tpu.sem_alloc : memref<!tpu.dma_semaphore, #tpu.memory_space<semaphore_mem>>
        %dma_start3A = arith.constant 0 : i32
        %dma_start3A_199 = tpu.memref_slice %arg7[%mul3A_193, %dma_start3A] : memref<10000x128xf32, #tpu.memory_space<vmem_shared>> -> memref<80x128xf32, #tpu.memory_space<vmem_shared>>
        %dma_start3A_200 = arith.constant 0 : i32
        %dma_start3A_201 = tpu.memref_slice %arg7[%mul3A_193, %dma_start3A_200] : memref<10000x128xf32, #tpu.memory_space<vmem_shared>> -> memref<80x128xf32, #tpu.memory_space<vmem_shared>>
        tpu.enqueue_dma source(%dma_start3A_201 : memref<80x128xf32, #tpu.memory_space<vmem_shared>>) target(%arg11 : memref<80x128xf32, #tpu.memory_space<vmem>>) target_semaphore(%run_scoped3A : memref<!tpu.dma_semaphore, #tpu.memory_space<semaphore_mem>>)
        %dma_wait3A = arith.constant 0 : i32
        %dma_wait3A_202 = tpu.memref_slice %arg7[%mul3A_193, %dma_wait3A] : memref<10000x128xf32, #tpu.memory_space<vmem_shared>> -> memref<80x128xf32, #tpu.memory_space<vmem_shared>>
        %dma_wait3A_203 = arith.constant 0 : i32
        %dma_wait3A_204 = tpu.memref_slice %arg7[%mul3A_193, %dma_wait3A_203] : memref<10000x128xf32, #tpu.memory_space<vmem_shared>> -> memref<80x128xf32, #tpu.memory_space<vmem_shared>>
        tpu.wait_dma2 semaphore(%run_scoped3A : memref<!tpu.dma_semaphore, #tpu.memory_space<semaphore_mem>>) src(%dma_wait3A_204 : memref<80x128xf32, #tpu.memory_space<vmem_shared>>) dst(%arg11 : memref<80x128xf32, #tpu.memory_space<vmem>>)
        tpu.yield
      }) : () -> ()
      %mul3A_194 = arith.constant 10000 : i32
      %mul3A_195 = arith.muli %arg0, %mul3A_194 : i32
      %mul3A_196 = arith.constant 80 : i32
      %mul3A_197 = arith.muli %add3A_132, %mul3A_196 : i32
      %add3A_198 = arith.addi %mul3A_195, %mul3A_197 : i32
      "tpu.region"() ({
        %run_scoped3A = tpu.sem_alloc : memref<!tpu.dma_semaphore, #tpu.memory_space<semaphore_mem>>
        %dma_start3A = arith.constant 0 : i32
        %dma_start3A_199 = tpu.memref_slice %arg5[%add3A_198, %dma_start3A] : memref<20000x128xf32, #tpu.memory_space<hbm>> -> memref<80x128xf32, #tpu.memory_space<hbm>>
        %dma_start3A_200 = arith.constant 0 : i32
        %dma_start3A_201 = tpu.memref_slice %arg5[%add3A_198, %dma_start3A_200] : memref<20000x128xf32, #tpu.memory_space<hbm>> -> memref<80x128xf32, #tpu.memory_space<hbm>>
        tpu.enqueue_dma source(%arg11 : memref<80x128xf32, #tpu.memory_space<vmem>>) target(%dma_start3A_201 : memref<80x128xf32, #tpu.memory_space<hbm>>) target_semaphore(%run_scoped3A : memref<!tpu.dma_semaphore, #tpu.memory_space<semaphore_mem>>)
        %dma_wait3A = arith.constant 0 : i32
        %dma_wait3A_202 = tpu.memref_slice %arg5[%add3A_198, %dma_wait3A] : memref<20000x128xf32, #tpu.memory_space<hbm>> -> memref<80x128xf32, #tpu.memory_space<hbm>>
        %dma_wait3A_203 = arith.constant 0 : i32
        %dma_wait3A_204 = tpu.memref_slice %arg5[%add3A_198, %dma_wait3A_203] : memref<20000x128xf32, #tpu.memory_space<hbm>> -> memref<80x128xf32, #tpu.memory_space<hbm>>
        tpu.wait_dma2 semaphore(%run_scoped3A : memref<!tpu.dma_semaphore, #tpu.memory_space<semaphore_mem>>) src(%arg11 : memref<80x128xf32, #tpu.memory_space<vmem>>) dst(%dma_wait3A_204 : memref<80x128xf32, #tpu.memory_space<hbm>>)
        tpu.yield
      }) : () -> ()
    } else {
    }
    %add3A_138 = arith.constant 16 : i32
    %add3A_139 = arith.addi %arg1, %add3A_138 : i32
    %lt3A_140 = arith.constant 125 : i32
    %lt3A_141 = arith.cmpi slt, %add3A_139, %lt3A_140 : i32
    %convert_element_type3A_142 = arith.extui %lt3A_141 : i1 to i32
    %cond3A_143 = arith.constant 0 : i32
    %cond3A_144 = arith.cmpi ne, %convert_element_type3A_142, %cond3A_143 : i32
    scf.if %cond3A_144 {
      %mul3A_192 = arith.constant 80 : i32
      %mul3A_193 = arith.muli %add3A_139, %mul3A_192 : i32
      "tpu.region"() ({
        %run_scoped3A = tpu.sem_alloc : memref<!tpu.dma_semaphore, #tpu.memory_space<semaphore_mem>>
        %dma_start3A = arith.constant 0 : i32
        %dma_start3A_199 = tpu.memref_slice %arg7[%mul3A_193, %dma_start3A] : memref<10000x128xf32, #tpu.memory_space<vmem_shared>> -> memref<80x128xf32, #tpu.memory_space<vmem_shared>>
        %dma_start3A_200 = arith.constant 0 : i32
        %dma_start3A_201 = tpu.memref_slice %arg7[%mul3A_193, %dma_start3A_200] : memref<10000x128xf32, #tpu.memory_space<vmem_shared>> -> memref<80x128xf32, #tpu.memory_space<vmem_shared>>
        tpu.enqueue_dma source(%dma_start3A_201 : memref<80x128xf32, #tpu.memory_space<vmem_shared>>) target(%arg11 : memref<80x128xf32, #tpu.memory_space<vmem>>) target_semaphore(%run_scoped3A : memref<!tpu.dma_semaphore, #tpu.memory_space<semaphore_mem>>)
        %dma_wait3A = arith.constant 0 : i32
        %dma_wait3A_202 = tpu.memref_slice %arg7[%mul3A_193, %dma_wait3A] : memref<10000x128xf32, #tpu.memory_space<vmem_shared>> -> memref<80x128xf32, #tpu.memory_space<vmem_shared>>
        %dma_wait3A_203 = arith.constant 0 : i32
        %dma_wait3A_204 = tpu.memref_slice %arg7[%mul3A_193, %dma_wait3A_203] : memref<10000x128xf32, #tpu.memory_space<vmem_shared>> -> memref<80x128xf32, #tpu.memory_space<vmem_shared>>
        tpu.wait_dma2 semaphore(%run_scoped3A : memref<!tpu.dma_semaphore, #tpu.memory_space<semaphore_mem>>) src(%dma_wait3A_204 : memref<80x128xf32, #tpu.memory_space<vmem_shared>>) dst(%arg11 : memref<80x128xf32, #tpu.memory_space<vmem>>)
        tpu.yield
      }) : () -> ()
      %mul3A_194 = arith.constant 10000 : i32
      %mul3A_195 = arith.muli %arg0, %mul3A_194 : i32
      %mul3A_196 = arith.constant 80 : i32
      %mul3A_197 = arith.muli %add3A_139, %mul3A_196 : i32
      %add3A_198 = arith.addi %mul3A_195, %mul3A_197 : i32
      "tpu.region"() ({
        %run_scoped3A = tpu.sem_alloc : memref<!tpu.dma_semaphore, #tpu.memory_space<semaphore_mem>>
        %dma_start3A = arith.constant 0 : i32
        %dma_start3A_199 = tpu.memref_slice %arg5[%add3A_198, %dma_start3A] : memref<20000x128xf32, #tpu.memory_space<hbm>> -> memref<80x128xf32, #tpu.memory_space<hbm>>
        %dma_start3A_200 = arith.constant 0 : i32
        %dma_start3A_201 = tpu.memref_slice %arg5[%add3A_198, %dma_start3A_200] : memref<20000x128xf32, #tpu.memory_space<hbm>> -> memref<80x128xf32, #tpu.memory_space<hbm>>
        tpu.enqueue_dma source(%arg11 : memref<80x128xf32, #tpu.memory_space<vmem>>) target(%dma_start3A_201 : memref<80x128xf32, #tpu.memory_space<hbm>>) target_semaphore(%run_scoped3A : memref<!tpu.dma_semaphore, #tpu.memory_space<semaphore_mem>>)
        %dma_wait3A = arith.constant 0 : i32
        %dma_wait3A_202 = tpu.memref_slice %arg5[%add3A_198, %dma_wait3A] : memref<20000x128xf32, #tpu.memory_space<hbm>> -> memref<80x128xf32, #tpu.memory_space<hbm>>
        %dma_wait3A_203 = arith.constant 0 : i32
        %dma_wait3A_204 = tpu.memref_slice %arg5[%add3A_198, %dma_wait3A_203] : memref<20000x128xf32, #tpu.memory_space<hbm>> -> memref<80x128xf32, #tpu.memory_space<hbm>>
        tpu.wait_dma2 semaphore(%run_scoped3A : memref<!tpu.dma_semaphore, #tpu.memory_space<semaphore_mem>>) src(%arg11 : memref<80x128xf32, #tpu.memory_space<vmem>>) dst(%dma_wait3A_204 : memref<80x128xf32, #tpu.memory_space<hbm>>)
        tpu.yield
      }) : () -> ()
    } else {
    }
    %add3A_145 = arith.constant 32 : i32
    %add3A_146 = arith.addi %arg1, %add3A_145 : i32
    %lt3A_147 = arith.constant 125 : i32
    %lt3A_148 = arith.cmpi slt, %add3A_146, %lt3A_147 : i32
    %convert_element_type3A_149 = arith.extui %lt3A_148 : i1 to i32
    %cond3A_150 = arith.constant 0 : i32
    %cond3A_151 = arith.cmpi ne, %convert_element_type3A_149, %cond3A_150 : i32
    scf.if %cond3A_151 {
      %mul3A_192 = arith.constant 80 : i32
      %mul3A_193 = arith.muli %add3A_146, %mul3A_192 : i32
      "tpu.region"() ({
        %run_scoped3A = tpu.sem_alloc : memref<!tpu.dma_semaphore, #tpu.memory_space<semaphore_mem>>
        %dma_start3A = arith.constant 0 : i32
        %dma_start3A_199 = tpu.memref_slice %arg7[%mul3A_193, %dma_start3A] : memref<10000x128xf32, #tpu.memory_space<vmem_shared>> -> memref<80x128xf32, #tpu.memory_space<vmem_shared>>
        %dma_start3A_200 = arith.constant 0 : i32
        %dma_start3A_201 = tpu.memref_slice %arg7[%mul3A_193, %dma_start3A_200] : memref<10000x128xf32, #tpu.memory_space<vmem_shared>> -> memref<80x128xf32, #tpu.memory_space<vmem_shared>>
        tpu.enqueue_dma source(%dma_start3A_201 : memref<80x128xf32, #tpu.memory_space<vmem_shared>>) target(%arg11 : memref<80x128xf32, #tpu.memory_space<vmem>>) target_semaphore(%run_scoped3A : memref<!tpu.dma_semaphore, #tpu.memory_space<semaphore_mem>>)
        %dma_wait3A = arith.constant 0 : i32
        %dma_wait3A_202 = tpu.memref_slice %arg7[%mul3A_193, %dma_wait3A] : memref<10000x128xf32, #tpu.memory_space<vmem_shared>> -> memref<80x128xf32, #tpu.memory_space<vmem_shared>>
        %dma_wait3A_203 = arith.constant 0 : i32
        %dma_wait3A_204 = tpu.memref_slice %arg7[%mul3A_193, %dma_wait3A_203] : memref<10000x128xf32, #tpu.memory_space<vmem_shared>> -> memref<80x128xf32, #tpu.memory_space<vmem_shared>>
        tpu.wait_dma2 semaphore(%run_scoped3A : memref<!tpu.dma_semaphore, #tpu.memory_space<semaphore_mem>>) src(%dma_wait3A_204 : memref<80x128xf32, #tpu.memory_space<vmem_shared>>) dst(%arg11 : memref<80x128xf32, #tpu.memory_space<vmem>>)
        tpu.yield
      }) : () -> ()
      %mul3A_194 = arith.constant 10000 : i32
      %mul3A_195 = arith.muli %arg0, %mul3A_194 : i32
      %mul3A_196 = arith.constant 80 : i32
      %mul3A_197 = arith.muli %add3A_146, %mul3A_196 : i32
      %add3A_198 = arith.addi %mul3A_195, %mul3A_197 : i32
      "tpu.region"() ({
        %run_scoped3A = tpu.sem_alloc : memref<!tpu.dma_semaphore, #tpu.memory_space<semaphore_mem>>
        %dma_start3A = arith.constant 0 : i32
        %dma_start3A_199 = tpu.memref_slice %arg5[%add3A_198, %dma_start3A] : memref<20000x128xf32, #tpu.memory_space<hbm>> -> memref<80x128xf32, #tpu.memory_space<hbm>>
        %dma_start3A_200 = arith.constant 0 : i32
        %dma_start3A_201 = tpu.memref_slice %arg5[%add3A_198, %dma_start3A_200] : memref<20000x128xf32, #tpu.memory_space<hbm>> -> memref<80x128xf32, #tpu.memory_space<hbm>>
        tpu.enqueue_dma source(%arg11 : memref<80x128xf32, #tpu.memory_space<vmem>>) target(%dma_start3A_201 : memref<80x128xf32, #tpu.memory_space<hbm>>) target_semaphore(%run_scoped3A : memref<!tpu.dma_semaphore, #tpu.memory_space<semaphore_mem>>)
        %dma_wait3A = arith.constant 0 : i32
        %dma_wait3A_202 = tpu.memref_slice %arg5[%add3A_198, %dma_wait3A] : memref<20000x128xf32, #tpu.memory_space<hbm>> -> memref<80x128xf32, #tpu.memory_space<hbm>>
        %dma_wait3A_203 = arith.constant 0 : i32
        %dma_wait3A_204 = tpu.memref_slice %arg5[%add3A_198, %dma_wait3A_203] : memref<20000x128xf32, #tpu.memory_space<hbm>> -> memref<80x128xf32, #tpu.memory_space<hbm>>
        tpu.wait_dma2 semaphore(%run_scoped3A : memref<!tpu.dma_semaphore, #tpu.memory_space<semaphore_mem>>) src(%arg11 : memref<80x128xf32, #tpu.memory_space<vmem>>) dst(%dma_wait3A_204 : memref<80x128xf32, #tpu.memory_space<hbm>>)
        tpu.yield
      }) : () -> ()
    } else {
    }
    %add3A_152 = arith.constant 48 : i32
    %add3A_153 = arith.addi %arg1, %add3A_152 : i32
    %lt3A_154 = arith.constant 125 : i32
    %lt3A_155 = arith.cmpi slt, %add3A_153, %lt3A_154 : i32
    %convert_element_type3A_156 = arith.extui %lt3A_155 : i1 to i32
    %cond3A_157 = arith.constant 0 : i32
    %cond3A_158 = arith.cmpi ne, %convert_element_type3A_156, %cond3A_157 : i32
    scf.if %cond3A_158 {
      %mul3A_192 = arith.constant 80 : i32
      %mul3A_193 = arith.muli %add3A_153, %mul3A_192 : i32
      "tpu.region"() ({
        %run_scoped3A = tpu.sem_alloc : memref<!tpu.dma_semaphore, #tpu.memory_space<semaphore_mem>>
        %dma_start3A = arith.constant 0 : i32
        %dma_start3A_199 = tpu.memref_slice %arg7[%mul3A_193, %dma_start3A] : memref<10000x128xf32, #tpu.memory_space<vmem_shared>> -> memref<80x128xf32, #tpu.memory_space<vmem_shared>>
        %dma_start3A_200 = arith.constant 0 : i32
        %dma_start3A_201 = tpu.memref_slice %arg7[%mul3A_193, %dma_start3A_200] : memref<10000x128xf32, #tpu.memory_space<vmem_shared>> -> memref<80x128xf32, #tpu.memory_space<vmem_shared>>
        tpu.enqueue_dma source(%dma_start3A_201 : memref<80x128xf32, #tpu.memory_space<vmem_shared>>) target(%arg11 : memref<80x128xf32, #tpu.memory_space<vmem>>) target_semaphore(%run_scoped3A : memref<!tpu.dma_semaphore, #tpu.memory_space<semaphore_mem>>)
        %dma_wait3A = arith.constant 0 : i32
        %dma_wait3A_202 = tpu.memref_slice %arg7[%mul3A_193, %dma_wait3A] : memref<10000x128xf32, #tpu.memory_space<vmem_shared>> -> memref<80x128xf32, #tpu.memory_space<vmem_shared>>
        %dma_wait3A_203 = arith.constant 0 : i32
        %dma_wait3A_204 = tpu.memref_slice %arg7[%mul3A_193, %dma_wait3A_203] : memref<10000x128xf32, #tpu.memory_space<vmem_shared>> -> memref<80x128xf32, #tpu.memory_space<vmem_shared>>
        tpu.wait_dma2 semaphore(%run_scoped3A : memref<!tpu.dma_semaphore, #tpu.memory_space<semaphore_mem>>) src(%dma_wait3A_204 : memref<80x128xf32, #tpu.memory_space<vmem_shared>>) dst(%arg11 : memref<80x128xf32, #tpu.memory_space<vmem>>)
        tpu.yield
      }) : () -> ()
      %mul3A_194 = arith.constant 10000 : i32
      %mul3A_195 = arith.muli %arg0, %mul3A_194 : i32
      %mul3A_196 = arith.constant 80 : i32
      %mul3A_197 = arith.muli %add3A_153, %mul3A_196 : i32
      %add3A_198 = arith.addi %mul3A_195, %mul3A_197 : i32
      "tpu.region"() ({
        %run_scoped3A = tpu.sem_alloc : memref<!tpu.dma_semaphore, #tpu.memory_space<semaphore_mem>>
        %dma_start3A = arith.constant 0 : i32
        %dma_start3A_199 = tpu.memref_slice %arg5[%add3A_198, %dma_start3A] : memref<20000x128xf32, #tpu.memory_space<hbm>> -> memref<80x128xf32, #tpu.memory_space<hbm>>
        %dma_start3A_200 = arith.constant 0 : i32
        %dma_start3A_201 = tpu.memref_slice %arg5[%add3A_198, %dma_start3A_200] : memref<20000x128xf32, #tpu.memory_space<hbm>> -> memref<80x128xf32, #tpu.memory_space<hbm>>
        tpu.enqueue_dma source(%arg11 : memref<80x128xf32, #tpu.memory_space<vmem>>) target(%dma_start3A_201 : memref<80x128xf32, #tpu.memory_space<hbm>>) target_semaphore(%run_scoped3A : memref<!tpu.dma_semaphore, #tpu.memory_space<semaphore_mem>>)
        %dma_wait3A = arith.constant 0 : i32
        %dma_wait3A_202 = tpu.memref_slice %arg5[%add3A_198, %dma_wait3A] : memref<20000x128xf32, #tpu.memory_space<hbm>> -> memref<80x128xf32, #tpu.memory_space<hbm>>
        %dma_wait3A_203 = arith.constant 0 : i32
        %dma_wait3A_204 = tpu.memref_slice %arg5[%add3A_198, %dma_wait3A_203] : memref<20000x128xf32, #tpu.memory_space<hbm>> -> memref<80x128xf32, #tpu.memory_space<hbm>>
        tpu.wait_dma2 semaphore(%run_scoped3A : memref<!tpu.dma_semaphore, #tpu.memory_space<semaphore_mem>>) src(%arg11 : memref<80x128xf32, #tpu.memory_space<vmem>>) dst(%dma_wait3A_204 : memref<80x128xf32, #tpu.memory_space<hbm>>)
        tpu.yield
      }) : () -> ()
    } else {
    }
    %add3A_159 = arith.constant 64 : i32
    %add3A_160 = arith.addi %arg1, %add3A_159 : i32
    %lt3A_161 = arith.constant 125 : i32
    %lt3A_162 = arith.cmpi slt, %add3A_160, %lt3A_161 : i32
    %convert_element_type3A_163 = arith.extui %lt3A_162 : i1 to i32
    %cond3A_164 = arith.constant 0 : i32
    %cond3A_165 = arith.cmpi ne, %convert_element_type3A_163, %cond3A_164 : i32
    scf.if %cond3A_165 {
      %mul3A_192 = arith.constant 80 : i32
      %mul3A_193 = arith.muli %add3A_160, %mul3A_192 : i32
      "tpu.region"() ({
        %run_scoped3A = tpu.sem_alloc : memref<!tpu.dma_semaphore, #tpu.memory_space<semaphore_mem>>
        %dma_start3A = arith.constant 0 : i32
        %dma_start3A_199 = tpu.memref_slice %arg7[%mul3A_193, %dma_start3A] : memref<10000x128xf32, #tpu.memory_space<vmem_shared>> -> memref<80x128xf32, #tpu.memory_space<vmem_shared>>
        %dma_start3A_200 = arith.constant 0 : i32
        %dma_start3A_201 = tpu.memref_slice %arg7[%mul3A_193, %dma_start3A_200] : memref<10000x128xf32, #tpu.memory_space<vmem_shared>> -> memref<80x128xf32, #tpu.memory_space<vmem_shared>>
        tpu.enqueue_dma source(%dma_start3A_201 : memref<80x128xf32, #tpu.memory_space<vmem_shared>>) target(%arg11 : memref<80x128xf32, #tpu.memory_space<vmem>>) target_semaphore(%run_scoped3A : memref<!tpu.dma_semaphore, #tpu.memory_space<semaphore_mem>>)
        %dma_wait3A = arith.constant 0 : i32
        %dma_wait3A_202 = tpu.memref_slice %arg7[%mul3A_193, %dma_wait3A] : memref<10000x128xf32, #tpu.memory_space<vmem_shared>> -> memref<80x128xf32, #tpu.memory_space<vmem_shared>>
        %dma_wait3A_203 = arith.constant 0 : i32
        %dma_wait3A_204 = tpu.memref_slice %arg7[%mul3A_193, %dma_wait3A_203] : memref<10000x128xf32, #tpu.memory_space<vmem_shared>> -> memref<80x128xf32, #tpu.memory_space<vmem_shared>>
        tpu.wait_dma2 semaphore(%run_scoped3A : memref<!tpu.dma_semaphore, #tpu.memory_space<semaphore_mem>>) src(%dma_wait3A_204 : memref<80x128xf32, #tpu.memory_space<vmem_shared>>) dst(%arg11 : memref<80x128xf32, #tpu.memory_space<vmem>>)
        tpu.yield
      }) : () -> ()
      %mul3A_194 = arith.constant 10000 : i32
      %mul3A_195 = arith.muli %arg0, %mul3A_194 : i32
      %mul3A_196 = arith.constant 80 : i32
      %mul3A_197 = arith.muli %add3A_160, %mul3A_196 : i32
      %add3A_198 = arith.addi %mul3A_195, %mul3A_197 : i32
      "tpu.region"() ({
        %run_scoped3A = tpu.sem_alloc : memref<!tpu.dma_semaphore, #tpu.memory_space<semaphore_mem>>
        %dma_start3A = arith.constant 0 : i32
        %dma_start3A_199 = tpu.memref_slice %arg5[%add3A_198, %dma_start3A] : memref<20000x128xf32, #tpu.memory_space<hbm>> -> memref<80x128xf32, #tpu.memory_space<hbm>>
        %dma_start3A_200 = arith.constant 0 : i32
        %dma_start3A_201 = tpu.memref_slice %arg5[%add3A_198, %dma_start3A_200] : memref<20000x128xf32, #tpu.memory_space<hbm>> -> memref<80x128xf32, #tpu.memory_space<hbm>>
        tpu.enqueue_dma source(%arg11 : memref<80x128xf32, #tpu.memory_space<vmem>>) target(%dma_start3A_201 : memref<80x128xf32, #tpu.memory_space<hbm>>) target_semaphore(%run_scoped3A : memref<!tpu.dma_semaphore, #tpu.memory_space<semaphore_mem>>)
        %dma_wait3A = arith.constant 0 : i32
        %dma_wait3A_202 = tpu.memref_slice %arg5[%add3A_198, %dma_wait3A] : memref<20000x128xf32, #tpu.memory_space<hbm>> -> memref<80x128xf32, #tpu.memory_space<hbm>>
        %dma_wait3A_203 = arith.constant 0 : i32
        %dma_wait3A_204 = tpu.memref_slice %arg5[%add3A_198, %dma_wait3A_203] : memref<20000x128xf32, #tpu.memory_space<hbm>> -> memref<80x128xf32, #tpu.memory_space<hbm>>
        tpu.wait_dma2 semaphore(%run_scoped3A : memref<!tpu.dma_semaphore, #tpu.memory_space<semaphore_mem>>) src(%arg11 : memref<80x128xf32, #tpu.memory_space<vmem>>) dst(%dma_wait3A_204 : memref<80x128xf32, #tpu.memory_space<hbm>>)
        tpu.yield
      }) : () -> ()
    } else {
    }
    %add3A_166 = arith.constant 80 : i32
    %add3A_167 = arith.addi %arg1, %add3A_166 : i32
    %lt3A_168 = arith.constant 125 : i32
    %lt3A_169 = arith.cmpi slt, %add3A_167, %lt3A_168 : i32
    %convert_element_type3A_170 = arith.extui %lt3A_169 : i1 to i32
    %cond3A_171 = arith.constant 0 : i32
    %cond3A_172 = arith.cmpi ne, %convert_element_type3A_170, %cond3A_171 : i32
    scf.if %cond3A_172 {
      %mul3A_192 = arith.constant 80 : i32
      %mul3A_193 = arith.muli %add3A_167, %mul3A_192 : i32
      "tpu.region"() ({
        %run_scoped3A = tpu.sem_alloc : memref<!tpu.dma_semaphore, #tpu.memory_space<semaphore_mem>>
        %dma_start3A = arith.constant 0 : i32
        %dma_start3A_199 = tpu.memref_slice %arg7[%mul3A_193, %dma_start3A] : memref<10000x128xf32, #tpu.memory_space<vmem_shared>> -> memref<80x128xf32, #tpu.memory_space<vmem_shared>>
        %dma_start3A_200 = arith.constant 0 : i32
        %dma_start3A_201 = tpu.memref_slice %arg7[%mul3A_193, %dma_start3A_200] : memref<10000x128xf32, #tpu.memory_space<vmem_shared>> -> memref<80x128xf32, #tpu.memory_space<vmem_shared>>
        tpu.enqueue_dma source(%dma_start3A_201 : memref<80x128xf32, #tpu.memory_space<vmem_shared>>) target(%arg11 : memref<80x128xf32, #tpu.memory_space<vmem>>) target_semaphore(%run_scoped3A : memref<!tpu.dma_semaphore, #tpu.memory_space<semaphore_mem>>)
        %dma_wait3A = arith.constant 0 : i32
        %dma_wait3A_202 = tpu.memref_slice %arg7[%mul3A_193, %dma_wait3A] : memref<10000x128xf32, #tpu.memory_space<vmem_shared>> -> memref<80x128xf32, #tpu.memory_space<vmem_shared>>
        %dma_wait3A_203 = arith.constant 0 : i32
        %dma_wait3A_204 = tpu.memref_slice %arg7[%mul3A_193, %dma_wait3A_203] : memref<10000x128xf32, #tpu.memory_space<vmem_shared>> -> memref<80x128xf32, #tpu.memory_space<vmem_shared>>
        tpu.wait_dma2 semaphore(%run_scoped3A : memref<!tpu.dma_semaphore, #tpu.memory_space<semaphore_mem>>) src(%dma_wait3A_204 : memref<80x128xf32, #tpu.memory_space<vmem_shared>>) dst(%arg11 : memref<80x128xf32, #tpu.memory_space<vmem>>)
        tpu.yield
      }) : () -> ()
      %mul3A_194 = arith.constant 10000 : i32
      %mul3A_195 = arith.muli %arg0, %mul3A_194 : i32
      %mul3A_196 = arith.constant 80 : i32
      %mul3A_197 = arith.muli %add3A_167, %mul3A_196 : i32
      %add3A_198 = arith.addi %mul3A_195, %mul3A_197 : i32
      "tpu.region"() ({
        %run_scoped3A = tpu.sem_alloc : memref<!tpu.dma_semaphore, #tpu.memory_space<semaphore_mem>>
        %dma_start3A = arith.constant 0 : i32
        %dma_start3A_199 = tpu.memref_slice %arg5[%add3A_198, %dma_start3A] : memref<20000x128xf32, #tpu.memory_space<hbm>> -> memref<80x128xf32, #tpu.memory_space<hbm>>
        %dma_start3A_200 = arith.constant 0 : i32
        %dma_start3A_201 = tpu.memref_slice %arg5[%add3A_198, %dma_start3A_200] : memref<20000x128xf32, #tpu.memory_space<hbm>> -> memref<80x128xf32, #tpu.memory_space<hbm>>
        tpu.enqueue_dma source(%arg11 : memref<80x128xf32, #tpu.memory_space<vmem>>) target(%dma_start3A_201 : memref<80x128xf32, #tpu.memory_space<hbm>>) target_semaphore(%run_scoped3A : memref<!tpu.dma_semaphore, #tpu.memory_space<semaphore_mem>>)
        %dma_wait3A = arith.constant 0 : i32
        %dma_wait3A_202 = tpu.memref_slice %arg5[%add3A_198, %dma_wait3A] : memref<20000x128xf32, #tpu.memory_space<hbm>> -> memref<80x128xf32, #tpu.memory_space<hbm>>
        %dma_wait3A_203 = arith.constant 0 : i32
        %dma_wait3A_204 = tpu.memref_slice %arg5[%add3A_198, %dma_wait3A_203] : memref<20000x128xf32, #tpu.memory_space<hbm>> -> memref<80x128xf32, #tpu.memory_space<hbm>>
        tpu.wait_dma2 semaphore(%run_scoped3A : memref<!tpu.dma_semaphore, #tpu.memory_space<semaphore_mem>>) src(%arg11 : memref<80x128xf32, #tpu.memory_space<vmem>>) dst(%dma_wait3A_204 : memref<80x128xf32, #tpu.memory_space<hbm>>)
        tpu.yield
      }) : () -> ()
    } else {
    }
    %add3A_173 = arith.constant 96 : i32
    %add3A_174 = arith.addi %arg1, %add3A_173 : i32
    %lt3A_175 = arith.constant 125 : i32
    %lt3A_176 = arith.cmpi slt, %add3A_174, %lt3A_175 : i32
    %convert_element_type3A_177 = arith.extui %lt3A_176 : i1 to i32
    %cond3A_178 = arith.constant 0 : i32
    %cond3A_179 = arith.cmpi ne, %convert_element_type3A_177, %cond3A_178 : i32
    scf.if %cond3A_179 {
      %mul3A_192 = arith.constant 80 : i32
      %mul3A_193 = arith.muli %add3A_174, %mul3A_192 : i32
      "tpu.region"() ({
        %run_scoped3A = tpu.sem_alloc : memref<!tpu.dma_semaphore, #tpu.memory_space<semaphore_mem>>
        %dma_start3A = arith.constant 0 : i32
        %dma_start3A_199 = tpu.memref_slice %arg7[%mul3A_193, %dma_start3A] : memref<10000x128xf32, #tpu.memory_space<vmem_shared>> -> memref<80x128xf32, #tpu.memory_space<vmem_shared>>
        %dma_start3A_200 = arith.constant 0 : i32
        %dma_start3A_201 = tpu.memref_slice %arg7[%mul3A_193, %dma_start3A_200] : memref<10000x128xf32, #tpu.memory_space<vmem_shared>> -> memref<80x128xf32, #tpu.memory_space<vmem_shared>>
        tpu.enqueue_dma source(%dma_start3A_201 : memref<80x128xf32, #tpu.memory_space<vmem_shared>>) target(%arg11 : memref<80x128xf32, #tpu.memory_space<vmem>>) target_semaphore(%run_scoped3A : memref<!tpu.dma_semaphore, #tpu.memory_space<semaphore_mem>>)
        %dma_wait3A = arith.constant 0 : i32
        %dma_wait3A_202 = tpu.memref_slice %arg7[%mul3A_193, %dma_wait3A] : memref<10000x128xf32, #tpu.memory_space<vmem_shared>> -> memref<80x128xf32, #tpu.memory_space<vmem_shared>>
        %dma_wait3A_203 = arith.constant 0 : i32
        %dma_wait3A_204 = tpu.memref_slice %arg7[%mul3A_193, %dma_wait3A_203] : memref<10000x128xf32, #tpu.memory_space<vmem_shared>> -> memref<80x128xf32, #tpu.memory_space<vmem_shared>>
        tpu.wait_dma2 semaphore(%run_scoped3A : memref<!tpu.dma_semaphore, #tpu.memory_space<semaphore_mem>>) src(%dma_wait3A_204 : memref<80x128xf32, #tpu.memory_space<vmem_shared>>) dst(%arg11 : memref<80x128xf32, #tpu.memory_space<vmem>>)
        tpu.yield
      }) : () -> ()
      %mul3A_194 = arith.constant 10000 : i32
      %mul3A_195 = arith.muli %arg0, %mul3A_194 : i32
      %mul3A_196 = arith.constant 80 : i32
      %mul3A_197 = arith.muli %add3A_174, %mul3A_196 : i32
      %add3A_198 = arith.addi %mul3A_195, %mul3A_197 : i32
      "tpu.region"() ({
        %run_scoped3A = tpu.sem_alloc : memref<!tpu.dma_semaphore, #tpu.memory_space<semaphore_mem>>
        %dma_start3A = arith.constant 0 : i32
        %dma_start3A_199 = tpu.memref_slice %arg5[%add3A_198, %dma_start3A] : memref<20000x128xf32, #tpu.memory_space<hbm>> -> memref<80x128xf32, #tpu.memory_space<hbm>>
        %dma_start3A_200 = arith.constant 0 : i32
        %dma_start3A_201 = tpu.memref_slice %arg5[%add3A_198, %dma_start3A_200] : memref<20000x128xf32, #tpu.memory_space<hbm>> -> memref<80x128xf32, #tpu.memory_space<hbm>>
        tpu.enqueue_dma source(%arg11 : memref<80x128xf32, #tpu.memory_space<vmem>>) target(%dma_start3A_201 : memref<80x128xf32, #tpu.memory_space<hbm>>) target_semaphore(%run_scoped3A : memref<!tpu.dma_semaphore, #tpu.memory_space<semaphore_mem>>)
        %dma_wait3A = arith.constant 0 : i32
        %dma_wait3A_202 = tpu.memref_slice %arg5[%add3A_198, %dma_wait3A] : memref<20000x128xf32, #tpu.memory_space<hbm>> -> memref<80x128xf32, #tpu.memory_space<hbm>>
        %dma_wait3A_203 = arith.constant 0 : i32
        %dma_wait3A_204 = tpu.memref_slice %arg5[%add3A_198, %dma_wait3A_203] : memref<20000x128xf32, #tpu.memory_space<hbm>> -> memref<80x128xf32, #tpu.memory_space<hbm>>
        tpu.wait_dma2 semaphore(%run_scoped3A : memref<!tpu.dma_semaphore, #tpu.memory_space<semaphore_mem>>) src(%arg11 : memref<80x128xf32, #tpu.memory_space<vmem>>) dst(%dma_wait3A_204 : memref<80x128xf32, #tpu.memory_space<hbm>>)
        tpu.yield
      }) : () -> ()
    } else {
    }
    %add3A_180 = arith.constant 112 : i32
    %add3A_181 = arith.addi %arg1, %add3A_180 : i32
    %lt3A_182 = arith.constant 125 : i32
    %lt3A_183 = arith.cmpi slt, %add3A_181, %lt3A_182 : i32
    %convert_element_type3A_184 = arith.extui %lt3A_183 : i1 to i32
    %cond3A_185 = arith.constant 0 : i32
    %cond3A_186 = arith.cmpi ne, %convert_element_type3A_184, %cond3A_185 : i32
    scf.if %cond3A_186 {
      %mul3A_192 = arith.constant 80 : i32
      %mul3A_193 = arith.muli %add3A_181, %mul3A_192 : i32
      "tpu.region"() ({
        %run_scoped3A = tpu.sem_alloc : memref<!tpu.dma_semaphore, #tpu.memory_space<semaphore_mem>>
        %dma_start3A = arith.constant 0 : i32
        %dma_start3A_199 = tpu.memref_slice %arg7[%mul3A_193, %dma_start3A] : memref<10000x128xf32, #tpu.memory_space<vmem_shared>> -> memref<80x128xf32, #tpu.memory_space<vmem_shared>>
        %dma_start3A_200 = arith.constant 0 : i32
        %dma_start3A_201 = tpu.memref_slice %arg7[%mul3A_193, %dma_start3A_200] : memref<10000x128xf32, #tpu.memory_space<vmem_shared>> -> memref<80x128xf32, #tpu.memory_space<vmem_shared>>
        tpu.enqueue_dma source(%dma_start3A_201 : memref<80x128xf32, #tpu.memory_space<vmem_shared>>) target(%arg11 : memref<80x128xf32, #tpu.memory_space<vmem>>) target_semaphore(%run_scoped3A : memref<!tpu.dma_semaphore, #tpu.memory_space<semaphore_mem>>)
        %dma_wait3A = arith.constant 0 : i32
        %dma_wait3A_202 = tpu.memref_slice %arg7[%mul3A_193, %dma_wait3A] : memref<10000x128xf32, #tpu.memory_space<vmem_shared>> -> memref<80x128xf32, #tpu.memory_space<vmem_shared>>
        %dma_wait3A_203 = arith.constant 0 : i32
        %dma_wait3A_204 = tpu.memref_slice %arg7[%mul3A_193, %dma_wait3A_203] : memref<10000x128xf32, #tpu.memory_space<vmem_shared>> -> memref<80x128xf32, #tpu.memory_space<vmem_shared>>
        tpu.wait_dma2 semaphore(%run_scoped3A : memref<!tpu.dma_semaphore, #tpu.memory_space<semaphore_mem>>) src(%dma_wait3A_204 : memref<80x128xf32, #tpu.memory_space<vmem_shared>>) dst(%arg11 : memref<80x128xf32, #tpu.memory_space<vmem>>)
        tpu.yield
      }) : () -> ()
      %mul3A_194 = arith.constant 10000 : i32
      %mul3A_195 = arith.muli %arg0, %mul3A_194 : i32
      %mul3A_196 = arith.constant 80 : i32
      %mul3A_197 = arith.muli %add3A_181, %mul3A_196 : i32
      %add3A_198 = arith.addi %mul3A_195, %mul3A_197 : i32
      "tpu.region"() ({
        %run_scoped3A = tpu.sem_alloc : memref<!tpu.dma_semaphore, #tpu.memory_space<semaphore_mem>>
        %dma_start3A = arith.constant 0 : i32
        %dma_start3A_199 = tpu.memref_slice %arg5[%add3A_198, %dma_start3A] : memref<20000x128xf32, #tpu.memory_space<hbm>> -> memref<80x128xf32, #tpu.memory_space<hbm>>
        %dma_start3A_200 = arith.constant 0 : i32
        %dma_start3A_201 = tpu.memref_slice %arg5[%add3A_198, %dma_start3A_200] : memref<20000x128xf32, #tpu.memory_space<hbm>> -> memref<80x128xf32, #tpu.memory_space<hbm>>
        tpu.enqueue_dma source(%arg11 : memref<80x128xf32, #tpu.memory_space<vmem>>) target(%dma_start3A_201 : memref<80x128xf32, #tpu.memory_space<hbm>>) target_semaphore(%run_scoped3A : memref<!tpu.dma_semaphore, #tpu.memory_space<semaphore_mem>>)
        %dma_wait3A = arith.constant 0 : i32
        %dma_wait3A_202 = tpu.memref_slice %arg5[%add3A_198, %dma_wait3A] : memref<20000x128xf32, #tpu.memory_space<hbm>> -> memref<80x128xf32, #tpu.memory_space<hbm>>
        %dma_wait3A_203 = arith.constant 0 : i32
        %dma_wait3A_204 = tpu.memref_slice %arg5[%add3A_198, %dma_wait3A_203] : memref<20000x128xf32, #tpu.memory_space<hbm>> -> memref<80x128xf32, #tpu.memory_space<hbm>>
        tpu.wait_dma2 semaphore(%run_scoped3A : memref<!tpu.dma_semaphore, #tpu.memory_space<semaphore_mem>>) src(%arg11 : memref<80x128xf32, #tpu.memory_space<vmem>>) dst(%dma_wait3A_204 : memref<80x128xf32, #tpu.memory_space<hbm>>)
        tpu.yield
      }) : () -> ()
    } else {
    }
    %lt3A_187 = arith.constant 5 : i32
    %lt3A_188 = arith.cmpi slt, %arg1, %lt3A_187 : i32
    %convert_element_type3A_189 = arith.extui %lt3A_188 : i1 to i32
    %cond3A_190 = arith.constant 0 : i32
    %cond3A_191 = arith.cmpi ne, %convert_element_type3A_189, %cond3A_190 : i32
    scf.if %cond3A_191 {
      %mul3A_192 = arith.constant 2000 : i32
      %mul3A_193 = arith.muli %arg1, %mul3A_192 : i32
      "tpu.region"() ({
        %run_scoped3A = tpu.sem_alloc : memref<!tpu.dma_semaphore, #tpu.memory_space<semaphore_mem>>
        %dma_start3A = tpu.memref_slice %arg13[%mul3A_193] : memref<10000xf32, #tpu.memory_space<vmem_shared>> -> memref<2000xf32, #tpu.memory_space<vmem_shared>>
        %dma_start3A_199 = tpu.memref_slice %arg13[%mul3A_193] : memref<10000xf32, #tpu.memory_space<vmem_shared>> -> memref<2000xf32, #tpu.memory_space<vmem_shared>>
        tpu.enqueue_dma source(%dma_start3A_199 : memref<2000xf32, #tpu.memory_space<vmem_shared>>) target(%arg15 : memref<2000xf32, #tpu.memory_space<vmem>>) target_semaphore(%run_scoped3A : memref<!tpu.dma_semaphore, #tpu.memory_space<semaphore_mem>>)
        %dma_wait3A = tpu.memref_slice %arg13[%mul3A_193] : memref<10000xf32, #tpu.memory_space<vmem_shared>> -> memref<2000xf32, #tpu.memory_space<vmem_shared>>
        %dma_wait3A_200 = tpu.memref_slice %arg13[%mul3A_193] : memref<10000xf32, #tpu.memory_space<vmem_shared>> -> memref<2000xf32, #tpu.memory_space<vmem_shared>>
        tpu.wait_dma2 semaphore(%run_scoped3A : memref<!tpu.dma_semaphore, #tpu.memory_space<semaphore_mem>>) src(%dma_wait3A_200 : memref<2000xf32, #tpu.memory_space<vmem_shared>>) dst(%arg15 : memref<2000xf32, #tpu.memory_space<vmem>>)
        tpu.yield
      }) : () -> ()
      %mul3A_194 = arith.constant 10000 : i32
      %mul3A_195 = arith.muli %arg0, %mul3A_194 : i32
      %mul3A_196 = arith.constant 2000 : i32
      %mul3A_197 = arith.muli %arg1, %mul3A_196 : i32
      %add3A_198 = arith.addi %mul3A_195, %mul3A_197 : i32
      "tpu.region"() ({
        %run_scoped3A = tpu.sem_alloc : memref<!tpu.dma_semaphore, #tpu.memory_space<semaphore_mem>>
        %dma_start3A = tpu.memref_slice %arg6[%add3A_198] : memref<20000xf32, #tpu.memory_space<hbm>> -> memref<2000xf32, #tpu.memory_space<hbm>>
        %dma_start3A_199 = tpu.memref_slice %arg6[%add3A_198] : memref<20000xf32, #tpu.memory_space<hbm>> -> memref<2000xf32, #tpu.memory_space<hbm>>
        tpu.enqueue_dma source(%arg15 : memref<2000xf32, #tpu.memory_space<vmem>>) target(%dma_start3A_199 : memref<2000xf32, #tpu.memory_space<hbm>>) target_semaphore(%run_scoped3A : memref<!tpu.dma_semaphore, #tpu.memory_space<semaphore_mem>>)
        %dma_wait3A = tpu.memref_slice %arg6[%add3A_198] : memref<20000xf32, #tpu.memory_space<hbm>> -> memref<2000xf32, #tpu.memory_space<hbm>>
        %dma_wait3A_200 = tpu.memref_slice %arg6[%add3A_198] : memref<20000xf32, #tpu.memory_space<hbm>> -> memref<2000xf32, #tpu.memory_space<hbm>>
        tpu.wait_dma2 semaphore(%run_scoped3A : memref<!tpu.dma_semaphore, #tpu.memory_space<semaphore_mem>>) src(%arg15 : memref<2000xf32, #tpu.memory_space<vmem>>) dst(%dma_wait3A_200 : memref<2000xf32, #tpu.memory_space<hbm>>)
        tpu.yield
      }) : () -> ()
    } else {
    }
    return
  }
}

#map = affine_map<(d0, d1) -> (0, 0)>
#map1 = affine_map<(d0, d1) -> (0)>
module attributes {stable_mosaic.version = 14 : i64} {
  func.func @body(%arg0: i32, %arg1: i32, %arg2: memref<10000x128xf32, #tpu.memory_space<hbm>>, %arg3: memref<320000xi32, #tpu.memory_space<hbm>>, %arg4: memref<320000xi32, #tpu.memory_space<hbm>>, %arg5: memref<20000x128xf32, #tpu.memory_space<hbm>>, %arg6: memref<10000x128xf32, #tpu.memory_space<vmem_shared>>, %arg7: memref<128xi32, #tpu.memory_space<vmem>>, %arg8: memref<128xi32, #tpu.memory_space<vmem>>, %arg9: memref<128x128xf32, #tpu.memory_space<vmem>>, %arg10: memref<80x128xf32, #tpu.memory_space<vmem>>, %arg11: memref<!tpu.dma_semaphore, #tpu.memory_space<semaphore_mem>>) attributes {dimension_semantics = [#tpu.dimension_semantics<core_parallel>, #tpu.dimension_semantics<subcore_parallel>], iteration_bounds = array<i64: 2, 16>, scalar_prefetch = 0 : i64, scratch_operands = 6 : i64, tpu.core_type = #tpu.core_type<sc_vector_subcore>, window_params = [{transform_indices = #map}, {transform_indices = #map1}, {transform_indices = #map1}, {transform_indices = #map}]} {
    %mul3A = arith.constant 2 : i32
    %mul3A_0 = arith.muli %arg1, %mul3A : i32
    %add3A = arith.addi %mul3A_0, %arg0 : i32
    %scan3A = arith.constant 0 : i32
    %scan3A_1 = arith.constant 0 : i32
    %scan3A_2 = arith.constant 80 : i32
    %scan3A_3 = arith.addi %scan3A_1, %scan3A_2 : i32
    %scan3A_4 = arith.constant 1 : i32
    scf.for %scan3A_130 = %scan3A_1 to %scan3A_3 step %scan3A_4  : i32 {
      %broadcast_in_dim3A = arith.constant 0.000000e+00 : f32
      %broadcast_in_dim3A_131 = vector.broadcast %broadcast_in_dim3A : f32 to vector<16xf32>
      %swap3A = arith.index_cast %scan3A_130 : i32 to index
      %swap3A_132 = arith.constant 0 : index
      %swap3A_133 = tpu.vector_load %arg10[%swap3A, %swap3A_132] {strides = array<i32>} : memref<80x128xf32, #tpu.memory_space<vmem>>, vector<1x16xf32>,
      %swap3A_134 = vector.shape_cast %swap3A_133 : vector<1x16xf32> to vector<16xf32>
      %swap3A_135 = vector.shape_cast %broadcast_in_dim3A_131 : vector<16xf32> to vector<1x16xf32>
      tpu.vector_store %arg10[%swap3A, %swap3A_132], %swap3A_135 {strides = array<i32>} : memref<80x128xf32, #tpu.memory_space<vmem>>, vector<1x16xf32>,
      %broadcast_in_dim3A_136 = arith.constant 0.000000e+00 : f32
      %broadcast_in_dim3A_137 = vector.broadcast %broadcast_in_dim3A_136 : f32 to vector<16xf32>
      %swap3A_138 = arith.index_cast %scan3A_130 : i32 to index
      %swap3A_139 = arith.constant 16 : index
      %swap3A_140 = tpu.vector_load %arg10[%swap3A_138, %swap3A_139] {strides = array<i32>} : memref<80x128xf32, #tpu.memory_space<vmem>>, vector<1x16xf32>,
      %swap3A_141 = vector.shape_cast %swap3A_140 : vector<1x16xf32> to vector<16xf32>
      %swap3A_142 = vector.shape_cast %broadcast_in_dim3A_137 : vector<16xf32> to vector<1x16xf32>
      tpu.vector_store %arg10[%swap3A_138, %swap3A_139], %swap3A_142 {strides = array<i32>} : memref<80x128xf32, #tpu.memory_space<vmem>>, vector<1x16xf32>,
      %broadcast_in_dim3A_143 = arith.constant 0.000000e+00 : f32
      %broadcast_in_dim3A_144 = vector.broadcast %broadcast_in_dim3A_143 : f32 to vector<16xf32>
      %swap3A_145 = arith.index_cast %scan3A_130 : i32 to index
      %swap3A_146 = arith.constant 32 : index
      %swap3A_147 = tpu.vector_load %arg10[%swap3A_145, %swap3A_146] {strides = array<i32>} : memref<80x128xf32, #tpu.memory_space<vmem>>, vector<1x16xf32>,
      %swap3A_148 = vector.shape_cast %swap3A_147 : vector<1x16xf32> to vector<16xf32>
      %swap3A_149 = vector.shape_cast %broadcast_in_dim3A_144 : vector<16xf32> to vector<1x16xf32>
      tpu.vector_store %arg10[%swap3A_145, %swap3A_146], %swap3A_149 {strides = array<i32>} : memref<80x128xf32, #tpu.memory_space<vmem>>, vector<1x16xf32>,
      %broadcast_in_dim3A_150 = arith.constant 0.000000e+00 : f32
      %broadcast_in_dim3A_151 = vector.broadcast %broadcast_in_dim3A_150 : f32 to vector<16xf32>
      %swap3A_152 = arith.index_cast %scan3A_130 : i32 to index
      %swap3A_153 = arith.constant 48 : index
      %swap3A_154 = tpu.vector_load %arg10[%swap3A_152, %swap3A_153] {strides = array<i32>} : memref<80x128xf32, #tpu.memory_space<vmem>>, vector<1x16xf32>,
      %swap3A_155 = vector.shape_cast %swap3A_154 : vector<1x16xf32> to vector<16xf32>
      %swap3A_156 = vector.shape_cast %broadcast_in_dim3A_151 : vector<16xf32> to vector<1x16xf32>
      tpu.vector_store %arg10[%swap3A_152, %swap3A_153], %swap3A_156 {strides = array<i32>} : memref<80x128xf32, #tpu.memory_space<vmem>>, vector<1x16xf32>,
      %broadcast_in_dim3A_157 = arith.constant 0.000000e+00 : f32
      %broadcast_in_dim3A_158 = vector.broadcast %broadcast_in_dim3A_157 : f32 to vector<16xf32>
      %swap3A_159 = arith.index_cast %scan3A_130 : i32 to index
      %swap3A_160 = arith.constant 64 : index
      %swap3A_161 = tpu.vector_load %arg10[%swap3A_159, %swap3A_160] {strides = array<i32>} : memref<80x128xf32, #tpu.memory_space<vmem>>, vector<1x16xf32>,
      %swap3A_162 = vector.shape_cast %swap3A_161 : vector<1x16xf32> to vector<16xf32>
      %swap3A_163 = vector.shape_cast %broadcast_in_dim3A_158 : vector<16xf32> to vector<1x16xf32>
      tpu.vector_store %arg10[%swap3A_159, %swap3A_160], %swap3A_163 {strides = array<i32>} : memref<80x128xf32, #tpu.memory_space<vmem>>, vector<1x16xf32>,
      %broadcast_in_dim3A_164 = arith.constant 0.000000e+00 : f32
      %broadcast_in_dim3A_165 = vector.broadcast %broadcast_in_dim3A_164 : f32 to vector<16xf32>
      %swap3A_166 = arith.index_cast %scan3A_130 : i32 to index
      %swap3A_167 = arith.constant 80 : index
      %swap3A_168 = tpu.vector_load %arg10[%swap3A_166, %swap3A_167] {strides = array<i32>} : memref<80x128xf32, #tpu.memory_space<vmem>>, vector<1x16xf32>,
      %swap3A_169 = vector.shape_cast %swap3A_168 : vector<1x16xf32> to vector<16xf32>
      %swap3A_170 = vector.shape_cast %broadcast_in_dim3A_165 : vector<16xf32> to vector<1x16xf32>
      tpu.vector_store %arg10[%swap3A_166, %swap3A_167], %swap3A_170 {strides = array<i32>} : memref<80x128xf32, #tpu.memory_space<vmem>>, vector<1x16xf32>,
      %broadcast_in_dim3A_171 = arith.constant 0.000000e+00 : f32
      %broadcast_in_dim3A_172 = vector.broadcast %broadcast_in_dim3A_171 : f32 to vector<16xf32>
      %swap3A_173 = arith.index_cast %scan3A_130 : i32 to index
      %swap3A_174 = arith.constant 96 : index
      %swap3A_175 = tpu.vector_load %arg10[%swap3A_173, %swap3A_174] {strides = array<i32>} : memref<80x128xf32, #tpu.memory_space<vmem>>, vector<1x16xf32>,
      %swap3A_176 = vector.shape_cast %swap3A_175 : vector<1x16xf32> to vector<16xf32>
      %swap3A_177 = vector.shape_cast %broadcast_in_dim3A_172 : vector<16xf32> to vector<1x16xf32>
      tpu.vector_store %arg10[%swap3A_173, %swap3A_174], %swap3A_177 {strides = array<i32>} : memref<80x128xf32, #tpu.memory_space<vmem>>, vector<1x16xf32>,
      %broadcast_in_dim3A_178 = arith.constant 0.000000e+00 : f32
      %broadcast_in_dim3A_179 = vector.broadcast %broadcast_in_dim3A_178 : f32 to vector<16xf32>
      %swap3A_180 = arith.index_cast %scan3A_130 : i32 to index
      %swap3A_181 = arith.constant 112 : index
      %swap3A_182 = tpu.vector_load %arg10[%swap3A_180, %swap3A_181] {strides = array<i32>} : memref<80x128xf32, #tpu.memory_space<vmem>>, vector<1x16xf32>,
      %swap3A_183 = vector.shape_cast %swap3A_182 : vector<1x16xf32> to vector<16xf32>
      %swap3A_184 = vector.shape_cast %broadcast_in_dim3A_179 : vector<16xf32> to vector<1x16xf32>
      tpu.vector_store %arg10[%swap3A_180, %swap3A_181], %swap3A_184 {strides = array<i32>} : memref<80x128xf32, #tpu.memory_space<vmem>>, vector<1x16xf32>,
    }
    %scan3A_5 = arith.constant 80 : i32
    %add3A_6 = arith.constant 0 : i32
    %add3A_7 = arith.addi %arg1, %add3A_6 : i32
    %lt3A = arith.constant 125 : i32
    %lt3A_8 = arith.cmpi slt, %add3A_7, %lt3A : i32
    %convert_element_type3A = arith.extui %lt3A_8 : i1 to i32
    %cond3A = arith.constant 0 : i32
    %cond3A_9 = arith.cmpi ne, %convert_element_type3A, %cond3A : i32
    scf.if %cond3A_9 {
      %mul3A_130 = arith.constant 80 : i32
      %mul3A_131 = arith.muli %add3A_7, %mul3A_130 : i32
      "tpu.region"() ({
        %run_scoped3A = tpu.sem_alloc : memref<!tpu.dma_semaphore, #tpu.memory_space<semaphore_mem>>
        %dma_start3A = arith.constant 0 : i32
        %dma_start3A_132 = tpu.memref_slice %arg6[%mul3A_131, %dma_start3A] : memref<10000x128xf32, #tpu.memory_space<vmem_shared>> -> memref<80x128xf32, #tpu.memory_space<vmem_shared>>
        %dma_start3A_133 = arith.constant 0 : i32
        %dma_start3A_134 = tpu.memref_slice %arg6[%mul3A_131, %dma_start3A_133] : memref<10000x128xf32, #tpu.memory_space<vmem_shared>> -> memref<80x128xf32, #tpu.memory_space<vmem_shared>>
        tpu.enqueue_dma source(%arg10 : memref<80x128xf32, #tpu.memory_space<vmem>>) target(%dma_start3A_134 : memref<80x128xf32, #tpu.memory_space<vmem_shared>>) target_semaphore(%run_scoped3A : memref<!tpu.dma_semaphore, #tpu.memory_space<semaphore_mem>>)
        %dma_wait3A = arith.constant 0 : i32
        %dma_wait3A_135 = tpu.memref_slice %arg6[%mul3A_131, %dma_wait3A] : memref<10000x128xf32, #tpu.memory_space<vmem_shared>> -> memref<80x128xf32, #tpu.memory_space<vmem_shared>>
        %dma_wait3A_136 = arith.constant 0 : i32
        %dma_wait3A_137 = tpu.memref_slice %arg6[%mul3A_131, %dma_wait3A_136] : memref<10000x128xf32, #tpu.memory_space<vmem_shared>> -> memref<80x128xf32, #tpu.memory_space<vmem_shared>>
        tpu.wait_dma2 semaphore(%run_scoped3A : memref<!tpu.dma_semaphore, #tpu.memory_space<semaphore_mem>>) src(%arg10 : memref<80x128xf32, #tpu.memory_space<vmem>>) dst(%dma_wait3A_137 : memref<80x128xf32, #tpu.memory_space<vmem_shared>>)
        tpu.yield
      }) : () -> ()
    } else {
    }
    %add3A_10 = arith.constant 16 : i32
    %add3A_11 = arith.addi %arg1, %add3A_10 : i32
    %lt3A_12 = arith.constant 125 : i32
    %lt3A_13 = arith.cmpi slt, %add3A_11, %lt3A_12 : i32
    %convert_element_type3A_14 = arith.extui %lt3A_13 : i1 to i32
    %cond3A_15 = arith.constant 0 : i32
    %cond3A_16 = arith.cmpi ne, %convert_element_type3A_14, %cond3A_15 : i32
    scf.if %cond3A_16 {
      %mul3A_130 = arith.constant 80 : i32
      %mul3A_131 = arith.muli %add3A_11, %mul3A_130 : i32
      "tpu.region"() ({
        %run_scoped3A = tpu.sem_alloc : memref<!tpu.dma_semaphore, #tpu.memory_space<semaphore_mem>>
        %dma_start3A = arith.constant 0 : i32
        %dma_start3A_132 = tpu.memref_slice %arg6[%mul3A_131, %dma_start3A] : memref<10000x128xf32, #tpu.memory_space<vmem_shared>> -> memref<80x128xf32, #tpu.memory_space<vmem_shared>>
        %dma_start3A_133 = arith.constant 0 : i32
        %dma_start3A_134 = tpu.memref_slice %arg6[%mul3A_131, %dma_start3A_133] : memref<10000x128xf32, #tpu.memory_space<vmem_shared>> -> memref<80x128xf32, #tpu.memory_space<vmem_shared>>
        tpu.enqueue_dma source(%arg10 : memref<80x128xf32, #tpu.memory_space<vmem>>) target(%dma_start3A_134 : memref<80x128xf32, #tpu.memory_space<vmem_shared>>) target_semaphore(%run_scoped3A : memref<!tpu.dma_semaphore, #tpu.memory_space<semaphore_mem>>)
        %dma_wait3A = arith.constant 0 : i32
        %dma_wait3A_135 = tpu.memref_slice %arg6[%mul3A_131, %dma_wait3A] : memref<10000x128xf32, #tpu.memory_space<vmem_shared>> -> memref<80x128xf32, #tpu.memory_space<vmem_shared>>
        %dma_wait3A_136 = arith.constant 0 : i32
        %dma_wait3A_137 = tpu.memref_slice %arg6[%mul3A_131, %dma_wait3A_136] : memref<10000x128xf32, #tpu.memory_space<vmem_shared>> -> memref<80x128xf32, #tpu.memory_space<vmem_shared>>
        tpu.wait_dma2 semaphore(%run_scoped3A : memref<!tpu.dma_semaphore, #tpu.memory_space<semaphore_mem>>) src(%arg10 : memref<80x128xf32, #tpu.memory_space<vmem>>) dst(%dma_wait3A_137 : memref<80x128xf32, #tpu.memory_space<vmem_shared>>)
        tpu.yield
      }) : () -> ()
    } else {
    }
    %add3A_17 = arith.constant 32 : i32
    %add3A_18 = arith.addi %arg1, %add3A_17 : i32
    %lt3A_19 = arith.constant 125 : i32
    %lt3A_20 = arith.cmpi slt, %add3A_18, %lt3A_19 : i32
    %convert_element_type3A_21 = arith.extui %lt3A_20 : i1 to i32
    %cond3A_22 = arith.constant 0 : i32
    %cond3A_23 = arith.cmpi ne, %convert_element_type3A_21, %cond3A_22 : i32
    scf.if %cond3A_23 {
      %mul3A_130 = arith.constant 80 : i32
      %mul3A_131 = arith.muli %add3A_18, %mul3A_130 : i32
      "tpu.region"() ({
        %run_scoped3A = tpu.sem_alloc : memref<!tpu.dma_semaphore, #tpu.memory_space<semaphore_mem>>
        %dma_start3A = arith.constant 0 : i32
        %dma_start3A_132 = tpu.memref_slice %arg6[%mul3A_131, %dma_start3A] : memref<10000x128xf32, #tpu.memory_space<vmem_shared>> -> memref<80x128xf32, #tpu.memory_space<vmem_shared>>
        %dma_start3A_133 = arith.constant 0 : i32
        %dma_start3A_134 = tpu.memref_slice %arg6[%mul3A_131, %dma_start3A_133] : memref<10000x128xf32, #tpu.memory_space<vmem_shared>> -> memref<80x128xf32, #tpu.memory_space<vmem_shared>>
        tpu.enqueue_dma source(%arg10 : memref<80x128xf32, #tpu.memory_space<vmem>>) target(%dma_start3A_134 : memref<80x128xf32, #tpu.memory_space<vmem_shared>>) target_semaphore(%run_scoped3A : memref<!tpu.dma_semaphore, #tpu.memory_space<semaphore_mem>>)
        %dma_wait3A = arith.constant 0 : i32
        %dma_wait3A_135 = tpu.memref_slice %arg6[%mul3A_131, %dma_wait3A] : memref<10000x128xf32, #tpu.memory_space<vmem_shared>> -> memref<80x128xf32, #tpu.memory_space<vmem_shared>>
        %dma_wait3A_136 = arith.constant 0 : i32
        %dma_wait3A_137 = tpu.memref_slice %arg6[%mul3A_131, %dma_wait3A_136] : memref<10000x128xf32, #tpu.memory_space<vmem_shared>> -> memref<80x128xf32, #tpu.memory_space<vmem_shared>>
        tpu.wait_dma2 semaphore(%run_scoped3A : memref<!tpu.dma_semaphore, #tpu.memory_space<semaphore_mem>>) src(%arg10 : memref<80x128xf32, #tpu.memory_space<vmem>>) dst(%dma_wait3A_137 : memref<80x128xf32, #tpu.memory_space<vmem_shared>>)
        tpu.yield
      }) : () -> ()
    } else {
    }
    %add3A_24 = arith.constant 48 : i32
    %add3A_25 = arith.addi %arg1, %add3A_24 : i32
    %lt3A_26 = arith.constant 125 : i32
    %lt3A_27 = arith.cmpi slt, %add3A_25, %lt3A_26 : i32
    %convert_element_type3A_28 = arith.extui %lt3A_27 : i1 to i32
    %cond3A_29 = arith.constant 0 : i32
    %cond3A_30 = arith.cmpi ne, %convert_element_type3A_28, %cond3A_29 : i32
    scf.if %cond3A_30 {
      %mul3A_130 = arith.constant 80 : i32
      %mul3A_131 = arith.muli %add3A_25, %mul3A_130 : i32
      "tpu.region"() ({
        %run_scoped3A = tpu.sem_alloc : memref<!tpu.dma_semaphore, #tpu.memory_space<semaphore_mem>>
        %dma_start3A = arith.constant 0 : i32
        %dma_start3A_132 = tpu.memref_slice %arg6[%mul3A_131, %dma_start3A] : memref<10000x128xf32, #tpu.memory_space<vmem_shared>> -> memref<80x128xf32, #tpu.memory_space<vmem_shared>>
        %dma_start3A_133 = arith.constant 0 : i32
        %dma_start3A_134 = tpu.memref_slice %arg6[%mul3A_131, %dma_start3A_133] : memref<10000x128xf32, #tpu.memory_space<vmem_shared>> -> memref<80x128xf32, #tpu.memory_space<vmem_shared>>
        tpu.enqueue_dma source(%arg10 : memref<80x128xf32, #tpu.memory_space<vmem>>) target(%dma_start3A_134 : memref<80x128xf32, #tpu.memory_space<vmem_shared>>) target_semaphore(%run_scoped3A : memref<!tpu.dma_semaphore, #tpu.memory_space<semaphore_mem>>)
        %dma_wait3A = arith.constant 0 : i32
        %dma_wait3A_135 = tpu.memref_slice %arg6[%mul3A_131, %dma_wait3A] : memref<10000x128xf32, #tpu.memory_space<vmem_shared>> -> memref<80x128xf32, #tpu.memory_space<vmem_shared>>
        %dma_wait3A_136 = arith.constant 0 : i32
        %dma_wait3A_137 = tpu.memref_slice %arg6[%mul3A_131, %dma_wait3A_136] : memref<10000x128xf32, #tpu.memory_space<vmem_shared>> -> memref<80x128xf32, #tpu.memory_space<vmem_shared>>
        tpu.wait_dma2 semaphore(%run_scoped3A : memref<!tpu.dma_semaphore, #tpu.memory_space<semaphore_mem>>) src(%arg10 : memref<80x128xf32, #tpu.memory_space<vmem>>) dst(%dma_wait3A_137 : memref<80x128xf32, #tpu.memory_space<vmem_shared>>)
        tpu.yield
      }) : () -> ()
    } else {
    }
    %add3A_31 = arith.constant 64 : i32
    %add3A_32 = arith.addi %arg1, %add3A_31 : i32
    %lt3A_33 = arith.constant 125 : i32
    %lt3A_34 = arith.cmpi slt, %add3A_32, %lt3A_33 : i32
    %convert_element_type3A_35 = arith.extui %lt3A_34 : i1 to i32
    %cond3A_36 = arith.constant 0 : i32
    %cond3A_37 = arith.cmpi ne, %convert_element_type3A_35, %cond3A_36 : i32
    scf.if %cond3A_37 {
      %mul3A_130 = arith.constant 80 : i32
      %mul3A_131 = arith.muli %add3A_32, %mul3A_130 : i32
      "tpu.region"() ({
        %run_scoped3A = tpu.sem_alloc : memref<!tpu.dma_semaphore, #tpu.memory_space<semaphore_mem>>
        %dma_start3A = arith.constant 0 : i32
        %dma_start3A_132 = tpu.memref_slice %arg6[%mul3A_131, %dma_start3A] : memref<10000x128xf32, #tpu.memory_space<vmem_shared>> -> memref<80x128xf32, #tpu.memory_space<vmem_shared>>
        %dma_start3A_133 = arith.constant 0 : i32
        %dma_start3A_134 = tpu.memref_slice %arg6[%mul3A_131, %dma_start3A_133] : memref<10000x128xf32, #tpu.memory_space<vmem_shared>> -> memref<80x128xf32, #tpu.memory_space<vmem_shared>>
        tpu.enqueue_dma source(%arg10 : memref<80x128xf32, #tpu.memory_space<vmem>>) target(%dma_start3A_134 : memref<80x128xf32, #tpu.memory_space<vmem_shared>>) target_semaphore(%run_scoped3A : memref<!tpu.dma_semaphore, #tpu.memory_space<semaphore_mem>>)
        %dma_wait3A = arith.constant 0 : i32
        %dma_wait3A_135 = tpu.memref_slice %arg6[%mul3A_131, %dma_wait3A] : memref<10000x128xf32, #tpu.memory_space<vmem_shared>> -> memref<80x128xf32, #tpu.memory_space<vmem_shared>>
        %dma_wait3A_136 = arith.constant 0 : i32
        %dma_wait3A_137 = tpu.memref_slice %arg6[%mul3A_131, %dma_wait3A_136] : memref<10000x128xf32, #tpu.memory_space<vmem_shared>> -> memref<80x128xf32, #tpu.memory_space<vmem_shared>>
        tpu.wait_dma2 semaphore(%run_scoped3A : memref<!tpu.dma_semaphore, #tpu.memory_space<semaphore_mem>>) src(%arg10 : memref<80x128xf32, #tpu.memory_space<vmem>>) dst(%dma_wait3A_137 : memref<80x128xf32, #tpu.memory_space<vmem_shared>>)
        tpu.yield
      }) : () -> ()
    } else {
    }
    %add3A_38 = arith.constant 80 : i32
    %add3A_39 = arith.addi %arg1, %add3A_38 : i32
    %lt3A_40 = arith.constant 125 : i32
    %lt3A_41 = arith.cmpi slt, %add3A_39, %lt3A_40 : i32
    %convert_element_type3A_42 = arith.extui %lt3A_41 : i1 to i32
    %cond3A_43 = arith.constant 0 : i32
    %cond3A_44 = arith.cmpi ne, %convert_element_type3A_42, %cond3A_43 : i32
    scf.if %cond3A_44 {
      %mul3A_130 = arith.constant 80 : i32
      %mul3A_131 = arith.muli %add3A_39, %mul3A_130 : i32
      "tpu.region"() ({
        %run_scoped3A = tpu.sem_alloc : memref<!tpu.dma_semaphore, #tpu.memory_space<semaphore_mem>>
        %dma_start3A = arith.constant 0 : i32
        %dma_start3A_132 = tpu.memref_slice %arg6[%mul3A_131, %dma_start3A] : memref<10000x128xf32, #tpu.memory_space<vmem_shared>> -> memref<80x128xf32, #tpu.memory_space<vmem_shared>>
        %dma_start3A_133 = arith.constant 0 : i32
        %dma_start3A_134 = tpu.memref_slice %arg6[%mul3A_131, %dma_start3A_133] : memref<10000x128xf32, #tpu.memory_space<vmem_shared>> -> memref<80x128xf32, #tpu.memory_space<vmem_shared>>
        tpu.enqueue_dma source(%arg10 : memref<80x128xf32, #tpu.memory_space<vmem>>) target(%dma_start3A_134 : memref<80x128xf32, #tpu.memory_space<vmem_shared>>) target_semaphore(%run_scoped3A : memref<!tpu.dma_semaphore, #tpu.memory_space<semaphore_mem>>)
        %dma_wait3A = arith.constant 0 : i32
        %dma_wait3A_135 = tpu.memref_slice %arg6[%mul3A_131, %dma_wait3A] : memref<10000x128xf32, #tpu.memory_space<vmem_shared>> -> memref<80x128xf32, #tpu.memory_space<vmem_shared>>
        %dma_wait3A_136 = arith.constant 0 : i32
        %dma_wait3A_137 = tpu.memref_slice %arg6[%mul3A_131, %dma_wait3A_136] : memref<10000x128xf32, #tpu.memory_space<vmem_shared>> -> memref<80x128xf32, #tpu.memory_space<vmem_shared>>
        tpu.wait_dma2 semaphore(%run_scoped3A : memref<!tpu.dma_semaphore, #tpu.memory_space<semaphore_mem>>) src(%arg10 : memref<80x128xf32, #tpu.memory_space<vmem>>) dst(%dma_wait3A_137 : memref<80x128xf32, #tpu.memory_space<vmem_shared>>)
        tpu.yield
      }) : () -> ()
    } else {
    }
    %add3A_45 = arith.constant 96 : i32
    %add3A_46 = arith.addi %arg1, %add3A_45 : i32
    %lt3A_47 = arith.constant 125 : i32
    %lt3A_48 = arith.cmpi slt, %add3A_46, %lt3A_47 : i32
    %convert_element_type3A_49 = arith.extui %lt3A_48 : i1 to i32
    %cond3A_50 = arith.constant 0 : i32
    %cond3A_51 = arith.cmpi ne, %convert_element_type3A_49, %cond3A_50 : i32
    scf.if %cond3A_51 {
      %mul3A_130 = arith.constant 80 : i32
      %mul3A_131 = arith.muli %add3A_46, %mul3A_130 : i32
      "tpu.region"() ({
        %run_scoped3A = tpu.sem_alloc : memref<!tpu.dma_semaphore, #tpu.memory_space<semaphore_mem>>
        %dma_start3A = arith.constant 0 : i32
        %dma_start3A_132 = tpu.memref_slice %arg6[%mul3A_131, %dma_start3A] : memref<10000x128xf32, #tpu.memory_space<vmem_shared>> -> memref<80x128xf32, #tpu.memory_space<vmem_shared>>
        %dma_start3A_133 = arith.constant 0 : i32
        %dma_start3A_134 = tpu.memref_slice %arg6[%mul3A_131, %dma_start3A_133] : memref<10000x128xf32, #tpu.memory_space<vmem_shared>> -> memref<80x128xf32, #tpu.memory_space<vmem_shared>>
        tpu.enqueue_dma source(%arg10 : memref<80x128xf32, #tpu.memory_space<vmem>>) target(%dma_start3A_134 : memref<80x128xf32, #tpu.memory_space<vmem_shared>>) target_semaphore(%run_scoped3A : memref<!tpu.dma_semaphore, #tpu.memory_space<semaphore_mem>>)
        %dma_wait3A = arith.constant 0 : i32
        %dma_wait3A_135 = tpu.memref_slice %arg6[%mul3A_131, %dma_wait3A] : memref<10000x128xf32, #tpu.memory_space<vmem_shared>> -> memref<80x128xf32, #tpu.memory_space<vmem_shared>>
        %dma_wait3A_136 = arith.constant 0 : i32
        %dma_wait3A_137 = tpu.memref_slice %arg6[%mul3A_131, %dma_wait3A_136] : memref<10000x128xf32, #tpu.memory_space<vmem_shared>> -> memref<80x128xf32, #tpu.memory_space<vmem_shared>>
        tpu.wait_dma2 semaphore(%run_scoped3A : memref<!tpu.dma_semaphore, #tpu.memory_space<semaphore_mem>>) src(%arg10 : memref<80x128xf32, #tpu.memory_space<vmem>>) dst(%dma_wait3A_137 : memref<80x128xf32, #tpu.memory_space<vmem_shared>>)
        tpu.yield
      }) : () -> ()
    } else {
    }
    %add3A_52 = arith.constant 112 : i32
    %add3A_53 = arith.addi %arg1, %add3A_52 : i32
    %lt3A_54 = arith.constant 125 : i32
    %lt3A_55 = arith.cmpi slt, %add3A_53, %lt3A_54 : i32
    %convert_element_type3A_56 = arith.extui %lt3A_55 : i1 to i32
    %cond3A_57 = arith.constant 0 : i32
    %cond3A_58 = arith.cmpi ne, %convert_element_type3A_56, %cond3A_57 : i32
    scf.if %cond3A_58 {
      %mul3A_130 = arith.constant 80 : i32
      %mul3A_131 = arith.muli %add3A_53, %mul3A_130 : i32
      "tpu.region"() ({
        %run_scoped3A = tpu.sem_alloc : memref<!tpu.dma_semaphore, #tpu.memory_space<semaphore_mem>>
        %dma_start3A = arith.constant 0 : i32
        %dma_start3A_132 = tpu.memref_slice %arg6[%mul3A_131, %dma_start3A] : memref<10000x128xf32, #tpu.memory_space<vmem_shared>> -> memref<80x128xf32, #tpu.memory_space<vmem_shared>>
        %dma_start3A_133 = arith.constant 0 : i32
        %dma_start3A_134 = tpu.memref_slice %arg6[%mul3A_131, %dma_start3A_133] : memref<10000x128xf32, #tpu.memory_space<vmem_shared>> -> memref<80x128xf32, #tpu.memory_space<vmem_shared>>
        tpu.enqueue_dma source(%arg10 : memref<80x128xf32, #tpu.memory_space<vmem>>) target(%dma_start3A_134 : memref<80x128xf32, #tpu.memory_space<vmem_shared>>) target_semaphore(%run_scoped3A : memref<!tpu.dma_semaphore, #tpu.memory_space<semaphore_mem>>)
        %dma_wait3A = arith.constant 0 : i32
        %dma_wait3A_135 = tpu.memref_slice %arg6[%mul3A_131, %dma_wait3A] : memref<10000x128xf32, #tpu.memory_space<vmem_shared>> -> memref<80x128xf32, #tpu.memory_space<vmem_shared>>
        %dma_wait3A_136 = arith.constant 0 : i32
        %dma_wait3A_137 = tpu.memref_slice %arg6[%mul3A_131, %dma_wait3A_136] : memref<10000x128xf32, #tpu.memory_space<vmem_shared>> -> memref<80x128xf32, #tpu.memory_space<vmem_shared>>
        tpu.wait_dma2 semaphore(%run_scoped3A : memref<!tpu.dma_semaphore, #tpu.memory_space<semaphore_mem>>) src(%arg10 : memref<80x128xf32, #tpu.memory_space<vmem>>) dst(%dma_wait3A_137 : memref<80x128xf32, #tpu.memory_space<vmem_shared>>)
        tpu.yield
      }) : () -> ()
    } else {
    }
    %barrier3A = arith.constant 0 : index
    tpu.barrier barrier_id(%barrier3A)
    %lt3A_59 = arith.constant 4 : i32
    %lt3A_60 = arith.cmpi slt, %add3A, %lt3A_59 : i32
    %jit3A = arith.constant 1 : i32
    %jit3A_61 = arith.constant 0 : i32
    %select_n3A = arith.select %lt3A_60, %jit3A, %jit3A_61 : i32
    %add3A_62 = arith.constant 78 : i32
    %add3A_63 = arith.addi %add3A_62, %select_n3A : i32
    %while3A = arith.constant 0 : i32
    %while3A_64 = arith.constant 0 : i32
    %while3A_65 = arith.subi %add3A_63, %while3A_64 : i32
    %while3A_66 = arith.addi %while3A_64, %while3A_65 : i32
    %while3A_67 = arith.constant 1 : i32
    %while3A_68 = arith.divsi %while3A_65, %while3A_67 : i32
    %while3A_69 = arith.muli %while3A_68, %while3A_67 : i32
    %while3A_70 = arith.addi %while3A_64, %while3A_69 : i32
    %while3A_71 = arith.constant 1 : i32
    scf.for %while3A_130 = %while3A_64 to %while3A_70 step %while3A_71  : i32 {
      %mul3A_131 = arith.constant 32 : i32
      %mul3A_132 = arith.muli %while3A_130, %mul3A_131 : i32
      %add3A_133 = arith.addi %add3A, %mul3A_132 : i32
      %mul3A_134 = arith.constant 128 : i32
      %mul3A_135 = arith.muli %add3A_133, %mul3A_134 : i32
      "tpu.region"() ({
        %run_scoped3A = tpu.sem_alloc : memref<!tpu.dma_semaphore, #tpu.memory_space<semaphore_mem>>
        %dma_start3A_140 = tpu.memref_slice %arg3[%mul3A_135] : memref<320000xi32, #tpu.memory_space<hbm>> -> memref<128xi32, #tpu.memory_space<hbm>>
        %dma_start3A_141 = tpu.memref_slice %arg3[%mul3A_135] : memref<320000xi32, #tpu.memory_space<hbm>> -> memref<128xi32, #tpu.memory_space<hbm>>
        tpu.enqueue_dma source(%dma_start3A_141 : memref<128xi32, #tpu.memory_space<hbm>>) target(%arg7 : memref<128xi32, #tpu.memory_space<vmem>>) target_semaphore(%run_scoped3A : memref<!tpu.dma_semaphore, #tpu.memory_space<semaphore_mem>>)
        %dma_wait3A_142 = tpu.memref_slice %arg3[%mul3A_135] : memref<320000xi32, #tpu.memory_space<hbm>> -> memref<128xi32, #tpu.memory_space<hbm>>
        %dma_wait3A_143 = tpu.memref_slice %arg3[%mul3A_135] : memref<320000xi32, #tpu.memory_space<hbm>> -> memref<128xi32, #tpu.memory_space<hbm>>
        tpu.wait_dma2 semaphore(%run_scoped3A : memref<!tpu.dma_semaphore, #tpu.memory_space<semaphore_mem>>) src(%dma_wait3A_143 : memref<128xi32, #tpu.memory_space<hbm>>) dst(%arg7 : memref<128xi32, #tpu.memory_space<vmem>>)
        tpu.yield
      }) : () -> ()
      "tpu.region"() ({
        %run_scoped3A = tpu.sem_alloc : memref<!tpu.dma_semaphore, #tpu.memory_space<semaphore_mem>>
        %dma_start3A_140 = tpu.memref_slice %arg4[%mul3A_135] : memref<320000xi32, #tpu.memory_space<hbm>> -> memref<128xi32, #tpu.memory_space<hbm>>
        %dma_start3A_141 = tpu.memref_slice %arg4[%mul3A_135] : memref<320000xi32, #tpu.memory_space<hbm>> -> memref<128xi32, #tpu.memory_space<hbm>>
        tpu.enqueue_dma source(%dma_start3A_141 : memref<128xi32, #tpu.memory_space<hbm>>) target(%arg8 : memref<128xi32, #tpu.memory_space<vmem>>) target_semaphore(%run_scoped3A : memref<!tpu.dma_semaphore, #tpu.memory_space<semaphore_mem>>)
        %dma_wait3A_142 = tpu.memref_slice %arg4[%mul3A_135] : memref<320000xi32, #tpu.memory_space<hbm>> -> memref<128xi32, #tpu.memory_space<hbm>>
        %dma_wait3A_143 = tpu.memref_slice %arg4[%mul3A_135] : memref<320000xi32, #tpu.memory_space<hbm>> -> memref<128xi32, #tpu.memory_space<hbm>>
        tpu.wait_dma2 semaphore(%run_scoped3A : memref<!tpu.dma_semaphore, #tpu.memory_space<semaphore_mem>>) src(%dma_wait3A_143 : memref<128xi32, #tpu.memory_space<hbm>>) dst(%arg8 : memref<128xi32, #tpu.memory_space<vmem>>)
        tpu.yield
      }) : () -> ()
      %dma_start3A = arith.constant 0 : i32
      %dma_start3A_136 = arith.constant 0 : i32
      %dma_start3A_137 = tpu.memref_slice %arg2[%dma_start3A, %dma_start3A_136] : memref<10000x128xf32, #tpu.memory_space<hbm>> -> memref<10000x128xf32, #tpu.memory_space<hbm>>
      tpu.enqueue_indirect_dma source(%dma_start3A_137 : memref<10000x128xf32, #tpu.memory_space<hbm>>) target(%arg9 : memref<128x128xf32, #tpu.memory_space<vmem>>) offsets(%arg7 : memref<128xi32, #tpu.memory_space<vmem>>) semaphore(%arg11 : memref<!tpu.dma_semaphore, #tpu.memory_space<semaphore_mem>>)
      %dma_wait3A = arith.constant 0 : i32
      %dma_wait3A_138 = arith.constant 0 : i32
      %dma_wait3A_139 = tpu.memref_slice %arg2[%dma_wait3A, %dma_wait3A_138] : memref<10000x128xf32, #tpu.memory_space<hbm>> -> memref<10000x128xf32, #tpu.memory_space<hbm>>
      tpu.wait_indirect_dma semaphore(%arg11 : memref<!tpu.dma_semaphore, #tpu.memory_space<semaphore_mem>>) src(%dma_wait3A_139 : memref<10000x128xf32, #tpu.memory_space<hbm>>) dst(%arg9 : memref<128x128xf32, #tpu.memory_space<vmem>>)
      "tpu.region"() ({
        %run_scoped3A = tpu.sem_alloc : memref<!tpu.dma_semaphore, #tpu.memory_space<semaphore_mem>>
        %dma_start3A_140 = arith.constant 0 : i32
        %dma_start3A_141 = arith.constant 0 : i32
        %dma_start3A_142 = tpu.memref_slice %arg6[%dma_start3A_140, %dma_start3A_141] : memref<10000x128xf32, #tpu.memory_space<vmem_shared>> -> memref<10000x128xf32, #tpu.memory_space<vmem_shared>>
        tpu.enqueue_indirect_dma source(%arg9 : memref<128x128xf32, #tpu.memory_space<vmem>>) target(%dma_start3A_142 : memref<10000x128xf32, #tpu.memory_space<vmem_shared>>) offsets(%arg8 : memref<128xi32, #tpu.memory_space<vmem>>) semaphore(%run_scoped3A : memref<!tpu.dma_semaphore, #tpu.memory_space<semaphore_mem>>) {add = true}
        %dma_wait3A_143 = arith.constant 0 : i32
        %dma_wait3A_144 = arith.constant 0 : i32
        %dma_wait3A_145 = tpu.memref_slice %arg6[%dma_wait3A_143, %dma_wait3A_144] : memref<10000x128xf32, #tpu.memory_space<vmem_shared>> -> memref<10000x128xf32, #tpu.memory_space<vmem_shared>>
        tpu.wait_indirect_dma semaphore(%run_scoped3A : memref<!tpu.dma_semaphore, #tpu.memory_space<semaphore_mem>>) src(%arg9 : memref<128x128xf32, #tpu.memory_space<vmem>>) dst(%dma_wait3A_145 : memref<10000x128xf32, #tpu.memory_space<vmem_shared>>)
        tpu.yield
      }) : () -> ()
    }
    %while3A_72 = arith.constant 1 : i32
    scf.for %while3A_130 = %while3A_70 to %while3A_66 step %while3A_72  : i32 {
      %mul3A_131 = arith.constant 32 : i32
      %mul3A_132 = arith.muli %while3A_130, %mul3A_131 : i32
      %add3A_133 = arith.addi %add3A, %mul3A_132 : i32
      %mul3A_134 = arith.constant 128 : i32
      %mul3A_135 = arith.muli %add3A_133, %mul3A_134 : i32
      "tpu.region"() ({
        %run_scoped3A = tpu.sem_alloc : memref<!tpu.dma_semaphore, #tpu.memory_space<semaphore_mem>>
        %dma_start3A_140 = tpu.memref_slice %arg3[%mul3A_135] : memref<320000xi32, #tpu.memory_space<hbm>> -> memref<128xi32, #tpu.memory_space<hbm>>
        %dma_start3A_141 = tpu.memref_slice %arg3[%mul3A_135] : memref<320000xi32, #tpu.memory_space<hbm>> -> memref<128xi32, #tpu.memory_space<hbm>>
        tpu.enqueue_dma source(%dma_start3A_141 : memref<128xi32, #tpu.memory_space<hbm>>) target(%arg7 : memref<128xi32, #tpu.memory_space<vmem>>) target_semaphore(%run_scoped3A : memref<!tpu.dma_semaphore, #tpu.memory_space<semaphore_mem>>)
        %dma_wait3A_142 = tpu.memref_slice %arg3[%mul3A_135] : memref<320000xi32, #tpu.memory_space<hbm>> -> memref<128xi32, #tpu.memory_space<hbm>>
        %dma_wait3A_143 = tpu.memref_slice %arg3[%mul3A_135] : memref<320000xi32, #tpu.memory_space<hbm>> -> memref<128xi32, #tpu.memory_space<hbm>>
        tpu.wait_dma2 semaphore(%run_scoped3A : memref<!tpu.dma_semaphore, #tpu.memory_space<semaphore_mem>>) src(%dma_wait3A_143 : memref<128xi32, #tpu.memory_space<hbm>>) dst(%arg7 : memref<128xi32, #tpu.memory_space<vmem>>)
        tpu.yield
      }) : () -> ()
      "tpu.region"() ({
        %run_scoped3A = tpu.sem_alloc : memref<!tpu.dma_semaphore, #tpu.memory_space<semaphore_mem>>
        %dma_start3A_140 = tpu.memref_slice %arg4[%mul3A_135] : memref<320000xi32, #tpu.memory_space<hbm>> -> memref<128xi32, #tpu.memory_space<hbm>>
        %dma_start3A_141 = tpu.memref_slice %arg4[%mul3A_135] : memref<320000xi32, #tpu.memory_space<hbm>> -> memref<128xi32, #tpu.memory_space<hbm>>
        tpu.enqueue_dma source(%dma_start3A_141 : memref<128xi32, #tpu.memory_space<hbm>>) target(%arg8 : memref<128xi32, #tpu.memory_space<vmem>>) target_semaphore(%run_scoped3A : memref<!tpu.dma_semaphore, #tpu.memory_space<semaphore_mem>>)
        %dma_wait3A_142 = tpu.memref_slice %arg4[%mul3A_135] : memref<320000xi32, #tpu.memory_space<hbm>> -> memref<128xi32, #tpu.memory_space<hbm>>
        %dma_wait3A_143 = tpu.memref_slice %arg4[%mul3A_135] : memref<320000xi32, #tpu.memory_space<hbm>> -> memref<128xi32, #tpu.memory_space<hbm>>
        tpu.wait_dma2 semaphore(%run_scoped3A : memref<!tpu.dma_semaphore, #tpu.memory_space<semaphore_mem>>) src(%dma_wait3A_143 : memref<128xi32, #tpu.memory_space<hbm>>) dst(%arg8 : memref<128xi32, #tpu.memory_space<vmem>>)
        tpu.yield
      }) : () -> ()
      %dma_start3A = arith.constant 0 : i32
      %dma_start3A_136 = arith.constant 0 : i32
      %dma_start3A_137 = tpu.memref_slice %arg2[%dma_start3A, %dma_start3A_136] : memref<10000x128xf32, #tpu.memory_space<hbm>> -> memref<10000x128xf32, #tpu.memory_space<hbm>>
      tpu.enqueue_indirect_dma source(%dma_start3A_137 : memref<10000x128xf32, #tpu.memory_space<hbm>>) target(%arg9 : memref<128x128xf32, #tpu.memory_space<vmem>>) offsets(%arg7 : memref<128xi32, #tpu.memory_space<vmem>>) semaphore(%arg11 : memref<!tpu.dma_semaphore, #tpu.memory_space<semaphore_mem>>)
      %dma_wait3A = arith.constant 0 : i32
      %dma_wait3A_138 = arith.constant 0 : i32
      %dma_wait3A_139 = tpu.memref_slice %arg2[%dma_wait3A, %dma_wait3A_138] : memref<10000x128xf32, #tpu.memory_space<hbm>> -> memref<10000x128xf32, #tpu.memory_space<hbm>>
      tpu.wait_indirect_dma semaphore(%arg11 : memref<!tpu.dma_semaphore, #tpu.memory_space<semaphore_mem>>) src(%dma_wait3A_139 : memref<10000x128xf32, #tpu.memory_space<hbm>>) dst(%arg9 : memref<128x128xf32, #tpu.memory_space<vmem>>)
      "tpu.region"() ({
        %run_scoped3A = tpu.sem_alloc : memref<!tpu.dma_semaphore, #tpu.memory_space<semaphore_mem>>
        %dma_start3A_140 = arith.constant 0 : i32
        %dma_start3A_141 = arith.constant 0 : i32
        %dma_start3A_142 = tpu.memref_slice %arg6[%dma_start3A_140, %dma_start3A_141] : memref<10000x128xf32, #tpu.memory_space<vmem_shared>> -> memref<10000x128xf32, #tpu.memory_space<vmem_shared>>
        tpu.enqueue_indirect_dma source(%arg9 : memref<128x128xf32, #tpu.memory_space<vmem>>) target(%dma_start3A_142 : memref<10000x128xf32, #tpu.memory_space<vmem_shared>>) offsets(%arg8 : memref<128xi32, #tpu.memory_space<vmem>>) semaphore(%run_scoped3A : memref<!tpu.dma_semaphore, #tpu.memory_space<semaphore_mem>>) {add = true}
        %dma_wait3A_143 = arith.constant 0 : i32
        %dma_wait3A_144 = arith.constant 0 : i32
        %dma_wait3A_145 = tpu.memref_slice %arg6[%dma_wait3A_143, %dma_wait3A_144] : memref<10000x128xf32, #tpu.memory_space<vmem_shared>> -> memref<10000x128xf32, #tpu.memory_space<vmem_shared>>
        tpu.wait_indirect_dma semaphore(%run_scoped3A : memref<!tpu.dma_semaphore, #tpu.memory_space<semaphore_mem>>) src(%arg9 : memref<128x128xf32, #tpu.memory_space<vmem>>) dst(%dma_wait3A_145 : memref<10000x128xf32, #tpu.memory_space<vmem_shared>>)
        tpu.yield
      }) : () -> ()
    }
    %barrier3A_73 = arith.constant 0 : index
    tpu.barrier barrier_id(%barrier3A_73)
    %add3A_74 = arith.constant 0 : i32
    %add3A_75 = arith.addi %arg1, %add3A_74 : i32
    %lt3A_76 = arith.constant 125 : i32
    %lt3A_77 = arith.cmpi slt, %add3A_75, %lt3A_76 : i32
    %convert_element_type3A_78 = arith.extui %lt3A_77 : i1 to i32
    %cond3A_79 = arith.constant 0 : i32
    %cond3A_80 = arith.cmpi ne, %convert_element_type3A_78, %cond3A_79 : i32
    scf.if %cond3A_80 {
      %mul3A_130 = arith.constant 80 : i32
      %mul3A_131 = arith.muli %add3A_75, %mul3A_130 : i32
      "tpu.region"() ({
        %run_scoped3A = tpu.sem_alloc : memref<!tpu.dma_semaphore, #tpu.memory_space<semaphore_mem>>
        %dma_start3A = arith.constant 0 : i32
        %dma_start3A_137 = tpu.memref_slice %arg6[%mul3A_131, %dma_start3A] : memref<10000x128xf32, #tpu.memory_space<vmem_shared>> -> memref<80x128xf32, #tpu.memory_space<vmem_shared>>
        %dma_start3A_138 = arith.constant 0 : i32
        %dma_start3A_139 = tpu.memref_slice %arg6[%mul3A_131, %dma_start3A_138] : memref<10000x128xf32, #tpu.memory_space<vmem_shared>> -> memref<80x128xf32, #tpu.memory_space<vmem_shared>>
        tpu.enqueue_dma source(%dma_start3A_139 : memref<80x128xf32, #tpu.memory_space<vmem_shared>>) target(%arg10 : memref<80x128xf32, #tpu.memory_space<vmem>>) target_semaphore(%run_scoped3A : memref<!tpu.dma_semaphore, #tpu.memory_space<semaphore_mem>>)
        %dma_wait3A = arith.constant 0 : i32
        %dma_wait3A_140 = tpu.memref_slice %arg6[%mul3A_131, %dma_wait3A] : memref<10000x128xf32, #tpu.memory_space<vmem_shared>> -> memref<80x128xf32, #tpu.memory_space<vmem_shared>>
        %dma_wait3A_141 = arith.constant 0 : i32
        %dma_wait3A_142 = tpu.memref_slice %arg6[%mul3A_131, %dma_wait3A_141] : memref<10000x128xf32, #tpu.memory_space<vmem_shared>> -> memref<80x128xf32, #tpu.memory_space<vmem_shared>>
        tpu.wait_dma2 semaphore(%run_scoped3A : memref<!tpu.dma_semaphore, #tpu.memory_space<semaphore_mem>>) src(%dma_wait3A_142 : memref<80x128xf32, #tpu.memory_space<vmem_shared>>) dst(%arg10 : memref<80x128xf32, #tpu.memory_space<vmem>>)
        tpu.yield
      }) : () -> ()
      %mul3A_132 = arith.constant 10000 : i32
      %mul3A_133 = arith.muli %arg0, %mul3A_132 : i32
      %mul3A_134 = arith.constant 80 : i32
      %mul3A_135 = arith.muli %add3A_75, %mul3A_134 : i32
      %add3A_136 = arith.addi %mul3A_133, %mul3A_135 : i32
      "tpu.region"() ({
        %run_scoped3A = tpu.sem_alloc : memref<!tpu.dma_semaphore, #tpu.memory_space<semaphore_mem>>
        %dma_start3A = arith.constant 0 : i32
        %dma_start3A_137 = tpu.memref_slice %arg5[%add3A_136, %dma_start3A] : memref<20000x128xf32, #tpu.memory_space<hbm>> -> memref<80x128xf32, #tpu.memory_space<hbm>>
        %dma_start3A_138 = arith.constant 0 : i32
        %dma_start3A_139 = tpu.memref_slice %arg5[%add3A_136, %dma_start3A_138] : memref<20000x128xf32, #tpu.memory_space<hbm>> -> memref<80x128xf32, #tpu.memory_space<hbm>>
        tpu.enqueue_dma source(%arg10 : memref<80x128xf32, #tpu.memory_space<vmem>>) target(%dma_start3A_139 : memref<80x128xf32, #tpu.memory_space<hbm>>) target_semaphore(%run_scoped3A : memref<!tpu.dma_semaphore, #tpu.memory_space<semaphore_mem>>)
        %dma_wait3A = arith.constant 0 : i32
        %dma_wait3A_140 = tpu.memref_slice %arg5[%add3A_136, %dma_wait3A] : memref<20000x128xf32, #tpu.memory_space<hbm>> -> memref<80x128xf32, #tpu.memory_space<hbm>>
        %dma_wait3A_141 = arith.constant 0 : i32
        %dma_wait3A_142 = tpu.memref_slice %arg5[%add3A_136, %dma_wait3A_141] : memref<20000x128xf32, #tpu.memory_space<hbm>> -> memref<80x128xf32, #tpu.memory_space<hbm>>
        tpu.wait_dma2 semaphore(%run_scoped3A : memref<!tpu.dma_semaphore, #tpu.memory_space<semaphore_mem>>) src(%arg10 : memref<80x128xf32, #tpu.memory_space<vmem>>) dst(%dma_wait3A_142 : memref<80x128xf32, #tpu.memory_space<hbm>>)
        tpu.yield
      }) : () -> ()
    } else {
    }
    %add3A_81 = arith.constant 16 : i32
    %add3A_82 = arith.addi %arg1, %add3A_81 : i32
    %lt3A_83 = arith.constant 125 : i32
    %lt3A_84 = arith.cmpi slt, %add3A_82, %lt3A_83 : i32
    %convert_element_type3A_85 = arith.extui %lt3A_84 : i1 to i32
    %cond3A_86 = arith.constant 0 : i32
    %cond3A_87 = arith.cmpi ne, %convert_element_type3A_85, %cond3A_86 : i32
    scf.if %cond3A_87 {
      %mul3A_130 = arith.constant 80 : i32
      %mul3A_131 = arith.muli %add3A_82, %mul3A_130 : i32
      "tpu.region"() ({
        %run_scoped3A = tpu.sem_alloc : memref<!tpu.dma_semaphore, #tpu.memory_space<semaphore_mem>>
        %dma_start3A = arith.constant 0 : i32
        %dma_start3A_137 = tpu.memref_slice %arg6[%mul3A_131, %dma_start3A] : memref<10000x128xf32, #tpu.memory_space<vmem_shared>> -> memref<80x128xf32, #tpu.memory_space<vmem_shared>>
        %dma_start3A_138 = arith.constant 0 : i32
        %dma_start3A_139 = tpu.memref_slice %arg6[%mul3A_131, %dma_start3A_138] : memref<10000x128xf32, #tpu.memory_space<vmem_shared>> -> memref<80x128xf32, #tpu.memory_space<vmem_shared>>
        tpu.enqueue_dma source(%dma_start3A_139 : memref<80x128xf32, #tpu.memory_space<vmem_shared>>) target(%arg10 : memref<80x128xf32, #tpu.memory_space<vmem>>) target_semaphore(%run_scoped3A : memref<!tpu.dma_semaphore, #tpu.memory_space<semaphore_mem>>)
        %dma_wait3A = arith.constant 0 : i32
        %dma_wait3A_140 = tpu.memref_slice %arg6[%mul3A_131, %dma_wait3A] : memref<10000x128xf32, #tpu.memory_space<vmem_shared>> -> memref<80x128xf32, #tpu.memory_space<vmem_shared>>
        %dma_wait3A_141 = arith.constant 0 : i32
        %dma_wait3A_142 = tpu.memref_slice %arg6[%mul3A_131, %dma_wait3A_141] : memref<10000x128xf32, #tpu.memory_space<vmem_shared>> -> memref<80x128xf32, #tpu.memory_space<vmem_shared>>
        tpu.wait_dma2 semaphore(%run_scoped3A : memref<!tpu.dma_semaphore, #tpu.memory_space<semaphore_mem>>) src(%dma_wait3A_142 : memref<80x128xf32, #tpu.memory_space<vmem_shared>>) dst(%arg10 : memref<80x128xf32, #tpu.memory_space<vmem>>)
        tpu.yield
      }) : () -> ()
      %mul3A_132 = arith.constant 10000 : i32
      %mul3A_133 = arith.muli %arg0, %mul3A_132 : i32
      %mul3A_134 = arith.constant 80 : i32
      %mul3A_135 = arith.muli %add3A_82, %mul3A_134 : i32
      %add3A_136 = arith.addi %mul3A_133, %mul3A_135 : i32
      "tpu.region"() ({
        %run_scoped3A = tpu.sem_alloc : memref<!tpu.dma_semaphore, #tpu.memory_space<semaphore_mem>>
        %dma_start3A = arith.constant 0 : i32
        %dma_start3A_137 = tpu.memref_slice %arg5[%add3A_136, %dma_start3A] : memref<20000x128xf32, #tpu.memory_space<hbm>> -> memref<80x128xf32, #tpu.memory_space<hbm>>
        %dma_start3A_138 = arith.constant 0 : i32
        %dma_start3A_139 = tpu.memref_slice %arg5[%add3A_136, %dma_start3A_138] : memref<20000x128xf32, #tpu.memory_space<hbm>> -> memref<80x128xf32, #tpu.memory_space<hbm>>
        tpu.enqueue_dma source(%arg10 : memref<80x128xf32, #tpu.memory_space<vmem>>) target(%dma_start3A_139 : memref<80x128xf32, #tpu.memory_space<hbm>>) target_semaphore(%run_scoped3A : memref<!tpu.dma_semaphore, #tpu.memory_space<semaphore_mem>>)
        %dma_wait3A = arith.constant 0 : i32
        %dma_wait3A_140 = tpu.memref_slice %arg5[%add3A_136, %dma_wait3A] : memref<20000x128xf32, #tpu.memory_space<hbm>> -> memref<80x128xf32, #tpu.memory_space<hbm>>
        %dma_wait3A_141 = arith.constant 0 : i32
        %dma_wait3A_142 = tpu.memref_slice %arg5[%add3A_136, %dma_wait3A_141] : memref<20000x128xf32, #tpu.memory_space<hbm>> -> memref<80x128xf32, #tpu.memory_space<hbm>>
        tpu.wait_dma2 semaphore(%run_scoped3A : memref<!tpu.dma_semaphore, #tpu.memory_space<semaphore_mem>>) src(%arg10 : memref<80x128xf32, #tpu.memory_space<vmem>>) dst(%dma_wait3A_142 : memref<80x128xf32, #tpu.memory_space<hbm>>)
        tpu.yield
      }) : () -> ()
    } else {
    }
    %add3A_88 = arith.constant 32 : i32
    %add3A_89 = arith.addi %arg1, %add3A_88 : i32
    %lt3A_90 = arith.constant 125 : i32
    %lt3A_91 = arith.cmpi slt, %add3A_89, %lt3A_90 : i32
    %convert_element_type3A_92 = arith.extui %lt3A_91 : i1 to i32
    %cond3A_93 = arith.constant 0 : i32
    %cond3A_94 = arith.cmpi ne, %convert_element_type3A_92, %cond3A_93 : i32
    scf.if %cond3A_94 {
      %mul3A_130 = arith.constant 80 : i32
      %mul3A_131 = arith.muli %add3A_89, %mul3A_130 : i32
      "tpu.region"() ({
        %run_scoped3A = tpu.sem_alloc : memref<!tpu.dma_semaphore, #tpu.memory_space<semaphore_mem>>
        %dma_start3A = arith.constant 0 : i32
        %dma_start3A_137 = tpu.memref_slice %arg6[%mul3A_131, %dma_start3A] : memref<10000x128xf32, #tpu.memory_space<vmem_shared>> -> memref<80x128xf32, #tpu.memory_space<vmem_shared>>
        %dma_start3A_138 = arith.constant 0 : i32
        %dma_start3A_139 = tpu.memref_slice %arg6[%mul3A_131, %dma_start3A_138] : memref<10000x128xf32, #tpu.memory_space<vmem_shared>> -> memref<80x128xf32, #tpu.memory_space<vmem_shared>>
        tpu.enqueue_dma source(%dma_start3A_139 : memref<80x128xf32, #tpu.memory_space<vmem_shared>>) target(%arg10 : memref<80x128xf32, #tpu.memory_space<vmem>>) target_semaphore(%run_scoped3A : memref<!tpu.dma_semaphore, #tpu.memory_space<semaphore_mem>>)
        %dma_wait3A = arith.constant 0 : i32
        %dma_wait3A_140 = tpu.memref_slice %arg6[%mul3A_131, %dma_wait3A] : memref<10000x128xf32, #tpu.memory_space<vmem_shared>> -> memref<80x128xf32, #tpu.memory_space<vmem_shared>>
        %dma_wait3A_141 = arith.constant 0 : i32
        %dma_wait3A_142 = tpu.memref_slice %arg6[%mul3A_131, %dma_wait3A_141] : memref<10000x128xf32, #tpu.memory_space<vmem_shared>> -> memref<80x128xf32, #tpu.memory_space<vmem_shared>>
        tpu.wait_dma2 semaphore(%run_scoped3A : memref<!tpu.dma_semaphore, #tpu.memory_space<semaphore_mem>>) src(%dma_wait3A_142 : memref<80x128xf32, #tpu.memory_space<vmem_shared>>) dst(%arg10 : memref<80x128xf32, #tpu.memory_space<vmem>>)
        tpu.yield
      }) : () -> ()
      %mul3A_132 = arith.constant 10000 : i32
      %mul3A_133 = arith.muli %arg0, %mul3A_132 : i32
      %mul3A_134 = arith.constant 80 : i32
      %mul3A_135 = arith.muli %add3A_89, %mul3A_134 : i32
      %add3A_136 = arith.addi %mul3A_133, %mul3A_135 : i32
      "tpu.region"() ({
        %run_scoped3A = tpu.sem_alloc : memref<!tpu.dma_semaphore, #tpu.memory_space<semaphore_mem>>
        %dma_start3A = arith.constant 0 : i32
        %dma_start3A_137 = tpu.memref_slice %arg5[%add3A_136, %dma_start3A] : memref<20000x128xf32, #tpu.memory_space<hbm>> -> memref<80x128xf32, #tpu.memory_space<hbm>>
        %dma_start3A_138 = arith.constant 0 : i32
        %dma_start3A_139 = tpu.memref_slice %arg5[%add3A_136, %dma_start3A_138] : memref<20000x128xf32, #tpu.memory_space<hbm>> -> memref<80x128xf32, #tpu.memory_space<hbm>>
        tpu.enqueue_dma source(%arg10 : memref<80x128xf32, #tpu.memory_space<vmem>>) target(%dma_start3A_139 : memref<80x128xf32, #tpu.memory_space<hbm>>) target_semaphore(%run_scoped3A : memref<!tpu.dma_semaphore, #tpu.memory_space<semaphore_mem>>)
        %dma_wait3A = arith.constant 0 : i32
        %dma_wait3A_140 = tpu.memref_slice %arg5[%add3A_136, %dma_wait3A] : memref<20000x128xf32, #tpu.memory_space<hbm>> -> memref<80x128xf32, #tpu.memory_space<hbm>>
        %dma_wait3A_141 = arith.constant 0 : i32
        %dma_wait3A_142 = tpu.memref_slice %arg5[%add3A_136, %dma_wait3A_141] : memref<20000x128xf32, #tpu.memory_space<hbm>> -> memref<80x128xf32, #tpu.memory_space<hbm>>
        tpu.wait_dma2 semaphore(%run_scoped3A : memref<!tpu.dma_semaphore, #tpu.memory_space<semaphore_mem>>) src(%arg10 : memref<80x128xf32, #tpu.memory_space<vmem>>) dst(%dma_wait3A_142 : memref<80x128xf32, #tpu.memory_space<hbm>>)
        tpu.yield
      }) : () -> ()
    } else {
    }
    %add3A_95 = arith.constant 48 : i32
    %add3A_96 = arith.addi %arg1, %add3A_95 : i32
    %lt3A_97 = arith.constant 125 : i32
    %lt3A_98 = arith.cmpi slt, %add3A_96, %lt3A_97 : i32
    %convert_element_type3A_99 = arith.extui %lt3A_98 : i1 to i32
    %cond3A_100 = arith.constant 0 : i32
    %cond3A_101 = arith.cmpi ne, %convert_element_type3A_99, %cond3A_100 : i32
    scf.if %cond3A_101 {
      %mul3A_130 = arith.constant 80 : i32
      %mul3A_131 = arith.muli %add3A_96, %mul3A_130 : i32
      "tpu.region"() ({
        %run_scoped3A = tpu.sem_alloc : memref<!tpu.dma_semaphore, #tpu.memory_space<semaphore_mem>>
        %dma_start3A = arith.constant 0 : i32
        %dma_start3A_137 = tpu.memref_slice %arg6[%mul3A_131, %dma_start3A] : memref<10000x128xf32, #tpu.memory_space<vmem_shared>> -> memref<80x128xf32, #tpu.memory_space<vmem_shared>>
        %dma_start3A_138 = arith.constant 0 : i32
        %dma_start3A_139 = tpu.memref_slice %arg6[%mul3A_131, %dma_start3A_138] : memref<10000x128xf32, #tpu.memory_space<vmem_shared>> -> memref<80x128xf32, #tpu.memory_space<vmem_shared>>
        tpu.enqueue_dma source(%dma_start3A_139 : memref<80x128xf32, #tpu.memory_space<vmem_shared>>) target(%arg10 : memref<80x128xf32, #tpu.memory_space<vmem>>) target_semaphore(%run_scoped3A : memref<!tpu.dma_semaphore, #tpu.memory_space<semaphore_mem>>)
        %dma_wait3A = arith.constant 0 : i32
        %dma_wait3A_140 = tpu.memref_slice %arg6[%mul3A_131, %dma_wait3A] : memref<10000x128xf32, #tpu.memory_space<vmem_shared>> -> memref<80x128xf32, #tpu.memory_space<vmem_shared>>
        %dma_wait3A_141 = arith.constant 0 : i32
        %dma_wait3A_142 = tpu.memref_slice %arg6[%mul3A_131, %dma_wait3A_141] : memref<10000x128xf32, #tpu.memory_space<vmem_shared>> -> memref<80x128xf32, #tpu.memory_space<vmem_shared>>
        tpu.wait_dma2 semaphore(%run_scoped3A : memref<!tpu.dma_semaphore, #tpu.memory_space<semaphore_mem>>) src(%dma_wait3A_142 : memref<80x128xf32, #tpu.memory_space<vmem_shared>>) dst(%arg10 : memref<80x128xf32, #tpu.memory_space<vmem>>)
        tpu.yield
      }) : () -> ()
      %mul3A_132 = arith.constant 10000 : i32
      %mul3A_133 = arith.muli %arg0, %mul3A_132 : i32
      %mul3A_134 = arith.constant 80 : i32
      %mul3A_135 = arith.muli %add3A_96, %mul3A_134 : i32
      %add3A_136 = arith.addi %mul3A_133, %mul3A_135 : i32
      "tpu.region"() ({
        %run_scoped3A = tpu.sem_alloc : memref<!tpu.dma_semaphore, #tpu.memory_space<semaphore_mem>>
        %dma_start3A = arith.constant 0 : i32
        %dma_start3A_137 = tpu.memref_slice %arg5[%add3A_136, %dma_start3A] : memref<20000x128xf32, #tpu.memory_space<hbm>> -> memref<80x128xf32, #tpu.memory_space<hbm>>
        %dma_start3A_138 = arith.constant 0 : i32
        %dma_start3A_139 = tpu.memref_slice %arg5[%add3A_136, %dma_start3A_138] : memref<20000x128xf32, #tpu.memory_space<hbm>> -> memref<80x128xf32, #tpu.memory_space<hbm>>
        tpu.enqueue_dma source(%arg10 : memref<80x128xf32, #tpu.memory_space<vmem>>) target(%dma_start3A_139 : memref<80x128xf32, #tpu.memory_space<hbm>>) target_semaphore(%run_scoped3A : memref<!tpu.dma_semaphore, #tpu.memory_space<semaphore_mem>>)
        %dma_wait3A = arith.constant 0 : i32
        %dma_wait3A_140 = tpu.memref_slice %arg5[%add3A_136, %dma_wait3A] : memref<20000x128xf32, #tpu.memory_space<hbm>> -> memref<80x128xf32, #tpu.memory_space<hbm>>
        %dma_wait3A_141 = arith.constant 0 : i32
        %dma_wait3A_142 = tpu.memref_slice %arg5[%add3A_136, %dma_wait3A_141] : memref<20000x128xf32, #tpu.memory_space<hbm>> -> memref<80x128xf32, #tpu.memory_space<hbm>>
        tpu.wait_dma2 semaphore(%run_scoped3A : memref<!tpu.dma_semaphore, #tpu.memory_space<semaphore_mem>>) src(%arg10 : memref<80x128xf32, #tpu.memory_space<vmem>>) dst(%dma_wait3A_142 : memref<80x128xf32, #tpu.memory_space<hbm>>)
        tpu.yield
      }) : () -> ()
    } else {
    }
    %add3A_102 = arith.constant 64 : i32
    %add3A_103 = arith.addi %arg1, %add3A_102 : i32
    %lt3A_104 = arith.constant 125 : i32
    %lt3A_105 = arith.cmpi slt, %add3A_103, %lt3A_104 : i32
    %convert_element_type3A_106 = arith.extui %lt3A_105 : i1 to i32
    %cond3A_107 = arith.constant 0 : i32
    %cond3A_108 = arith.cmpi ne, %convert_element_type3A_106, %cond3A_107 : i32
    scf.if %cond3A_108 {
      %mul3A_130 = arith.constant 80 : i32
      %mul3A_131 = arith.muli %add3A_103, %mul3A_130 : i32
      "tpu.region"() ({
        %run_scoped3A = tpu.sem_alloc : memref<!tpu.dma_semaphore, #tpu.memory_space<semaphore_mem>>
        %dma_start3A = arith.constant 0 : i32
        %dma_start3A_137 = tpu.memref_slice %arg6[%mul3A_131, %dma_start3A] : memref<10000x128xf32, #tpu.memory_space<vmem_shared>> -> memref<80x128xf32, #tpu.memory_space<vmem_shared>>
        %dma_start3A_138 = arith.constant 0 : i32
        %dma_start3A_139 = tpu.memref_slice %arg6[%mul3A_131, %dma_start3A_138] : memref<10000x128xf32, #tpu.memory_space<vmem_shared>> -> memref<80x128xf32, #tpu.memory_space<vmem_shared>>
        tpu.enqueue_dma source(%dma_start3A_139 : memref<80x128xf32, #tpu.memory_space<vmem_shared>>) target(%arg10 : memref<80x128xf32, #tpu.memory_space<vmem>>) target_semaphore(%run_scoped3A : memref<!tpu.dma_semaphore, #tpu.memory_space<semaphore_mem>>)
        %dma_wait3A = arith.constant 0 : i32
        %dma_wait3A_140 = tpu.memref_slice %arg6[%mul3A_131, %dma_wait3A] : memref<10000x128xf32, #tpu.memory_space<vmem_shared>> -> memref<80x128xf32, #tpu.memory_space<vmem_shared>>
        %dma_wait3A_141 = arith.constant 0 : i32
        %dma_wait3A_142 = tpu.memref_slice %arg6[%mul3A_131, %dma_wait3A_141] : memref<10000x128xf32, #tpu.memory_space<vmem_shared>> -> memref<80x128xf32, #tpu.memory_space<vmem_shared>>
        tpu.wait_dma2 semaphore(%run_scoped3A : memref<!tpu.dma_semaphore, #tpu.memory_space<semaphore_mem>>) src(%dma_wait3A_142 : memref<80x128xf32, #tpu.memory_space<vmem_shared>>) dst(%arg10 : memref<80x128xf32, #tpu.memory_space<vmem>>)
        tpu.yield
      }) : () -> ()
      %mul3A_132 = arith.constant 10000 : i32
      %mul3A_133 = arith.muli %arg0, %mul3A_132 : i32
      %mul3A_134 = arith.constant 80 : i32
      %mul3A_135 = arith.muli %add3A_103, %mul3A_134 : i32
      %add3A_136 = arith.addi %mul3A_133, %mul3A_135 : i32
      "tpu.region"() ({
        %run_scoped3A = tpu.sem_alloc : memref<!tpu.dma_semaphore, #tpu.memory_space<semaphore_mem>>
        %dma_start3A = arith.constant 0 : i32
        %dma_start3A_137 = tpu.memref_slice %arg5[%add3A_136, %dma_start3A] : memref<20000x128xf32, #tpu.memory_space<hbm>> -> memref<80x128xf32, #tpu.memory_space<hbm>>
        %dma_start3A_138 = arith.constant 0 : i32
        %dma_start3A_139 = tpu.memref_slice %arg5[%add3A_136, %dma_start3A_138] : memref<20000x128xf32, #tpu.memory_space<hbm>> -> memref<80x128xf32, #tpu.memory_space<hbm>>
        tpu.enqueue_dma source(%arg10 : memref<80x128xf32, #tpu.memory_space<vmem>>) target(%dma_start3A_139 : memref<80x128xf32, #tpu.memory_space<hbm>>) target_semaphore(%run_scoped3A : memref<!tpu.dma_semaphore, #tpu.memory_space<semaphore_mem>>)
        %dma_wait3A = arith.constant 0 : i32
        %dma_wait3A_140 = tpu.memref_slice %arg5[%add3A_136, %dma_wait3A] : memref<20000x128xf32, #tpu.memory_space<hbm>> -> memref<80x128xf32, #tpu.memory_space<hbm>>
        %dma_wait3A_141 = arith.constant 0 : i32
        %dma_wait3A_142 = tpu.memref_slice %arg5[%add3A_136, %dma_wait3A_141] : memref<20000x128xf32, #tpu.memory_space<hbm>> -> memref<80x128xf32, #tpu.memory_space<hbm>>
        tpu.wait_dma2 semaphore(%run_scoped3A : memref<!tpu.dma_semaphore, #tpu.memory_space<semaphore_mem>>) src(%arg10 : memref<80x128xf32, #tpu.memory_space<vmem>>) dst(%dma_wait3A_142 : memref<80x128xf32, #tpu.memory_space<hbm>>)
        tpu.yield
      }) : () -> ()
    } else {
    }
    %add3A_109 = arith.constant 80 : i32
    %add3A_110 = arith.addi %arg1, %add3A_109 : i32
    %lt3A_111 = arith.constant 125 : i32
    %lt3A_112 = arith.cmpi slt, %add3A_110, %lt3A_111 : i32
    %convert_element_type3A_113 = arith.extui %lt3A_112 : i1 to i32
    %cond3A_114 = arith.constant 0 : i32
    %cond3A_115 = arith.cmpi ne, %convert_element_type3A_113, %cond3A_114 : i32
    scf.if %cond3A_115 {
      %mul3A_130 = arith.constant 80 : i32
      %mul3A_131 = arith.muli %add3A_110, %mul3A_130 : i32
      "tpu.region"() ({
        %run_scoped3A = tpu.sem_alloc : memref<!tpu.dma_semaphore, #tpu.memory_space<semaphore_mem>>
        %dma_start3A = arith.constant 0 : i32
        %dma_start3A_137 = tpu.memref_slice %arg6[%mul3A_131, %dma_start3A] : memref<10000x128xf32, #tpu.memory_space<vmem_shared>> -> memref<80x128xf32, #tpu.memory_space<vmem_shared>>
        %dma_start3A_138 = arith.constant 0 : i32
        %dma_start3A_139 = tpu.memref_slice %arg6[%mul3A_131, %dma_start3A_138] : memref<10000x128xf32, #tpu.memory_space<vmem_shared>> -> memref<80x128xf32, #tpu.memory_space<vmem_shared>>
        tpu.enqueue_dma source(%dma_start3A_139 : memref<80x128xf32, #tpu.memory_space<vmem_shared>>) target(%arg10 : memref<80x128xf32, #tpu.memory_space<vmem>>) target_semaphore(%run_scoped3A : memref<!tpu.dma_semaphore, #tpu.memory_space<semaphore_mem>>)
        %dma_wait3A = arith.constant 0 : i32
        %dma_wait3A_140 = tpu.memref_slice %arg6[%mul3A_131, %dma_wait3A] : memref<10000x128xf32, #tpu.memory_space<vmem_shared>> -> memref<80x128xf32, #tpu.memory_space<vmem_shared>>
        %dma_wait3A_141 = arith.constant 0 : i32
        %dma_wait3A_142 = tpu.memref_slice %arg6[%mul3A_131, %dma_wait3A_141] : memref<10000x128xf32, #tpu.memory_space<vmem_shared>> -> memref<80x128xf32, #tpu.memory_space<vmem_shared>>
        tpu.wait_dma2 semaphore(%run_scoped3A : memref<!tpu.dma_semaphore, #tpu.memory_space<semaphore_mem>>) src(%dma_wait3A_142 : memref<80x128xf32, #tpu.memory_space<vmem_shared>>) dst(%arg10 : memref<80x128xf32, #tpu.memory_space<vmem>>)
        tpu.yield
      }) : () -> ()
      %mul3A_132 = arith.constant 10000 : i32
      %mul3A_133 = arith.muli %arg0, %mul3A_132 : i32
      %mul3A_134 = arith.constant 80 : i32
      %mul3A_135 = arith.muli %add3A_110, %mul3A_134 : i32
      %add3A_136 = arith.addi %mul3A_133, %mul3A_135 : i32
      "tpu.region"() ({
        %run_scoped3A = tpu.sem_alloc : memref<!tpu.dma_semaphore, #tpu.memory_space<semaphore_mem>>
        %dma_start3A = arith.constant 0 : i32
        %dma_start3A_137 = tpu.memref_slice %arg5[%add3A_136, %dma_start3A] : memref<20000x128xf32, #tpu.memory_space<hbm>> -> memref<80x128xf32, #tpu.memory_space<hbm>>
        %dma_start3A_138 = arith.constant 0 : i32
        %dma_start3A_139 = tpu.memref_slice %arg5[%add3A_136, %dma_start3A_138] : memref<20000x128xf32, #tpu.memory_space<hbm>> -> memref<80x128xf32, #tpu.memory_space<hbm>>
        tpu.enqueue_dma source(%arg10 : memref<80x128xf32, #tpu.memory_space<vmem>>) target(%dma_start3A_139 : memref<80x128xf32, #tpu.memory_space<hbm>>) target_semaphore(%run_scoped3A : memref<!tpu.dma_semaphore, #tpu.memory_space<semaphore_mem>>)
        %dma_wait3A = arith.constant 0 : i32
        %dma_wait3A_140 = tpu.memref_slice %arg5[%add3A_136, %dma_wait3A] : memref<20000x128xf32, #tpu.memory_space<hbm>> -> memref<80x128xf32, #tpu.memory_space<hbm>>
        %dma_wait3A_141 = arith.constant 0 : i32
        %dma_wait3A_142 = tpu.memref_slice %arg5[%add3A_136, %dma_wait3A_141] : memref<20000x128xf32, #tpu.memory_space<hbm>> -> memref<80x128xf32, #tpu.memory_space<hbm>>
        tpu.wait_dma2 semaphore(%run_scoped3A : memref<!tpu.dma_semaphore, #tpu.memory_space<semaphore_mem>>) src(%arg10 : memref<80x128xf32, #tpu.memory_space<vmem>>) dst(%dma_wait3A_142 : memref<80x128xf32, #tpu.memory_space<hbm>>)
        tpu.yield
      }) : () -> ()
    } else {
    }
    %add3A_116 = arith.constant 96 : i32
    %add3A_117 = arith.addi %arg1, %add3A_116 : i32
    %lt3A_118 = arith.constant 125 : i32
    %lt3A_119 = arith.cmpi slt, %add3A_117, %lt3A_118 : i32
    %convert_element_type3A_120 = arith.extui %lt3A_119 : i1 to i32
    %cond3A_121 = arith.constant 0 : i32
    %cond3A_122 = arith.cmpi ne, %convert_element_type3A_120, %cond3A_121 : i32
    scf.if %cond3A_122 {
      %mul3A_130 = arith.constant 80 : i32
      %mul3A_131 = arith.muli %add3A_117, %mul3A_130 : i32
      "tpu.region"() ({
        %run_scoped3A = tpu.sem_alloc : memref<!tpu.dma_semaphore, #tpu.memory_space<semaphore_mem>>
        %dma_start3A = arith.constant 0 : i32
        %dma_start3A_137 = tpu.memref_slice %arg6[%mul3A_131, %dma_start3A] : memref<10000x128xf32, #tpu.memory_space<vmem_shared>> -> memref<80x128xf32, #tpu.memory_space<vmem_shared>>
        %dma_start3A_138 = arith.constant 0 : i32
        %dma_start3A_139 = tpu.memref_slice %arg6[%mul3A_131, %dma_start3A_138] : memref<10000x128xf32, #tpu.memory_space<vmem_shared>> -> memref<80x128xf32, #tpu.memory_space<vmem_shared>>
        tpu.enqueue_dma source(%dma_start3A_139 : memref<80x128xf32, #tpu.memory_space<vmem_shared>>) target(%arg10 : memref<80x128xf32, #tpu.memory_space<vmem>>) target_semaphore(%run_scoped3A : memref<!tpu.dma_semaphore, #tpu.memory_space<semaphore_mem>>)
        %dma_wait3A = arith.constant 0 : i32
        %dma_wait3A_140 = tpu.memref_slice %arg6[%mul3A_131, %dma_wait3A] : memref<10000x128xf32, #tpu.memory_space<vmem_shared>> -> memref<80x128xf32, #tpu.memory_space<vmem_shared>>
        %dma_wait3A_141 = arith.constant 0 : i32
        %dma_wait3A_142 = tpu.memref_slice %arg6[%mul3A_131, %dma_wait3A_141] : memref<10000x128xf32, #tpu.memory_space<vmem_shared>> -> memref<80x128xf32, #tpu.memory_space<vmem_shared>>
        tpu.wait_dma2 semaphore(%run_scoped3A : memref<!tpu.dma_semaphore, #tpu.memory_space<semaphore_mem>>) src(%dma_wait3A_142 : memref<80x128xf32, #tpu.memory_space<vmem_shared>>) dst(%arg10 : memref<80x128xf32, #tpu.memory_space<vmem>>)
        tpu.yield
      }) : () -> ()
      %mul3A_132 = arith.constant 10000 : i32
      %mul3A_133 = arith.muli %arg0, %mul3A_132 : i32
      %mul3A_134 = arith.constant 80 : i32
      %mul3A_135 = arith.muli %add3A_117, %mul3A_134 : i32
      %add3A_136 = arith.addi %mul3A_133, %mul3A_135 : i32
      "tpu.region"() ({
        %run_scoped3A = tpu.sem_alloc : memref<!tpu.dma_semaphore, #tpu.memory_space<semaphore_mem>>
        %dma_start3A = arith.constant 0 : i32
        %dma_start3A_137 = tpu.memref_slice %arg5[%add3A_136, %dma_start3A] : memref<20000x128xf32, #tpu.memory_space<hbm>> -> memref<80x128xf32, #tpu.memory_space<hbm>>
        %dma_start3A_138 = arith.constant 0 : i32
        %dma_start3A_139 = tpu.memref_slice %arg5[%add3A_136, %dma_start3A_138] : memref<20000x128xf32, #tpu.memory_space<hbm>> -> memref<80x128xf32, #tpu.memory_space<hbm>>
        tpu.enqueue_dma source(%arg10 : memref<80x128xf32, #tpu.memory_space<vmem>>) target(%dma_start3A_139 : memref<80x128xf32, #tpu.memory_space<hbm>>) target_semaphore(%run_scoped3A : memref<!tpu.dma_semaphore, #tpu.memory_space<semaphore_mem>>)
        %dma_wait3A = arith.constant 0 : i32
        %dma_wait3A_140 = tpu.memref_slice %arg5[%add3A_136, %dma_wait3A] : memref<20000x128xf32, #tpu.memory_space<hbm>> -> memref<80x128xf32, #tpu.memory_space<hbm>>
        %dma_wait3A_141 = arith.constant 0 : i32
        %dma_wait3A_142 = tpu.memref_slice %arg5[%add3A_136, %dma_wait3A_141] : memref<20000x128xf32, #tpu.memory_space<hbm>> -> memref<80x128xf32, #tpu.memory_space<hbm>>
        tpu.wait_dma2 semaphore(%run_scoped3A : memref<!tpu.dma_semaphore, #tpu.memory_space<semaphore_mem>>) src(%arg10 : memref<80x128xf32, #tpu.memory_space<vmem>>) dst(%dma_wait3A_142 : memref<80x128xf32, #tpu.memory_space<hbm>>)
        tpu.yield
      }) : () -> ()
    } else {
    }
    %add3A_123 = arith.constant 112 : i32
    %add3A_124 = arith.addi %arg1, %add3A_123 : i32
    %lt3A_125 = arith.constant 125 : i32
    %lt3A_126 = arith.cmpi slt, %add3A_124, %lt3A_125 : i32
    %convert_element_type3A_127 = arith.extui %lt3A_126 : i1 to i32
    %cond3A_128 = arith.constant 0 : i32
    %cond3A_129 = arith.cmpi ne, %convert_element_type3A_127, %cond3A_128 : i32
    scf.if %cond3A_129 {
      %mul3A_130 = arith.constant 80 : i32
      %mul3A_131 = arith.muli %add3A_124, %mul3A_130 : i32
      "tpu.region"() ({
        %run_scoped3A = tpu.sem_alloc : memref<!tpu.dma_semaphore, #tpu.memory_space<semaphore_mem>>
        %dma_start3A = arith.constant 0 : i32
        %dma_start3A_137 = tpu.memref_slice %arg6[%mul3A_131, %dma_start3A] : memref<10000x128xf32, #tpu.memory_space<vmem_shared>> -> memref<80x128xf32, #tpu.memory_space<vmem_shared>>
        %dma_start3A_138 = arith.constant 0 : i32
        %dma_start3A_139 = tpu.memref_slice %arg6[%mul3A_131, %dma_start3A_138] : memref<10000x128xf32, #tpu.memory_space<vmem_shared>> -> memref<80x128xf32, #tpu.memory_space<vmem_shared>>
        tpu.enqueue_dma source(%dma_start3A_139 : memref<80x128xf32, #tpu.memory_space<vmem_shared>>) target(%arg10 : memref<80x128xf32, #tpu.memory_space<vmem>>) target_semaphore(%run_scoped3A : memref<!tpu.dma_semaphore, #tpu.memory_space<semaphore_mem>>)
        %dma_wait3A = arith.constant 0 : i32
        %dma_wait3A_140 = tpu.memref_slice %arg6[%mul3A_131, %dma_wait3A] : memref<10000x128xf32, #tpu.memory_space<vmem_shared>> -> memref<80x128xf32, #tpu.memory_space<vmem_shared>>
        %dma_wait3A_141 = arith.constant 0 : i32
        %dma_wait3A_142 = tpu.memref_slice %arg6[%mul3A_131, %dma_wait3A_141] : memref<10000x128xf32, #tpu.memory_space<vmem_shared>> -> memref<80x128xf32, #tpu.memory_space<vmem_shared>>
        tpu.wait_dma2 semaphore(%run_scoped3A : memref<!tpu.dma_semaphore, #tpu.memory_space<semaphore_mem>>) src(%dma_wait3A_142 : memref<80x128xf32, #tpu.memory_space<vmem_shared>>) dst(%arg10 : memref<80x128xf32, #tpu.memory_space<vmem>>)
        tpu.yield
      }) : () -> ()
      %mul3A_132 = arith.constant 10000 : i32
      %mul3A_133 = arith.muli %arg0, %mul3A_132 : i32
      %mul3A_134 = arith.constant 80 : i32
      %mul3A_135 = arith.muli %add3A_124, %mul3A_134 : i32
      %add3A_136 = arith.addi %mul3A_133, %mul3A_135 : i32
      "tpu.region"() ({
        %run_scoped3A = tpu.sem_alloc : memref<!tpu.dma_semaphore, #tpu.memory_space<semaphore_mem>>
        %dma_start3A = arith.constant 0 : i32
        %dma_start3A_137 = tpu.memref_slice %arg5[%add3A_136, %dma_start3A] : memref<20000x128xf32, #tpu.memory_space<hbm>> -> memref<80x128xf32, #tpu.memory_space<hbm>>
        %dma_start3A_138 = arith.constant 0 : i32
        %dma_start3A_139 = tpu.memref_slice %arg5[%add3A_136, %dma_start3A_138] : memref<20000x128xf32, #tpu.memory_space<hbm>> -> memref<80x128xf32, #tpu.memory_space<hbm>>
        tpu.enqueue_dma source(%arg10 : memref<80x128xf32, #tpu.memory_space<vmem>>) target(%dma_start3A_139 : memref<80x128xf32, #tpu.memory_space<hbm>>) target_semaphore(%run_scoped3A : memref<!tpu.dma_semaphore, #tpu.memory_space<semaphore_mem>>)
        %dma_wait3A = arith.constant 0 : i32
        %dma_wait3A_140 = tpu.memref_slice %arg5[%add3A_136, %dma_wait3A] : memref<20000x128xf32, #tpu.memory_space<hbm>> -> memref<80x128xf32, #tpu.memory_space<hbm>>
        %dma_wait3A_141 = arith.constant 0 : i32
        %dma_wait3A_142 = tpu.memref_slice %arg5[%add3A_136, %dma_wait3A_141] : memref<20000x128xf32, #tpu.memory_space<hbm>> -> memref<80x128xf32, #tpu.memory_space<hbm>>
        tpu.wait_dma2 semaphore(%run_scoped3A : memref<!tpu.dma_semaphore, #tpu.memory_space<semaphore_mem>>) src(%arg10 : memref<80x128xf32, #tpu.memory_space<vmem>>) dst(%dma_wait3A_142 : memref<80x128xf32, #tpu.memory_space<hbm>>)
        tpu.yield
      }) : () -> ()
    } else {
    }
    return
  }
}

module attributes {stable_mosaic.version = 14 : i64} {
  func.func @_mid_body(%arg0: memref<2x10000x128xf32, #tpu.memory_space<vmem>>, %arg1: memref<2x10000xf32, #tpu.memory_space<vmem>>, %arg2: memref<10000x128xf32, #tpu.memory_space<vmem>>, %arg3: memref<128x64xf32, #tpu.memory_space<vmem>>, %arg4: memref<1x64xf32, #tpu.memory_space<vmem>>, %arg5: memref<10000x128xf32, #tpu.memory_space<vmem>>, %arg6: memref<10000x64xf32, #tpu.memory_space<vmem>>) attributes {dimension_semantics = [], scalar_prefetch = 0 : i64, scratch_operands = 0 : i64, tpu.core_type = #tpu.core_type<tc>} {
    %get3A = arith.constant 0 : index
    %get3A_0 = arith.constant 0 : index
    %get3A_1 = vector.load %arg1[%get3A, %get3A_0] : memref<2x10000xf32, #tpu.memory_space<vmem>>, vector<1x10000xf32>
    %get3A_2 = vector.shape_cast %get3A_1 : vector<1x10000xf32> to vector<10000xf32>
    %get3A_3 = arith.constant 1 : index
    %get3A_4 = arith.constant 0 : index
    %get3A_5 = vector.load %arg1[%get3A_3, %get3A_4] : memref<2x10000xf32, #tpu.memory_space<vmem>>, vector<1x10000xf32>
    %get3A_6 = vector.shape_cast %get3A_5 : vector<1x10000xf32> to vector<10000xf32>
    %add3A = arith.addf %get3A_2, %get3A_6 : vector<10000xf32>
    %max3A = arith.constant 1.000000e+00 : f32
    %max3A_7 = vector.broadcast %max3A : f32 to vector<10000xf32>
    %max3A_8 = arith.maximumf %add3A, %max3A_7 : vector<10000xf32>
    %get3A_9 = arith.constant 0 : index
    %get3A_10 = arith.constant 0 : index
    %get3A_11 = arith.constant 0 : index
    %get3A_12 = vector.load %arg0[%get3A_9, %get3A_10, %get3A_11] : memref<2x10000x128xf32, #tpu.memory_space<vmem>>, vector<1x10000x128xf32>
    %get3A_13 = vector.shape_cast %get3A_12 : vector<1x10000x128xf32> to vector<10000x128xf32>
    %get3A_14 = arith.constant 1 : index
    %get3A_15 = arith.constant 0 : index
    %get3A_16 = arith.constant 0 : index
    %get3A_17 = vector.load %arg0[%get3A_14, %get3A_15, %get3A_16] : memref<2x10000x128xf32, #tpu.memory_space<vmem>>, vector<1x10000x128xf32>
    %get3A_18 = vector.shape_cast %get3A_17 : vector<1x10000x128xf32> to vector<10000x128xf32>
    %add3A_19 = arith.addf %get3A_13, %get3A_18 : vector<10000x128xf32>
    %broadcast_in_dim3A = vector.shape_cast %max3A_8 : vector<10000xf32> to vector<10000x1xf32>
    %div3A = vector.broadcast %broadcast_in_dim3A : vector<10000x1xf32> to vector<10000x128xf32>
    %div3A_20 = arith.divf %add3A_19, %div3A : vector<10000x128xf32>
    %get3A_21 = arith.constant 0 : index
    %get3A_22 = arith.constant 0 : index
    %get3A_23 = vector.load %arg2[%get3A_21, %get3A_22] : memref<10000x128xf32, #tpu.memory_space<vmem>>, vector<10000x128xf32>
    %add3A_24 = arith.addf %div3A_20, %get3A_23 : vector<10000x128xf32>
    %max3A_25 = arith.constant 0.000000e+00 : f32
    %max3A_26 = vector.broadcast %max3A_25 : f32 to vector<10000x128xf32>
    %max3A_27 = arith.maximumf %add3A_24, %max3A_26 : vector<10000x128xf32>
    %swap3A = arith.constant 0 : index
    %swap3A_28 = arith.constant 0 : index
    %swap3A_29 = vector.load %arg5[%swap3A, %swap3A_28] : memref<10000x128xf32, #tpu.memory_space<vmem>>, vector<10000x128xf32>
    tpu.vector_store %arg5[%swap3A, %swap3A_28], %max3A_27 {strides = array<i32>} : memref<10000x128xf32, #tpu.memory_space<vmem>>, vector<10000x128xf32>,
    %get3A_30 = arith.constant 0 : index
    %get3A_31 = arith.constant 0 : index
    %get3A_32 = vector.load %arg3[%get3A_30, %get3A_31] : memref<128x64xf32, #tpu.memory_space<vmem>>, vector<128x64xf32>
    %dot_general3A = arith.constant dense<0.000000e+00> : vector<10000x64xf32>
    %dot_general3A_33 = tpu.matmul %max3A_27, %get3A_32, %dot_general3A {dimension_numbers = #tpu.dot_dimension_numbers<[1], [0], [0], [1], [0, 0, 1, 1], [], []>, transpose_lhs_hint = false} : vector<10000x128xf32>, vector<128x64xf32>, vector<10000x64xf32> -> vector<10000x64xf32>
    %get3A_34 = arith.constant 0 : index
    %get3A_35 = arith.constant 0 : index
    %get3A_36 = vector.load %arg4[%get3A_34, %get3A_35] : memref<1x64xf32, #tpu.memory_space<vmem>>, vector<1x64xf32>
    %add3A_37 = vector.broadcast %get3A_36 : vector<1x64xf32> to vector<10000x64xf32>
    %add3A_38 = arith.addf %dot_general3A_33, %add3A_37 : vector<10000x64xf32>
    %swap3A_39 = arith.constant 0 : index
    %swap3A_40 = arith.constant 0 : index
    %swap3A_41 = vector.load %arg6[%swap3A_39, %swap3A_40] : memref<10000x64xf32, #tpu.memory_space<vmem>>, vector<10000x64xf32>
    tpu.vector_store %arg6[%swap3A_39, %swap3A_40], %add3A_38 {strides = array<i32>} : memref<10000x64xf32, #tpu.memory_space<vmem>>, vector<10000x64xf32>,
    return
  }
}

module attributes {stable_mosaic.version = 14 : i64} {
  func.func @_lin2_body(%arg0: memref<10000x128xf32, #tpu.memory_space<vmem>>, %arg1: memref<128x128xf32, #tpu.memory_space<vmem>>, %arg2: memref<128x128xf32, #tpu.memory_space<vmem>>, %arg3: memref<1x128xf32, #tpu.memory_space<vmem>>, %arg4: memref<10000x128xf32, #tpu.memory_space<vmem>>, %arg5: memref<10000x128xf32, #tpu.memory_space<vmem>>) attributes {dimension_semantics = [], scalar_prefetch = 0 : i64, scratch_operands = 0 : i64, tpu.core_type = #tpu.core_type<tc>} {
    %get3A = arith.constant 0 : index
    %get3A_0 = arith.constant 0 : index
    %get3A_1 = vector.load %arg0[%get3A, %get3A_0] : memref<10000x128xf32, #tpu.memory_space<vmem>>, vector<10000x128xf32>
    %get3A_2 = arith.constant 0 : index
    %get3A_3 = arith.constant 0 : index
    %get3A_4 = vector.load %arg1[%get3A_2, %get3A_3] : memref<128x128xf32, #tpu.memory_space<vmem>>, vector<128x128xf32>
    %dot_general3A = arith.constant dense<0.000000e+00> : vector<10000x128xf32>
    %dot_general3A_5 = tpu.matmul %get3A_1, %get3A_4, %dot_general3A {dimension_numbers = #tpu.dot_dimension_numbers<[1], [0], [0], [1], [0, 0, 1, 1], [], []>, transpose_lhs_hint = false} : vector<10000x128xf32>, vector<128x128xf32>, vector<10000x128xf32> -> vector<10000x128xf32>
    %swap3A = arith.constant 0 : index
    %swap3A_6 = arith.constant 0 : index
    %swap3A_7 = vector.load %arg4[%swap3A, %swap3A_6] : memref<10000x128xf32, #tpu.memory_space<vmem>>, vector<10000x128xf32>
    tpu.vector_store %arg4[%swap3A, %swap3A_6], %dot_general3A_5 {strides = array<i32>} : memref<10000x128xf32, #tpu.memory_space<vmem>>, vector<10000x128xf32>,
    %get3A_8 = arith.constant 0 : index
    %get3A_9 = arith.constant 0 : index
    %get3A_10 = vector.load %arg2[%get3A_8, %get3A_9] : memref<128x128xf32, #tpu.memory_space<vmem>>, vector<128x128xf32>
    %dot_general3A_11 = arith.constant dense<0.000000e+00> : vector<10000x128xf32>
    %dot_general3A_12 = tpu.matmul %get3A_1, %get3A_10, %dot_general3A_11 {dimension_numbers = #tpu.dot_dimension_numbers<[1], [0], [0], [1], [0, 0, 1, 1], [], []>, transpose_lhs_hint = false} : vector<10000x128xf32>, vector<128x128xf32>, vector<10000x128xf32> -> vector<10000x128xf32>
    %get3A_13 = arith.constant 0 : index
    %get3A_14 = arith.constant 0 : index
    %get3A_15 = vector.load %arg3[%get3A_13, %get3A_14] : memref<1x128xf32, #tpu.memory_space<vmem>>, vector<1x128xf32>
    %add3A = vector.broadcast %get3A_15 : vector<1x128xf32> to vector<10000x128xf32>
    %add3A_16 = arith.addf %dot_general3A_12, %add3A : vector<10000x128xf32>
    %swap3A_17 = arith.constant 0 : index
    %swap3A_18 = arith.constant 0 : index
    %swap3A_19 = vector.load %arg5[%swap3A_17, %swap3A_18] : memref<10000x128xf32, #tpu.memory_space<vmem>>, vector<10000x128xf32>
    tpu.vector_store %arg5[%swap3A_17, %swap3A_18], %add3A_16 {strides = array<i32>} : memref<10000x128xf32, #tpu.memory_space<vmem>>, vector<10000x128xf32>,
    return
  }
}

module attributes {stable_mosaic.version = 14 : i64} {
  func.func @_out_body(%arg0: memref<2x10000x128xf32, #tpu.memory_space<vmem>>, %arg1: memref<2x10000xf32, #tpu.memory_space<vmem>>, %arg2: memref<10000x64xf32, #tpu.memory_space<vmem>>, %arg3: memref<128x64xf32, #tpu.memory_space<vmem>>, %arg4: memref<10000x64xf32, #tpu.memory_space<vmem>>) attributes {dimension_semantics = [], scalar_prefetch = 0 : i64, scratch_operands = 0 : i64, tpu.core_type = #tpu.core_type<tc>} {
    %get3A = arith.constant 0 : index
    %get3A_0 = arith.constant 0 : index
    %get3A_1 = vector.load %arg1[%get3A, %get3A_0] : memref<2x10000xf32, #tpu.memory_space<vmem>>, vector<1x10000xf32>
    %get3A_2 = vector.shape_cast %get3A_1 : vector<1x10000xf32> to vector<10000xf32>
    %get3A_3 = arith.constant 1 : index
    %get3A_4 = arith.constant 0 : index
    %get3A_5 = vector.load %arg1[%get3A_3, %get3A_4] : memref<2x10000xf32, #tpu.memory_space<vmem>>, vector<1x10000xf32>
    %get3A_6 = vector.shape_cast %get3A_5 : vector<1x10000xf32> to vector<10000xf32>
    %add3A = arith.addf %get3A_2, %get3A_6 : vector<10000xf32>
    %max3A = arith.constant 1.000000e+00 : f32
    %max3A_7 = vector.broadcast %max3A : f32 to vector<10000xf32>
    %max3A_8 = arith.maximumf %add3A, %max3A_7 : vector<10000xf32>
    %get3A_9 = arith.constant 0 : index
    %get3A_10 = arith.constant 0 : index
    %get3A_11 = arith.constant 0 : index
    %get3A_12 = vector.load %arg0[%get3A_9, %get3A_10, %get3A_11] : memref<2x10000x128xf32, #tpu.memory_space<vmem>>, vector<1x10000x128xf32>
    %get3A_13 = vector.shape_cast %get3A_12 : vector<1x10000x128xf32> to vector<10000x128xf32>
    %get3A_14 = arith.constant 1 : index
    %get3A_15 = arith.constant 0 : index
    %get3A_16 = arith.constant 0 : index
    %get3A_17 = vector.load %arg0[%get3A_14, %get3A_15, %get3A_16] : memref<2x10000x128xf32, #tpu.memory_space<vmem>>, vector<1x10000x128xf32>
    %get3A_18 = vector.shape_cast %get3A_17 : vector<1x10000x128xf32> to vector<10000x128xf32>
    %add3A_19 = arith.addf %get3A_13, %get3A_18 : vector<10000x128xf32>
    %broadcast_in_dim3A = vector.shape_cast %max3A_8 : vector<10000xf32> to vector<10000x1xf32>
    %div3A = vector.broadcast %broadcast_in_dim3A : vector<10000x1xf32> to vector<10000x128xf32>
    %div3A_20 = arith.divf %add3A_19, %div3A : vector<10000x128xf32>
    %get3A_21 = arith.constant 0 : index
    %get3A_22 = arith.constant 0 : index
    %get3A_23 = vector.load %arg3[%get3A_21, %get3A_22] : memref<128x64xf32, #tpu.memory_space<vmem>>, vector<128x64xf32>
    %dot_general3A = arith.constant dense<0.000000e+00> : vector<10000x64xf32>
    %dot_general3A_24 = tpu.matmul %div3A_20, %get3A_23, %dot_general3A {dimension_numbers = #tpu.dot_dimension_numbers<[1], [0], [0], [1], [0, 0, 1, 1], [], []>, transpose_lhs_hint = false} : vector<10000x128xf32>, vector<128x64xf32>, vector<10000x64xf32> -> vector<10000x64xf32>
    %get3A_25 = arith.constant 0 : index
    %get3A_26 = arith.constant 0 : index
    %get3A_27 = vector.load %arg2[%get3A_25, %get3A_26] : memref<10000x64xf32, #tpu.memory_space<vmem>>, vector<10000x64xf32>
    %add3A_28 = arith.addf %dot_general3A_24, %get3A_27 : vector<10000x64xf32>
    %swap3A = arith.constant 0 : index
    %swap3A_29 = arith.constant 0 : index
    %swap3A_30 = vector.load %arg4[%swap3A, %swap3A_29] : memref<10000x64xf32, #tpu.memory_space<vmem>>, vector<10000x64xf32>
    tpu.vector_store %arg4[%swap3A, %swap3A_29], %add3A_28 {strides = array<i32>} : memref<10000x64xf32, #tpu.memory_space<vmem>>, vector<10000x64xf32>,
    return
  }
}

</mosaic_0001>

<sc_bundles>
// kernel: kernel.10.cloned.1.call-start
scs
__scs_entry_jumppad:
0x0: {  	(pc) =	sbr.rel $0x88, $3  }
0x1: {  	(tag) =	ssettag $0x0;
	lr =	simm.s32 $0x1  }
0x2: {  	[smem:$0x3F99] =	sst lr;
	_ =	strace $0xD0000000  }
0x3: {  	_ = 	snop  }
0x4: {  	_ = 	snop  }
0x5: {  	_ = 	snop  }
0x6: {  	_ = 	snop  }
0x7: {  	_ = 	snop  }
__scs_overlays_trampoline_lowered:
0x8: {  	[smem:$0x3FA8] =	sst s0  }
0x9: {  	[smem:$0x3FA9] =	sst s1  }
0xa: {  	[smem:$0x3FAA] =	sst s2  }
0xb: {  	[smem:$0x3FAB] =	sst s3  }
0xc: {  	[smem:$0x3FAC] =	sst s4  }
0xd: {  	[smem:$0x3FAD] =	sst s5  }
0xe: {  	[smem:$0x3FAE] =	sst s6  }
0xf: {  	[smem:$0x3FAF] =	sst s7  }
0x10: {  	[smem:$0x3FB0] =	sst s8  }
0x11: {  	[smem:$0x3FB1] =	sst s9;
	s0 =	simm.s32 @!p0 $0x0  }
0x12: {  	s1 =	sld [smem:$0x3F97];
	s0 =	simm.s32 @p0 $0x1  }
0x13: {  	[smem:$0x3FB2] =	sst s0;
	s0 =	simm.s32 @!p1 $0x0  }
0x14: {  	s2 =	sld [smem:$0x3F96];
	s0 =	simm.s32 @p1 $0x1  }
0x15: {  	[smem:$0x3FB3] =	sst s0;
	s0 =	simm.s32 @!p2 $0x0  }
0x16: {  	s3 =	sld [smem:$0x3FDB];
	s0 =	simm.s32 @p2 $0x1  }
0x17: {  	s4 =	simm.s32 $0x1BF5;
	[smem:$0x3FB5] =	sst s0  }
0x18: {  	s0 =	sld [smem:$0x3F98];
	_ =	swait.ge [sflag:s4], $0x0  }
0x19: {  	s7 =	sld [smem:$0x3F99]  }
0x1a: {  	s8 =	sadd.s32 $0xFFFFE003, lr  }
0x1b: {  	s9 =	sadd.s32 $0xFFFFFEF7, lr;
	s5 =	simm.s32 $0xFFFFFFFF;
	p2 =	slt.u32 s8, $0xFFFFF086  }
0x1c: {  	p1 =	slt.u32 s9, $0xF7A;
	s5 =	simm.s32 @!p2 $0x0  }
0x1d: {  	s5 =	simm.s32 @p1 $0x1;
	p0 =	seq.s32 s7, s2  }
0x1e: {  	s7 =	smul.u32 @!p0 $0xF7A, s2;
	p2 =	seq.s32 @!p0 s5, $0x0  }
0x1f: {  	s9 =	smul.u32 $0xF7A, s1;
	s8 =	simm.s32 @!p0 $0x1BF5;
	p2 =	por !p2, p0  }
0x20: {  	[sflag:s8] =	ssyncset.s32 @!p0 $0xFFFFF086;
	s6 =	sadd.s32 @!p0 s3, s7;
	s7 =	simm.s32 @!p0 $0x108  }
0x21: {  	s3 =	sadd.s32 s3, s9;
	s6 =	sadd.s32 @!p0 $0x88, s6;
	s7 =	simm.s32 @p2 $0x1082  }
0x22: {  	[simem:s7], [sflag:s8] =	dma.local @!p0 [hbm:s6], $0xF7A  }
0x23: {  	s9 =	sor.u32 $0xD0000000, s2;
	s6 =	simm.s32 $0x108;
	_ =	swait.ge @!p0 [sflag:s8], $0x0  }
0x24: {  	s3 =	sadd.s32 $0x88, s3;
	s6 =	simm.s32 @!p1 $0x1082;
	[sflag:s4] =	ssyncset.s32 $0xFFFFF086  }
0x25: {  	[simem:s6], [sflag:s4] =	dma.local [hbm:s3], $0xF7A  }
0x26: {  	[smem:$0x3F99] =	sst s1;
	(tag) =	ssettag s2;
	_ =	strace s9  }
0x27: {  	s1 =	sld [smem:$0x3FA9]  }
0x28: {  	s2 =	sld [smem:$0x3FAA]  }
0x29: {  	s4 =	sld [smem:$0x3FAC]  }
0x2a: {  	p0 =	seq.s32 s5, $0x0;
	s5 =	sld [smem:$0x3FAD]  }
0x2b: {  	s6 =	sld [smem:$0x3FAE]  }
0x2c: {  	s7 =	sld [smem:$0x3FAF]  }
0x2d: {  	s3 =	simm.s32 $0x108;
	s8 =	sld [smem:$0x3FB0]  }
0x2e: {  	s3 =	simm.s32 @!p0 $0x1082;
	s9 =	sld [smem:$0x3FB1]  }
0x2f: {  	lr =	sadd.s32 s0, s3;
	s0 =	sld [smem:$0x3FA8]  }
0x30: {  	s3 =	sld [smem:$0x3FAB]  }
0x31: {  	[smem:$0x3FB4] =	sst s10  }
0x32: {  	s10 =	sld [smem:$0x3FB2];
	_ =	sdelay $0x3  }
0x33: {  	p0 =	seq.s32 s10, $0x1;
	s10 =	sld [smem:$0x3FB4];
	_ =	sdelay $0x3  }
0x34: {  	[smem:$0x3FB4] =	sst s10  }
0x35: {  	s10 =	sld [smem:$0x3FB3];
	_ =	sdelay $0x3  }
0x36: {  	p1 =	seq.s32 s10, $0x1;
	s10 =	sld [smem:$0x3FB4];
	_ =	sdelay $0x3  }
0x37: {  	[smem:$0x3FB4] =	sst s10  }
0x38: {  	s10 =	sld [smem:$0x3FB5]  }
0x39: {  	_ = 	snop;
	(pc) =	sbr.ind lr, $3  }
0x3a: {  	_ = 	snop  }
0x3b: {  	_ = 	snop  }
0x3c: {  	p2 =	seq.s32 s10, $0x1;
	s10 =	sld [smem:$0x3FB4]  }
0x3d: {  	_ =	shalt  }
0x3e: {  	_ =	shalt  }
0x3f: {  	_ =	shalt  }
0x40: {  	_ =	shalt  }
0x41: {  	_ =	shalt  }
0x42: {  	_ =	shalt  }
0x43: {  	_ =	shalt  }
0x44: {  	_ =	shalt  }
0x45: {  	_ =	shalt  }
0x46: {  	_ =	shalt  }
0x47: {  	_ =	shalt  }
0x48: {  	_ =	shalt  }
0x49: {  	_ =	shalt  }
0x4a: {  	_ =	shalt  }
0x4b: {  	_ =	shalt  }
0x4c: {  	_ =	shalt  }
0x4d: {  	_ =	shalt  }
0x4e: {  	_ =	shalt  }
0x4f: {  	_ =	shalt  }
0x50: {  	_ =	shalt  }
0x51: {  	_ =	shalt  }
0x52: {  	_ =	shalt  }
0x53: {  	_ =	shalt  }
0x54: {  	_ =	shalt  }
0x55: {  	_ =	shalt  }
0x56: {  	_ =	shalt  }
0x57: {  	_ =	shalt  }
0x58: {  	_ =	shalt  }
0x59: {  	_ =	shalt  }
0x5a: {  	_ =	shalt  }
0x5b: {  	_ =	shalt  }
0x5c: {  	_ =	shalt  }
0x5d: {  	_ =	shalt  }
0x5e: {  	_ =	shalt  }
0x5f: {  	_ =	shalt  }
0x60: {  	_ =	shalt  }
0x61: {  	_ =	shalt  }
0x62: {  	_ =	shalt  }
0x63: {  	_ =	shalt  }
0x64: {  	_ =	shalt  }
0x65: {  	_ =	shalt  }
0x66: {  	_ =	shalt  }
0x67: {  	_ =	shalt  }
0x68: {  	_ =	shalt  }
0x69: {  	_ =	shalt  }
0x6a: {  	_ =	shalt  }
0x6b: {  	_ =	shalt  }
0x6c: {  	_ =	shalt  }
0x6d: {  	_ =	shalt  }
0x6e: {  	_ =	shalt  }
0x6f: {  	_ =	shalt  }
0x70: {  	_ =	shalt  }
0x71: {  	_ =	shalt  }
0x72: {  	_ =	shalt  }
0x73: {  	_ =	shalt  }
0x74: {  	_ =	shalt  }
0x75: {  	_ =	shalt  }
0x76: {  	_ =	shalt  }
0x77: {  	_ =	shalt  }
0x78: {  	_ =	shalt  }
0x79: {  	_ =	shalt  }
0x7a: {  	_ =	shalt  }
0x7b: {  	_ =	shalt  }
0x7c: {  	_ =	shalt  }
0x7d: {  	_ =	shalt  }
0x7e: {  	_ =	shalt  }
0x7f: {  	_ =	shalt  }
0x80: {  	_ =	shalt  }
0x81: {  	_ =	shalt  }
0x82: {  	_ =	shalt  }
0x83: {  	_ =	shalt  }
0x84: {  	_ =	shalt  }
0x85: {  	_ =	shalt  }
0x86: {  	_ =	shalt  }
0x87: {  	_ =	shalt  }
.Lfunc_end0:
.L_simem_size_0:
called_computation.1_lowered:
.L_overlay_start_0:
0x88: {  	s2 =	sld [smem:$0x3FD9]  }
0x89: {  	s3 =	sld [smem:$0x3FFE];
	_ =	sdelay $0x1  }
0x8a: {  	s1 =	srdreg.scid  }
0x8b: {  	s0 =	sand.u32 $0x1, s1  }
0x8c: {  	s17 =	sshll.u32 s0, $0xA;
	s2 =	sadd.s32 s3, s2  }
0x8d: {  	s2 =	sadd.s32 s2, s17  }
0x8e: {  	[smem:$0x3FC0] =	sst s2  }
0x8f: {  	_ = 	snop  }
0x90: {  	s2 =	sld [smem:$0x3FD0];
	(tm) =	ssettm $0x1  }
0x91: {  	s18 =	sld [smem:$0x3FFB];
	_ =	sdelay $0x3  }
0x92: {  	_ =	strace s18  }
0x93: {  	s3 =	sld [smem:$0x3FFC];
	_ =	sdelay $0x3  }
0x94: {  	_ =	strace s3  }
0x95: {  	s3 =	sld [smem:$0x3FFD];
	_ =	sdelay $0x3  }
0x96: {  	_ =	strace s3  }
0x97: {  	_ =	strace $0x8FFFFFFF  }
0x98: {  	s19 =	sld [smem:$0x3FDB];
	_ =	sdelay $0x1  }
0x99: {  	s4 =	simm.s32 $_scs_section_size  }
0x9a: {  	s5 =	simm.s32 $_size__tile_overlayer_lowered;
	s6 =	simm.s32 $_tile_overlayer_lowered  }
0x9b: {  	s22 =	simm.s32 $0x1BFF;
	s21 =	sshll.u32 s6, $0x1;
	s3 =	sadd.s32 s4, s19  }
0x9c: {  	s7 =	simm.s32 $0x0;
	s20 =	sshll.u32 s5, $0x1;
	s5 =	sadd.s32 s21, s3  }
0x9d: {  	[timem:s7], [sflag:s22] =	dma.local [hbm:s5], s20  }
0x9e: {  	_ =	swait.ge [sflag:s22], s20  }
0x9f: {  	s4 =	ssub.s32 $0x0, s20;
	[sflag:s22] =	ssyncset.done $0x0  }
0xa0: {  	[sflag:s22] =	ssyncadd.s32 s4;
	_ =	sdelay $0x1  }
0xa1: {  	s23 =	simm.s32 $0x1B8B  }
0xa2: {  	_ =	swait.ge [sflag:s23], $0x1  }
0xa3: {  	[sflag:s23] =	ssyncset.done $0x0  }
0xa4: {  	s25 =	simm.s32 $0x1B8E;
	s24 =	sld [smem:$0x3FFE];
	[sflag:s23] =	ssyncadd.s32 $0xFFFFFFFF  }
0xa5: {  	s26 =	simm.s32 $execute0_lowered;
	[smem:$0x3FD2] =	sst s25  }
0xa6: {  	s5 =	sshll.u32 s26, $0x1;
	_ =	strace $0x80000049;
	[dreg:$0x1] =	wrdreg $0xFFFFFFFF  }
0xa7: {  	s28 =	simm.s32 $_size_execute0_lowered;
	s3 =	sadd.s32 s3, s5;
	[dreg:$0x0] =	wrdreg $0x0  }
0xa8: {  	s5 =	sshll.u32 s28, $0x1;
	[dreg:$0x2] =	wrdreg s3  }
0xa9: {  	[dreg:$0x3] =	wrdreg s5  }
0xaa: {  	[dreg:$0x4] =	wrdreg $0xC0  }
0xab: {  	_ =	task [dreg:s7], $0x5FFFF  }
0xac: {  	[dreg:$0x1] =	wrdreg $0xFFFFFFFF  }
0xad: {  	[dreg:$0x0] =	wrdreg $0x60  }
0xae: {  	[dreg:$0x2] =	wrdreg s24  }
0xaf: {  	[dreg:$0x3] =	wrdreg s2  }
0xb0: {  	[dreg:$0x4] =	wrdreg $0x0  }
0xb1: {  	[dreg:$0x5] =	wrdreg $0x9  }
0xb2: {  	_ =	task.clear_ibuf [dreg:s7], $0x6FFFF;
	_ =	strace $0x90000049  }
0xb3: {  	s29 =	simm.s32 $0x9;
	_ =	strace $0x8000004B  }
0xb4: {  	_ =	swait.ge [sflag:s29], $0x1  }
0xb5: {  	[sflag:s29] =	ssyncadd.s32 $0xFFFFFFFF  }
0xb6: {  	_ =	strace $0x9000004B  }
0xb7: {  	_ =	sfence  }
0xb8: {  	s30 =	sld [smem:$0x0];
	_ =	sdelay $0x2  }
0xb9: {  	s31 =	sshll.u32 s1, $0xD;
	s1 =	sshrl.u32 s1, $0x2  }
0xba: {  	s3 =	sand.u32 $0x4000, s31;
	s1 =	sadd.s32 s1, s30  }
0xbb: {  	s0 =	sor.u32 s3, s0;
	s1 =	sshll.u32 s1, $0x11  }
0xbc: {  	s0 =	sor.u32 s1, s0  }
0xbd: {  	s0 =	sadd.s32 $0x8F2B, s0  }
0xbe: {  	[sflag:s0] =	ssyncadd.remote.s32 $0x1  }
0xbf: {  	_ =	sfence.sel $0xFFFF  }
0xc0: {  	[dreg:$0x0] =	wrdreg $0xFFFFFFFF;
	(pc) =	sbr.abs _section_cstart, $3  }
0xc1: {  	[dreg:$0x1] =	wrdreg $0xFFFFFFFF  }
0xc2: {  	_ =	task.clear_ibuf [dreg:s7], $0x2FFFF;
	_ =	strace $0x9FFFFFFF  }
0xc3: {  	(tm) =	ssettm $0x7FFFFFFF  }
tec
execute0_lowered:
.L_overlay_start_1:
0x0: {  	(tag) =	ssettag $0x1  }
0x1: {  	s5 =	rddreg [dreg:$0x0];
	s26 =	stileid.u32  }
0x2: {  	s0 =	rddreg [dreg:$0x1];
	s6 =	smul.u32 $0xA000, s26  }
0x3: {  	s2 =	rddreg [dreg:$0x2];
	s1 =	sor.u32 $0x10, s26;
	s12 =	smul.u32 $0x50, s26  }
0x4: {  	s4 =	srdreg.scid;
	s8 =	sor.u32 $0x20, s26;
	s7 =	smul.u32 $0xA000, s1  }
0x5: {  	s3 =	simm.s32 $0x0;
	s9 =	sand.u32 $0x1, s4;
	s10 =	smul.u32 $0xA000, s8  }
0x6: {  	s28 =	simm.s32 $0x13880;
	s29 =	simm.s32 $0x13900;
	s11 =	smul.u32 $0x2710, s9  }
0x7: {  	s30 =	simm.s32 $0x80;
	s31 =	simm.s32 $0x13980;
	s15 =	smul.u32 $0x50, s1  }
0x8: {  	[smem:$0x7FF] =	sst s3;
	s17 =	sor.u32 $0x50, s26;
	s8 =	smul.u32 $0x50, s8  }
0x9: {  	s4 =	sadd.s32 $0xBA00, s5;
	s20 =	sor.u32 $0x60, s26;
	s21 =	smul.u32 $0x50, s17  }
0xa: {  	s13 =	sshll.u32 s26, $0x8;
	p0 =	slt.u32 s26, $0x2;
	s25 =	smul.u32 $0x50, s20  }
0xb: {  	_ =	strace $0x8000004A;
	s14 =	sshll.u32 s9, $0x7;
	s17 =	smul.u32 $0xA000, s17  }
0xc: {  	s9 =	ssub.s32 $0x2, s9;
	s20 =	smul.u32 $0xA000, s20;
	s24 =	sor.u32 s14, s13  }
0xd: {  	s13 =	sor.u32 $0x30, s26;
	s14 =	sor.u32 $0x40, s26;
	s19 =	sshrl.u32 s9, $0x1  }
0xe: {  	s6 =	sshrl.u32 s6, $0x2;
	s1 =	sshrl.u32 s24, $0x3;
	s16 =	smul.u32 $0x50, s13  }
0xf: {  	s18 =	smul.u32 $0x50, s14;
	s22 =	ssub.s32 s9, s19;
	s9 =	sor.u32 $0x70, s26  }
0x10: {  	s12 =	sadd.s32 s12, s11;
	s15 =	sadd.s32 s11, s15;
	s24 =	sadd.s32 s11, s8  }
0x11: {  	s21 =	sadd.s32 s11, s21;
	s19 =	sadd.s32 s11, s25;
	s25 =	smul.u32 $0xA000, s13  }
0x12: {  	s13 =	sadd.s32 $0x32C00, s5;
	s14 =	smul.u32 $0xA000, s14;
	s7 =	sshrl.u32 s7, $0x2  }
0x13: {  	s10 =	sshrl.u32 s10, $0x2;
	s23 =	smul.u32 $0x50, s9;
	s12 =	sshll.u32 s12, $0x4  }
0x14: {  	s15 =	sshll.u32 s15, $0x4;
	s21 =	sshll.u32 s21, $0x4;
	s22 =	smax.u32 s22, $0x1  }
0x15: {  	s16 =	sadd.s32 s11, s16;
	s18 =	sadd.s32 s11, s18;
	s8 =	sshrl.u32 s25, $0x2  }
0x16: {  	s14 =	sshrl.u32 s14, $0x2;
	s25 =	smul.u32 $0xA000, s9;
	s12 =	sadd.s32 s13, s12  }
0x17: {  	s11 =	sadd.s32 s11, s23;
	s23 =	sadd.s32 s1, s5;
	s5 =	sadd.s32 s6, s2  }
0x18: {  	s6 =	sadd.s32 s7, s2;
	s7 =	sadd.s32 s10, s2;
	s8 =	sadd.s32 s8, s2  }
0x19: {  	s9 =	sadd.s32 s14, s2;
	s10 =	sshrl.u32 s17, $0x2;
	s14 =	sshrl.u32 s20, $0x2  }
0x1a: {  	[dreg:$0x4] =	wrdreg s12;
	s20 =	sadd.s32 s13, s15;
	s15 =	sshll.u32 s24, $0x4  }
0x1b: {  	s17 =	sshll.u32 s16, $0x4;
	s18 =	sshll.u32 s18, $0x4;
	s16 =	sadd.s32 s13, s21  }
0x1c: {  	s24 =	sshll.u32 s19, $0x4;
	s19 =	simm.s32 $0x4F;
	s10 =	sadd.s32 s10, s2  }
0x1d: {  	s25 =	sshrl.u32 s25, $0x2;
	[dreg:$0x5] =	wrdreg s20;
	s12 =	sadd.s32 s13, s15  }
0x1e: {  	s20 =	sadd.s32 s13, s18;
	s11 =	sshll.u32 s11, $0x4;
	s19 =	simm.s32 @!p0 $0x4E  }
0x1f: {  	s15 =	sadd.s32 $0x1C00, s23;
	p0 =	sgt.u32 s26, $0xC;
	[dreg:$0x6] =	wrdreg s12  }
0x20: {  	s26 =	simm.s32 $0x2;
	s12 =	sadd.s32 s13, s17;
	[dreg:$0x8] =	wrdreg s20  }
0x21: {  	s17 =	sadd.s32 s13, s24;
	s18 =	sadd.s32 s13, s11;
	s20 =	sadd.s32 s14, s2  }
0x22: {  	s21 =	sadd.s32 s25, s2;
	s14 =	sadd.s32 s1, s0;
	s25 =	simm.s32 $0x17980  }
0x23: {  	v0 =	vimm.f32 $0.0e+00;
	s0 =	simm.s32 $0x1;
	s1 =	simm.s32 $0x0;
	[dreg:$0x7] =	wrdreg s12  }
.LBB2_1:
0x24: {  	s11 =	simm.s32 $0x0;
	s12 =	simm.s32 $0x200  }
.LBB2_2:
0x25: {  	p1 =	sne.s32 s12, $0x9E00;
	[tilespmem:s11+$0x179F0] =	vst v0  }
0x26: {  	[tilespmem:s11+$0x17980] =	vst v0  }
0x27: {  	[tilespmem:s11+$0x17990] =	vst v0  }
.Ltmp0:
0x28: {  	[tilespmem:s11+$0x179A0] =	vst v0;
	(pc) =	sbr.rel @p1 .LBB2_2-.Ltmp0, $4  }
0x29: {  	[tilespmem:s11+$0x179B0] =	vst v0  }
0x2a: {  	[tilespmem:s11+$0x179C0] =	vst v0  }
0x2b: {  	[tilespmem:s11+$0x179D0] =	vst v0  }
0x2c: {  	[tilespmem:s11+$0x179E0] =	vst v0;
	s11 =	sshra.s32 s12, $0x2;
	s12 =	sadd.s32 $0x200, s12  }
0x2d: {  	[tilespmem:s11+$0x179F0] =	vst v0  }
0x2e: {  	[tilespmem:s11+$0x17980] =	vst v0  }
0x2f: {  	[tilespmem:s11+$0x17990] =	vst v0  }
0x30: {  	[tilespmem:s11+$0x179A0] =	vst v0  }
0x31: {  	[tilespmem:s11+$0x179B0] =	vst v0  }
0x32: {  	[tilespmem:s11+$0x179C0] =	vst v0  }
0x33: {  	[tilespmem:s11+$0x179D0] =	vst v0  }
0x34: {  	[tilespmem:s11+$0x179E0] =	vst v0  }
0x35: {  	[spmem:s5] =	stream.linear.scatter [tilespmem:s25], [sflag:$0x2], $0x2800, $0x38;
	[tilespmem:$0x1A180] =	vst v63  }
0x36: {  	_ =	swait.ge [sflag:s26], $0x2800  }
0x37: {  	[sflag:s26] =	ssyncset.done $0x0  }
0x38: {  	[sflag:s26] =	ssyncadd.s32 $0xFFFFD800  }
0x39: {  	[spmem:s6] =	stream.linear.scatter [tilespmem:s25], [sflag:$0x2], $0x2800, $0x38;
	[tilespmem:$0x1A180] =	vst v63  }
0x3a: {  	_ =	swait.ge [sflag:s26], $0x2800  }
0x3b: {  	[sflag:s26] =	ssyncset.done $0x0  }
0x3c: {  	[sflag:s26] =	ssyncadd.s32 $0xFFFFD800  }
0x3d: {  	[spmem:s7] =	stream.linear.scatter [tilespmem:s25], [sflag:$0x2], $0x2800, $0x38;
	[tilespmem:$0x1A180] =	vst v63  }
0x3e: {  	_ =	swait.ge [sflag:s26], $0x2800  }
0x3f: {  	[sflag:s26] =	ssyncset.done $0x0  }
0x40: {  	[sflag:s26] =	ssyncadd.s32 $0xFFFFD800  }
0x41: {  	[spmem:s8] =	stream.linear.scatter [tilespmem:s25], [sflag:$0x2], $0x2800, $0x38;
	[tilespmem:$0x1A180] =	vst v63  }
0x42: {  	_ =	swait.ge [sflag:s26], $0x2800  }
0x43: {  	[sflag:s26] =	ssyncset.done $0x0  }
0x44: {  	[sflag:s26] =	ssyncadd.s32 $0xFFFFD800  }
0x45: {  	[spmem:s9] =	stream.linear.scatter [tilespmem:s25], [sflag:$0x2], $0x2800, $0x38;
	[tilespmem:$0x1A180] =	vst v63  }
0x46: {  	_ =	swait.ge [sflag:s26], $0x2800  }
0x47: {  	[sflag:s26] =	ssyncset.done $0x0  }
0x48: {  	[sflag:s26] =	ssyncadd.s32 $0xFFFFD800  }
0x49: {  	[spmem:s10] =	stream.linear.scatter [tilespmem:s25], [sflag:$0x2], $0x2800, $0x38;
	[tilespmem:$0x1A180] =	vst v63  }
0x4a: {  	_ =	swait.ge [sflag:s26], $0x2800  }
0x4b: {  	[sflag:s26] =	ssyncset.done $0x0  }
0x4c: {  	[sflag:s26] =	ssyncadd.s32 $0xFFFFD800  }
0x4d: {  	[spmem:s20] =	stream.linear.scatter [tilespmem:s25], [sflag:$0x2], $0x2800, $0x38;
	[tilespmem:$0x1A180] =	vst v63  }
0x4e: {  	_ =	swait.ge [sflag:s26], $0x2800  }
0x4f: {  	[sflag:s26] =	ssyncset.done $0x0  }
0x50: {  	s12 =	simm.s32 @!p0 $0x17980;
	s11 =	simm.s32 @!p0 $0x2;
	[sflag:s26] =	ssyncadd.s32 $0xFFFFD800  }
0x51: {  	[spmem:s21] =	stream.linear.scatter @!p0 [tilespmem:s12], [sflag:$0x2], $0x2800, $0x38;
	[tilespmem:$0x1A180] =	vst v63  }
0x52: {  	_ =	swait.ge @!p0 [sflag:s11], $0x2800  }
0x53: {  	[sflag:s11] =	ssyncset.done @!p0 $0x0  }
0x54: {  	[sflag:s11] =	ssyncadd.s32 @!p0 $0xFFFFD800  }
0x55: {  	[bflag:$0x0] =	sbarrier.arrive $0xFFFF  }
0x56: {  	[tilespmem:s28], [sflag:$0x2] =	stream.linear.gather [hbm4b:s15+s3], $0x80, $0x38;
	[tilespmem:$0x1A180] =	vst v63  }
0x57: {  	_ =	swait.ge [sflag:s26], $0x80  }
0x58: {  	[sflag:s26] =	ssyncset.done $0x0  }
0x59: {  	[sflag:s26] =	ssyncadd.s32 $0xFFFFFF80  }
0x5a: {  	[tilespmem:s29], [sflag:$0x2] =	stream.linear.gather [hbm4b:s14+s3], $0x80, $0x38;
	[tilespmem:$0x1A180] =	vst v63  }
0x5b: {  	_ =	swait.ge [sflag:s26], $0x80  }
0x5c: {  	[sflag:s26] =	ssyncset.done $0x0  }
0x5d: {  	[sflag:s26] =	ssyncadd.s32 $0xFFFFFF80  }
0x5e: {  	[tilespmem:s31], [sflag:$0x1] =	stream.indirect.gather [hbm4b:s4+s30], $0x80, s28, s30, $0xb8;
	[tilespmem:$0x1A180] =	vst v63  }
0x5f: {  	p1 =	sne.s32 s19, $0x1;
	_ =	swait.ge [sflag:s0], $0x4000  }
.Ltmp1:
0x60: {  	[sflag:s0] =	ssyncset.done $0x0;
	(pc) =	sbr.rel @!p1 .LBB2_5-.Ltmp1, $4  }
0x61: {  	[sflag:s0] =	ssyncadd.s32 $0xFFFFC000  }
0x62: {  	[spmem:s2] =	stream.indirect.scatter.add.f32 [tilespmem:s31], [sflag:$0x2], $0x80, s29, s30, $0xb8;
	[tilespmem:$0x1A180] =	vst v63  }
0x63: {  	s13 =	sadd.s32 $0xFFFFFFFF, s19;
	_ =	swait.ge [sflag:s26], $0x4000  }
0x64: {  	s23 =	smov.u32 s14;
	s24 =	smov.u32 s15;
	[sflag:s26] =	ssyncset.done $0x0  }
.LBB2_4:
0x65: {  	[sflag:s26] =	ssyncadd.s32 $0xFFFFC000;
	s23 =	sadd.s32 $0x200, s23;
	s24 =	sadd.s32 $0x200, s24  }
0x66: {  	[tilespmem:s28], [sflag:$0x2] =	stream.linear.gather [hbm4b:s24+s3], $0x80, $0x38;
	[tilespmem:$0x1A180] =	vst v63  }
0x67: {  	p1 =	sne.s32 s13, $0x1;
	s13 =	sadd.s32 $0xFFFFFFFF, s13;
	_ =	swait.ge [sflag:s26], $0x80  }
0x68: {  	[sflag:s26] =	ssyncset.done $0x0  }
0x69: {  	[sflag:s26] =	ssyncadd.s32 $0xFFFFFF80  }
0x6a: {  	[tilespmem:s29], [sflag:$0x2] =	stream.linear.gather [hbm4b:s23+s3], $0x80, $0x38;
	[tilespmem:$0x1A180] =	vst v63  }
0x6b: {  	_ =	swait.ge [sflag:s26], $0x80  }
0x6c: {  	[sflag:s26] =	ssyncset.done $0x0  }
0x6d: {  	[sflag:s26] =	ssyncadd.s32 $0xFFFFFF80  }
0x6e: {  	[tilespmem:s31], [sflag:$0x1] =	stream.indirect.gather [hbm4b:s4+s30], $0x80, s28, s30, $0xb8;
	[tilespmem:$0x1A180] =	vst v63  }
0x6f: {  	_ =	swait.ge [sflag:s0], $0x4000  }
.Ltmp2:
0x70: {  	[sflag:s0] =	ssyncset.done $0x0;
	(pc) =	sbr.rel @p1 .LBB2_4-.Ltmp2, $4  }
0x71: {  	[sflag:s0] =	ssyncadd.s32 $0xFFFFC000  }
0x72: {  	[spmem:s2] =	stream.indirect.scatter.add.f32 [tilespmem:s31], [sflag:$0x2], $0x80, s29, s30, $0xb8;
	[tilespmem:$0x1A180] =	vst v63  }
0x73: {  	_ =	swait.ge [sflag:s26], $0x4000  }
0x74: {  	[sflag:s26] =	ssyncset.done $0x0  }
.LBB2_5:
0x75: {  	[sflag:s26] =	ssyncadd.s32 $0xFFFFC000  }
0x76: {  	[bflag:$0x0] =	sbarrier.arrive $0xFFFF  }
0x77: {  	[tilespmem:s25], [sflag:$0x2] =	stream.linear.gather [spmem:s5], $0x2800, $0x38;
	[tilespmem:$0x1A180] =	vst v63  }
0x78: {  	_ =	swait.ge [sflag:s26], $0x2800  }
0x79: {  	[sflag:s26] =	ssyncset.done $0x0  }
0x7a: {  	s13 =	rddreg [dreg:$0x4];
	[sflag:s26] =	ssyncadd.s32 $0xFFFFD800  }
0x7b: {  	[hbm4b:s13+s3] =	stream.linear.scatter [tilespmem:s25], [sflag:$0x2], $0x2800, $0x38;
	[tilespmem:$0x1A180] =	vst v63  }
0x7c: {  	_ =	swait.ge [sflag:s26], $0x2800  }
0x7d: {  	[sflag:s26] =	ssyncset.done $0x0  }
0x7e: {  	[sflag:s26] =	ssyncadd.s32 $0xFFFFD800  }
0x7f: {  	[tilespmem:s25], [sflag:$0x2] =	stream.linear.gather [spmem:s6], $0x2800, $0x38;
	[tilespmem:$0x1A180] =	vst v63  }
0x80: {  	_ =	swait.ge [sflag:s26], $0x2800  }
0x81: {  	[sflag:s26] =	ssyncset.done $0x0  }
0x82: {  	s23 =	rddreg [dreg:$0x5];
	[sflag:s26] =	ssyncadd.s32 $0xFFFFD800  }
0x83: {  	[hbm4b:s23+s3] =	stream.linear.scatter [tilespmem:s25], [sflag:$0x2], $0x2800, $0x38;
	[tilespmem:$0x1A180] =	vst v63  }
0x84: {  	_ =	swait.ge [sflag:s26], $0x2800  }
0x85: {  	[sflag:s26] =	ssyncset.done $0x0  }
0x86: {  	[sflag:s26] =	ssyncadd.s32 $0xFFFFD800  }
0x87: {  	[tilespmem:s25], [sflag:$0x2] =	stream.linear.gather [spmem:s7], $0x2800, $0x38;
	[tilespmem:$0x1A180] =	vst v63  }
0x88: {  	_ =	swait.ge [sflag:s26], $0x2800  }
0x89: {  	[sflag:s26] =	ssyncset.done $0x0  }
0x8a: {  	s24 =	rddreg [dreg:$0x6];
	[sflag:s26] =	ssyncadd.s32 $0xFFFFD800  }
0x8b: {  	[hbm4b:s24+s3] =	stream.linear.scatter [tilespmem:s25], [sflag:$0x2], $0x2800, $0x38;
	[tilespmem:$0x1A180] =	vst v63  }
0x8c: {  	_ =	swait.ge [sflag:s26], $0x2800  }
0x8d: {  	[sflag:s26] =	ssyncset.done $0x0  }
0x8e: {  	[sflag:s26] =	ssyncadd.s32 $0xFFFFD800  }
0x8f: {  	[tilespmem:s25], [sflag:$0x2] =	stream.linear.gather [spmem:s8], $0x2800, $0x38;
	[tilespmem:$0x1A180] =	vst v63  }
0x90: {  	_ =	swait.ge [sflag:s26], $0x2800  }
0x91: {  	[sflag:s26] =	ssyncset.done $0x0  }
0x92: {  	s23 =	rddreg [dreg:$0x7];
	[sflag:s26] =	ssyncadd.s32 $0xFFFFD800  }
0x93: {  	[hbm4b:s23+s3] =	stream.linear.scatter [tilespmem:s25], [sflag:$0x2], $0x2800, $0x38;
	[tilespmem:$0x1A180] =	vst v63  }
0x94: {  	_ =	swait.ge [sflag:s26], $0x2800  }
0x95: {  	[sflag:s26] =	ssyncset.done $0x0  }
0x96: {  	[sflag:s26] =	ssyncadd.s32 $0xFFFFD800  }
0x97: {  	[tilespmem:s25], [sflag:$0x2] =	stream.linear.gather [spmem:s9], $0x2800, $0x38;
	[tilespmem:$0x1A180] =	vst v63  }
0x98: {  	_ =	swait.ge [sflag:s26], $0x2800  }
0x99: {  	[sflag:s26] =	ssyncset.done $0x0  }
0x9a: {  	s24 =	rddreg [dreg:$0x8];
	[sflag:s26] =	ssyncadd.s32 $0xFFFFD800  }
0x9b: {  	[hbm4b:s24+s3] =	stream.linear.scatter [tilespmem:s25], [sflag:$0x2], $0x2800, $0x38;
	[tilespmem:$0x1A180] =	vst v63  }
0x9c: {  	_ =	swait.ge [sflag:s26], $0x2800  }
0x9d: {  	[sflag:s26] =	ssyncset.done $0x0  }
0x9e: {  	[sflag:s26] =	ssyncadd.s32 $0xFFFFD800  }
0x9f: {  	[tilespmem:s25], [sflag:$0x2] =	stream.linear.gather [spmem:s10], $0x2800, $0x38;
	[tilespmem:$0x1A180] =	vst v63  }
0xa0: {  	_ =	swait.ge [sflag:s26], $0x2800  }
0xa1: {  	[sflag:s26] =	ssyncset.done $0x0  }
0xa2: {  	[sflag:s26] =	ssyncadd.s32 $0xFFFFD800  }
0xa3: {  	[hbm4b:s16+s3] =	stream.linear.scatter [tilespmem:s25], [sflag:$0x2], $0x2800, $0x38;
	[tilespmem:$0x1A180] =	vst v63  }
0xa4: {  	_ =	swait.ge [sflag:s26], $0x2800  }
0xa5: {  	[sflag:s26] =	ssyncset.done $0x0  }
0xa6: {  	[sflag:s26] =	ssyncadd.s32 $0xFFFFD800  }
0xa7: {  	[tilespmem:s25], [sflag:$0x2] =	stream.linear.gather [spmem:s20], $0x2800, $0x38;
	[tilespmem:$0x1A180] =	vst v63  }
0xa8: {  	_ =	swait.ge [sflag:s26], $0x2800  }
0xa9: {  	[sflag:s26] =	ssyncset.done $0x0  }
0xaa: {  	[sflag:s26] =	ssyncadd.s32 $0xFFFFD800  }
0xab: {  	[hbm4b:s17+s3] =	stream.linear.scatter [tilespmem:s25], [sflag:$0x2], $0x2800, $0x38;
	[tilespmem:$0x1A180] =	vst v63  }
0xac: {  	_ =	swait.ge [sflag:s26], $0x2800  }
0xad: {  	[sflag:s26] =	ssyncset.done $0x0  }
0xae: {  	[sflag:s26] =	ssyncadd.s32 $0xFFFFD800  }
0xaf: {  	[tilespmem:s12], [sflag:$0x2] =	stream.linear.gather @!p0 [spmem:s21], $0x2800, $0x38;
	[tilespmem:$0x1A180] =	vst v63  }
0xb0: {  	s1 =	sadd.s32 $0x1, s1;
	_ =	swait.ge @!p0 [sflag:s11], $0x2800  }
0xb1: {  	p1 =	sne.s32 s1, s22;
	[sflag:s11] =	ssyncset.done @!p0 $0x0  }
.Ltmp3:
0xb2: {  	s13 =	simm.s32 @!p0 $0x0;
	[sflag:s11] =	ssyncadd.s32 @!p0 $0xFFFFD800;
	(pc) =	sbr.rel @p1 .LBB2_1-.Ltmp3, $4  }
0xb3: {  	[hbm4b:s18+s13] =	stream.linear.scatter @!p0 [tilespmem:s12], [sflag:$0x2], $0x2800, $0x38;
	[tilespmem:$0x1A180] =	vst v63  }
0xb4: {  	_ =	swait.ge @!p0 [sflag:s11], $0x2800  }
0xb5: {  	[sflag:s11] =	ssyncset.done @!p0 $0x0  }
0xb6: {  	[sflag:s11] =	ssyncadd.s32 @!p0 $0xFFFFD800  }
0xb7: {  	_ =	sfence.sel $0x180000  }
0xb8: {  	[bflag:$0x0] =	sbarrier.arrive $0xFFFF  }
0xb9: {  	_ =	strace $0x9000004A  }
0xba: {  	s0 =	stileid.u32;
	[bflag:$0x2] =	sbarrier.arrive $0xFFFF  }
0xbb: {  	p0 =	sne.s32 s0, $0x0;
	s0 =	rddreg [dreg:$0x3]  }
0xbc: {  	s0 =	sadd.s32 @!p0 $0x100000, s0  }
0xbd: {  	[sflag:s0] =	ssyncadd.tile.s32 @!p0 $0x1;
	_ =	shalt  }
.Lfunc_end2:
_tile_overlayer_lowered:
.L_overlay_start_2:
0xbe: {  	(tag) =	ssettag $0x2  }
0xbf: {  	s0 =	rddreg [dreg:$0x0];
	s2 =	stileid.u32  }
0xc0: {  	s1 =	rddreg [dreg:$0x1];
	p0 =	sne.s32 s2, $0x0  }
0xc1: {  	s3 =	rddreg [dreg:$0x2];
	[bflag:$0x3] =	sbarrier.arrive $0xFFFF;
	s2 =	simm.s32 @!p0 $0x1C02  }
0xc2: {  	[timem:s3], [sflag:s2] =	dma.local @!p0 [hbm:s0], s1  }
0xc3: {  	s0 =	simm.s32 @!p0 $0x2  }
0xc4: {  	_ =	swait.ge @!p0 [sflag:s0], s1  }
0xc5: {  	s1 =	ssub.s32 @!p0 $0x0, s1;
	[sflag:s0] =	ssyncset.done @!p0 $0x0  }
0xc6: {  	[sflag:s0] =	ssyncadd.s32 @!p0 s1  }
0xc7: {  	[bflag:$0x3] =	sbarrier.arrive $0xFFFF  }
0xc8: {  	_ =	shalt  }

// kernel: kernel.7.cloned.1.call-start
scs
__scs_entry_jumppad:
0x0: {  	(pc) =	sbr.rel $0x88, $3  }
0x1: {  	(tag) =	ssettag $0x0;
	lr =	simm.s32 $0x1  }
0x2: {  	[smem:$0x3F99] =	sst lr;
	_ =	strace $0xD0000000  }
0x3: {  	_ = 	snop  }
0x4: {  	_ = 	snop  }
0x5: {  	_ = 	snop  }
0x6: {  	_ = 	snop  }
0x7: {  	_ = 	snop  }
__scs_overlays_trampoline_lowered:
0x8: {  	[smem:$0x3FA8] =	sst s0  }
0x9: {  	[smem:$0x3FA9] =	sst s1  }
0xa: {  	[smem:$0x3FAA] =	sst s2  }
0xb: {  	[smem:$0x3FAB] =	sst s3  }
0xc: {  	[smem:$0x3FAC] =	sst s4  }
0xd: {  	[smem:$0x3FAD] =	sst s5  }
0xe: {  	[smem:$0x3FAE] =	sst s6  }
0xf: {  	[smem:$0x3FAF] =	sst s7  }
0x10: {  	[smem:$0x3FB0] =	sst s8  }
0x11: {  	[smem:$0x3FB1] =	sst s9;
	s0 =	simm.s32 @!p0 $0x0  }
0x12: {  	s1 =	sld [smem:$0x3F97];
	s0 =	simm.s32 @p0 $0x1  }
0x13: {  	[smem:$0x3FB2] =	sst s0;
	s0 =	simm.s32 @!p1 $0x0  }
0x14: {  	s2 =	sld [smem:$0x3F96];
	s0 =	simm.s32 @p1 $0x1  }
0x15: {  	[smem:$0x3FB3] =	sst s0;
	s0 =	simm.s32 @!p2 $0x0  }
0x16: {  	s3 =	sld [smem:$0x3FDB];
	s0 =	simm.s32 @p2 $0x1  }
0x17: {  	s4 =	simm.s32 $0x1BF5;
	[smem:$0x3FB5] =	sst s0  }
0x18: {  	s0 =	sld [smem:$0x3F98];
	_ =	swait.ge [sflag:s4], $0x0  }
0x19: {  	s7 =	sld [smem:$0x3F99]  }
0x1a: {  	s8 =	sadd.s32 $0xFFFFE003, lr  }
0x1b: {  	s9 =	sadd.s32 $0xFFFFFEF7, lr;
	s5 =	simm.s32 $0xFFFFFFFF;
	p2 =	slt.u32 s8, $0xFFFFF086  }
0x1c: {  	p1 =	slt.u32 s9, $0xF7A;
	s5 =	simm.s32 @!p2 $0x0  }
0x1d: {  	s5 =	simm.s32 @p1 $0x1;
	p0 =	seq.s32 s7, s2  }
0x1e: {  	s7 =	smul.u32 @!p0 $0xF7A, s2;
	p2 =	seq.s32 @!p0 s5, $0x0  }
0x1f: {  	s9 =	smul.u32 $0xF7A, s1;
	s8 =	simm.s32 @!p0 $0x1BF5;
	p2 =	por !p2, p0  }
0x20: {  	[sflag:s8] =	ssyncset.s32 @!p0 $0xFFFFF086;
	s6 =	sadd.s32 @!p0 s3, s7;
	s7 =	simm.s32 @!p0 $0x108  }
0x21: {  	s3 =	sadd.s32 s3, s9;
	s6 =	sadd.s32 @!p0 $0x88, s6;
	s7 =	simm.s32 @p2 $0x1082  }
0x22: {  	[simem:s7], [sflag:s8] =	dma.local @!p0 [hbm:s6], $0xF7A  }
0x23: {  	s9 =	sor.u32 $0xD0000000, s2;
	s6 =	simm.s32 $0x108;
	_ =	swait.ge @!p0 [sflag:s8], $0x0  }
0x24: {  	s3 =	sadd.s32 $0x88, s3;
	s6 =	simm.s32 @!p1 $0x1082;
	[sflag:s4] =	ssyncset.s32 $0xFFFFF086  }
0x25: {  	[simem:s6], [sflag:s4] =	dma.local [hbm:s3], $0xF7A  }
0x26: {  	[smem:$0x3F99] =	sst s1;
	(tag) =	ssettag s2;
	_ =	strace s9  }
0x27: {  	s1 =	sld [smem:$0x3FA9]  }
0x28: {  	s2 =	sld [smem:$0x3FAA]  }
0x29: {  	s4 =	sld [smem:$0x3FAC]  }
0x2a: {  	p0 =	seq.s32 s5, $0x0;
	s5 =	sld [smem:$0x3FAD]  }
0x2b: {  	s6 =	sld [smem:$0x3FAE]  }
0x2c: {  	s7 =	sld [smem:$0x3FAF]  }
0x2d: {  	s3 =	simm.s32 $0x108;
	s8 =	sld [smem:$0x3FB0]  }
0x2e: {  	s3 =	simm.s32 @!p0 $0x1082;
	s9 =	sld [smem:$0x3FB1]  }
0x2f: {  	lr =	sadd.s32 s0, s3;
	s0 =	sld [smem:$0x3FA8]  }
0x30: {  	s3 =	sld [smem:$0x3FAB]  }
0x31: {  	[smem:$0x3FB4] =	sst s10  }
0x32: {  	s10 =	sld [smem:$0x3FB2];
	_ =	sdelay $0x3  }
0x33: {  	p0 =	seq.s32 s10, $0x1;
	s10 =	sld [smem:$0x3FB4];
	_ =	sdelay $0x3  }
0x34: {  	[smem:$0x3FB4] =	sst s10  }
0x35: {  	s10 =	sld [smem:$0x3FB3];
	_ =	sdelay $0x3  }
0x36: {  	p1 =	seq.s32 s10, $0x1;
	s10 =	sld [smem:$0x3FB4];
	_ =	sdelay $0x3  }
0x37: {  	[smem:$0x3FB4] =	sst s10  }
0x38: {  	s10 =	sld [smem:$0x3FB5]  }
0x39: {  	_ = 	snop;
	(pc) =	sbr.ind lr, $3  }
0x3a: {  	_ = 	snop  }
0x3b: {  	_ = 	snop  }
0x3c: {  	p2 =	seq.s32 s10, $0x1;
	s10 =	sld [smem:$0x3FB4]  }
0x3d: {  	_ =	shalt  }
0x3e: {  	_ =	shalt  }
0x3f: {  	_ =	shalt  }
0x40: {  	_ =	shalt  }
0x41: {  	_ =	shalt  }
0x42: {  	_ =	shalt  }
0x43: {  	_ =	shalt  }
0x44: {  	_ =	shalt  }
0x45: {  	_ =	shalt  }
0x46: {  	_ =	shalt  }
0x47: {  	_ =	shalt  }
0x48: {  	_ =	shalt  }
0x49: {  	_ =	shalt  }
0x4a: {  	_ =	shalt  }
0x4b: {  	_ =	shalt  }
0x4c: {  	_ =	shalt  }
0x4d: {  	_ =	shalt  }
0x4e: {  	_ =	shalt  }
0x4f: {  	_ =	shalt  }
0x50: {  	_ =	shalt  }
0x51: {  	_ =	shalt  }
0x52: {  	_ =	shalt  }
0x53: {  	_ =	shalt  }
0x54: {  	_ =	shalt  }
0x55: {  	_ =	shalt  }
0x56: {  	_ =	shalt  }
0x57: {  	_ =	shalt  }
0x58: {  	_ =	shalt  }
0x59: {  	_ =	shalt  }
0x5a: {  	_ =	shalt  }
0x5b: {  	_ =	shalt  }
0x5c: {  	_ =	shalt  }
0x5d: {  	_ =	shalt  }
0x5e: {  	_ =	shalt  }
0x5f: {  	_ =	shalt  }
0x60: {  	_ =	shalt  }
0x61: {  	_ =	shalt  }
0x62: {  	_ =	shalt  }
0x63: {  	_ =	shalt  }
0x64: {  	_ =	shalt  }
0x65: {  	_ =	shalt  }
0x66: {  	_ =	shalt  }
0x67: {  	_ =	shalt  }
0x68: {  	_ =	shalt  }
0x69: {  	_ =	shalt  }
0x6a: {  	_ =	shalt  }
0x6b: {  	_ =	shalt  }
0x6c: {  	_ =	shalt  }
0x6d: {  	_ =	shalt  }
0x6e: {  	_ =	shalt  }
0x6f: {  	_ =	shalt  }
0x70: {  	_ =	shalt  }
0x71: {  	_ =	shalt  }
0x72: {  	_ =	shalt  }
0x73: {  	_ =	shalt  }
0x74: {  	_ =	shalt  }
0x75: {  	_ =	shalt  }
0x76: {  	_ =	shalt  }
0x77: {  	_ =	shalt  }
0x78: {  	_ =	shalt  }
0x79: {  	_ =	shalt  }
0x7a: {  	_ =	shalt  }
0x7b: {  	_ =	shalt  }
0x7c: {  	_ =	shalt  }
0x7d: {  	_ =	shalt  }
0x7e: {  	_ =	shalt  }
0x7f: {  	_ =	shalt  }
0x80: {  	_ =	shalt  }
0x81: {  	_ =	shalt  }
0x82: {  	_ =	shalt  }
0x83: {  	_ =	shalt  }
0x84: {  	_ =	shalt  }
0x85: {  	_ =	shalt  }
0x86: {  	_ =	shalt  }
0x87: {  	_ =	shalt  }
.Lfunc_end0:
.L_simem_size_0:
called_computation_lowered:
.L_overlay_start_0:
0x88: {  	s2 =	sld [smem:$0x3FD9]  }
0x89: {  	s3 =	sld [smem:$0x3FFE];
	_ =	sdelay $0x1  }
0x8a: {  	s1 =	srdreg.scid  }
0x8b: {  	s0 =	sand.u32 $0x1, s1  }
0x8c: {  	s17 =	sshll.u32 s0, $0xA;
	s2 =	sadd.s32 s3, s2  }
0x8d: {  	s2 =	sadd.s32 s2, s17  }
0x8e: {  	[smem:$0x3FC0] =	sst s2  }
0x8f: {  	_ = 	snop  }
0x90: {  	s2 =	sld [smem:$0x3FD0];
	(tm) =	ssettm $0x1  }
0x91: {  	s18 =	sld [smem:$0x3FFB];
	_ =	sdelay $0x3  }
0x92: {  	_ =	strace s18  }
0x93: {  	s3 =	sld [smem:$0x3FFC];
	_ =	sdelay $0x3  }
0x94: {  	_ =	strace s3  }
0x95: {  	s3 =	sld [smem:$0x3FFD];
	_ =	sdelay $0x3  }
0x96: {  	_ =	strace s3  }
0x97: {  	_ =	strace $0x8FFFFFFF  }
0x98: {  	s19 =	sld [smem:$0x3FDB];
	_ =	sdelay $0x1  }
0x99: {  	s4 =	simm.s32 $_scs_section_size  }
0x9a: {  	s5 =	simm.s32 $_size__tile_overlayer_lowered;
	s6 =	simm.s32 $_tile_overlayer_lowered  }
0x9b: {  	s22 =	simm.s32 $0x1BFF;
	s21 =	sshll.u32 s6, $0x1;
	s3 =	sadd.s32 s4, s19  }
0x9c: {  	s7 =	simm.s32 $0x0;
	s20 =	sshll.u32 s5, $0x1;
	s5 =	sadd.s32 s21, s3  }
0x9d: {  	[timem:s7], [sflag:s22] =	dma.local [hbm:s5], s20  }
0x9e: {  	_ =	swait.ge [sflag:s22], s20  }
0x9f: {  	s4 =	ssub.s32 $0x0, s20;
	[sflag:s22] =	ssyncset.done $0x0  }
0xa0: {  	[sflag:s22] =	ssyncadd.s32 s4;
	_ =	sdelay $0x1  }
0xa1: {  	s23 =	simm.s32 $0x1B8B  }
0xa2: {  	_ =	swait.ge [sflag:s23], $0x1  }
0xa3: {  	[sflag:s23] =	ssyncset.done $0x0  }
0xa4: {  	s25 =	simm.s32 $0x1B8E;
	s24 =	sld [smem:$0x3FFE];
	[sflag:s23] =	ssyncadd.s32 $0xFFFFFFFF  }
0xa5: {  	s26 =	simm.s32 $execute0_lowered;
	[smem:$0x3FD2] =	sst s25  }
0xa6: {  	s5 =	sshll.u32 s26, $0x1;
	_ =	strace $0x80000046;
	[dreg:$0x1] =	wrdreg $0xFFFFFFFF  }
0xa7: {  	s28 =	simm.s32 $_size_execute0_lowered;
	s3 =	sadd.s32 s3, s5;
	[dreg:$0x0] =	wrdreg $0x0  }
0xa8: {  	s5 =	sshll.u32 s28, $0x1;
	[dreg:$0x2] =	wrdreg s3  }
0xa9: {  	[dreg:$0x3] =	wrdreg s5  }
0xaa: {  	[dreg:$0x4] =	wrdreg $0xC0  }
0xab: {  	_ =	task [dreg:s7], $0x5FFFF  }
0xac: {  	[dreg:$0x1] =	wrdreg $0xFFFFFFFF  }
0xad: {  	[dreg:$0x0] =	wrdreg $0x60  }
0xae: {  	[dreg:$0x2] =	wrdreg s24  }
0xaf: {  	[dreg:$0x3] =	wrdreg s2  }
0xb0: {  	[dreg:$0x4] =	wrdreg $0x0  }
0xb1: {  	[dreg:$0x5] =	wrdreg $0x1A1800  }
0xb2: {  	[dreg:$0x6] =	wrdreg $0x9  }
0xb3: {  	_ =	task.clear_ibuf [dreg:s7], $0x7FFFF;
	_ =	strace $0x90000046  }
0xb4: {  	s29 =	simm.s32 $0x9;
	_ =	strace $0x80000048  }
0xb5: {  	_ =	swait.ge [sflag:s29], $0x1  }
0xb6: {  	[sflag:s29] =	ssyncadd.s32 $0xFFFFFFFF  }
0xb7: {  	_ =	strace $0x90000048  }
0xb8: {  	_ =	sfence  }
0xb9: {  	s30 =	sld [smem:$0x0];
	_ =	sdelay $0x2  }
0xba: {  	s31 =	sshll.u32 s1, $0xD;
	s1 =	sshrl.u32 s1, $0x2  }
0xbb: {  	s3 =	sand.u32 $0x4000, s31;
	s1 =	sadd.s32 s1, s30  }
0xbc: {  	s0 =	sor.u32 s3, s0;
	s1 =	sshll.u32 s1, $0x11  }
0xbd: {  	s0 =	sor.u32 s1, s0  }
0xbe: {  	s0 =	sadd.s32 $0x8F2B, s0  }
0xbf: {  	[sflag:s0] =	ssyncadd.remote.s32 $0x1  }
0xc0: {  	_ =	sfence.sel $0xFFFF  }
0xc1: {  	[dreg:$0x0] =	wrdreg $0xFFFFFFFF;
	(pc) =	sbr.abs _section_cstart, $3  }
0xc2: {  	[dreg:$0x1] =	wrdreg $0xFFFFFFFF  }
0xc3: {  	_ =	task.clear_ibuf [dreg:s7], $0x2FFFF;
	_ =	strace $0x9FFFFFFF  }
0xc4: {  	(tm) =	ssettm $0x7FFFFFFF  }
0xc5: {  	_ =	shalt  }
tec
execute0_lowered:
.L_overlay_start_1:
0x0: {  	(tag) =	ssettag $0x1  }
0x1: {  	s1 =	rddreg [dreg:$0x0]  }
0x2: {  	s5 =	rddreg [dreg:$0x1]  }
0x3: {  	s2 =	rddreg [dreg:$0x2]  }
0x4: {  	s3 =	rddreg [dreg:$0x3]  }
0x5: {  	s0 =	srdreg.scid;
	s29 =	stileid.u32;
	s4 =	simm.s32 $0x0  }
0x6: {  	s30 =	simm.s32 $0x17980;
	s31 =	simm.s32 $0x2;
	s0 =	sand.u32 $0x1, s0  }
0x7: {  	s6 =	sshll.u32 s29, $0x8;
	[smem:$0x7FF] =	sst s4;
	s10 =	smul.u32 $0x50, s29  }
0x8: {  	s8 =	sadd.s32 $0x33600, s1;
	s12 =	sor.u32 $0x20, s29;
	s9 =	smul.u32 $0x2710, s0  }
0x9: {  	s13 =	sor.u32 $0x30, s29;
	s16 =	sor.u32 $0x40, s29;
	s14 =	smul.u32 $0x50, s12  }
0xa: {  	s17 =	sor.u32 $0x50, s29;
	s18 =	sor.u32 $0x60, s29;
	s26 =	smul.u32 $0x50, s13  }
0xb: {  	s19 =	sor.u32 $0x70, s29;
	p0 =	slt.u32 s29, $0x2;
	s15 =	smul.u32 $0x50, s16  }
0xc: {  	p1 =	sgt.u32 s29, $0x4;
	s22 =	ssub.s32 $0x2, s0;
	s21 =	smul.u32 $0x50, s17  }
0xd: {  	s7 =	sshll.u32 s0, $0x7;
	s13 =	smul.u32 $0xA000, s13;
	s23 =	sshrl.u32 s22, $0x1  }
0xe: {  	s6 =	sor.u32 s7, s6;
	s7 =	sor.u32 $0x10, s29;
	s0 =	ssub.s32 s22, s23  }
0xf: {  	s10 =	sadd.s32 s10, s9;
	s11 =	smul.u32 $0x50, s7;
	s25 =	sadd.s32 s9, s14  }
0x10: {  	s20 =	sadd.s32 s9, s26;
	s14 =	sadd.s32 s9, s21;
	s7 =	smul.u32 $0xA000, s7  }
0x11: {  	s6 =	sshrl.u32 s6, $0x3;
	s21 =	smul.u32 $0xA000, s16;
	s10 =	sshll.u32 s10, $0x4  }
0x12: {  	s23 =	sshll.u32 s14, $0x4;
	s10 =	sadd.s32 s8, s10;
	s24 =	sadd.s32 s9, s11  }
0x13: {  	s14 =	sadd.s32 $0xBA00, s1;
	[dreg:$0x5] =	wrdreg s10;
	s10 =	sshll.u32 s24, $0x4  }
0x14: {  	s28 =	smax.u32 s0, $0x1;
	s11 =	sshll.u32 s25, $0x4;
	s10 =	sadd.s32 s8, s10  }
0x15: {  	s0 =	simm.s32 $0x13880;
	[dreg:$0x6] =	wrdreg s10;
	s10 =	sadd.s32 s8, s11  }
0x16: {  	s11 =	sadd.s32 s9, s15;
	[dreg:$0x7] =	wrdreg s10;
	s10 =	sshll.u32 s20, $0x4  }
0x17: {  	s15 =	smul.u32 $0x50, s18;
	s11 =	sshll.u32 s11, $0x4;
	s10 =	sadd.s32 s8, s10  }
0x18: {  	s20 =	smul.u32 $0x50, s19;
	s22 =	sadd.s32 s8, s11;
	[dreg:$0x8] =	wrdreg s10  }
0x19: {  	s24 =	sadd.s32 s9, s15;
	[dreg:$0x9] =	wrdreg s22;
	s10 =	sadd.s32 s8, s23  }
0x1a: {  	s25 =	sadd.s32 s9, s20;
	s20 =	sshrl.u32 s7, $0x2;
	s23 =	smul.u32 $0xA000, s17  }
0x1b: {  	s7 =	sshrl.u32 s21, $0x2;
	[dreg:$0xa] =	wrdreg s10;
	s10 =	sshll.u32 s24, $0x4  }
0x1c: {  	s11 =	sshll.u32 s25, $0x4;
	s25 =	smul.u32 $0x7D0, s29;
	s16 =	sadd.s32 s20, s2  }
0x1d: {  	s24 =	sshrl.u32 s13, $0x2;
	s13 =	smul.u32 $0x1F40, s29;
	s10 =	sadd.s32 s8, s10  }
0x1e: {  	s8 =	sadd.s32 s8, s11;
	s11 =	sadd.s32 s6, s5;
	s6 =	sadd.s32 s6, s1  }
0x1f: {  	[dreg:$0xb] =	wrdreg s10;
	s26 =	sadd.s32 s25, s9;
	s9 =	smul.u32 $0xA000, s29  }
0x20: {  	s5 =	simm.s32 $0x80;
	[dreg:$0xc] =	wrdreg s8;
	s10 =	smul.u32 $0xA000, s12  }
0x21: {  	s25 =	sadd.s32 s25, s3;
	_ =	strace $0x80000047;
	s8 =	sshrl.u32 s26, $0x3  }
0x22: {  	s26 =	smul.u32 $0xA000, s18;
	s18 =	sadd.s32 s24, s2;
	s8 =	sadd.s32 s8, s1  }
0x23: {  	s12 =	sshrl.u32 s9, $0x2;
	s22 =	sshrl.u32 s10, $0x2;
	s10 =	smul.u32 $0xA000, s19  }
0x24: {  	s19 =	sadd.s32 s7, s2;
	s7 =	simm.s32 $0x1;
	s9 =	simm.s32 $0x0  }
0x25: {  	s15 =	sadd.s32 s12, s2;
	s17 =	sadd.s32 s22, s2;
	s12 =	sshrl.u32 s23, $0x2  }
0x26: {  	s23 =	sshrl.u32 s26, $0x2;
	s26 =	sshrl.u32 s13, $0x2;
	s20 =	sadd.s32 s12, s2  }
0x27: {  	s24 =	sshrl.u32 s10, $0x2;
	s21 =	sadd.s32 s23, s2;
	s1 =	sadd.s32 s26, s3  }
0x28: {  	s26 =	sadd.s32 $0x32C00, s8;
	s22 =	sadd.s32 s24, s2;
	s24 =	simm.s32 $0x4F  }
0x29: {  	s12 =	sadd.s32 $0x1C00, s6;
	s24 =	simm.s32 @!p0 $0x4E;
	p0 =	sgt.u32 s29, $0xC  }
0x2a: {  	s6 =	simm.s32 $0x13980;
	s8 =	simm.s32 $0x1A3F8;
	p2 =	sgt.u32 @!p0 s29, $0x4  }
0x2b: {  	v0 =	vimm.f32 $0.0e+00;
	v1 =	vimm.f32 $1.000000000e+00;
	[dreg:$0xd] =	wrdreg s1;
	s1 =	simm.s32 $0x13900;
	p2 =	por p2, p0  }
.LBB2_1:
0x2c: {  	s10 =	simm.s32 $0x0;
	s13 =	simm.s32 $0x200  }
.LBB2_2:
0x2d: {  	p3 =	sne.s32 s13, $0x9E00;
	[tilespmem:s10+$0x179F0] =	vst v0  }
0x2e: {  	[tilespmem:s10+$0x17980] =	vst v0  }
0x2f: {  	[tilespmem:s10+$0x17990] =	vst v0  }
.Ltmp0:
0x30: {  	[tilespmem:s10+$0x179A0] =	vst v0;
	(pc) =	sbr.rel @p3 .LBB2_2-.Ltmp0, $4  }
0x31: {  	[tilespmem:s10+$0x179B0] =	vst v0  }
0x32: {  	[tilespmem:s10+$0x179C0] =	vst v0  }
0x33: {  	[tilespmem:s10+$0x179D0] =	vst v0  }
0x34: {  	[tilespmem:s10+$0x179E0] =	vst v0;
	s10 =	sshra.s32 s13, $0x2;
	s13 =	sadd.s32 $0x200, s13  }
0x35: {  	[tilespmem:s10+$0x179F0] =	vst v0  }
0x36: {  	[tilespmem:s10+$0x17980] =	vst v0  }
0x37: {  	[tilespmem:s10+$0x17990] =	vst v0  }
0x38: {  	[tilespmem:s10+$0x179A0] =	vst v0  }
0x39: {  	[tilespmem:s10+$0x179B0] =	vst v0  }
0x3a: {  	[tilespmem:s10+$0x179C0] =	vst v0  }
0x3b: {  	[tilespmem:s10+$0x179D0] =	vst v0  }
0x3c: {  	[tilespmem:s10+$0x179E0] =	vst v0  }
0x3d: {  	[spmem:s15] =	stream.linear.scatter [tilespmem:s30], [sflag:$0x2], $0x2800, $0x38;
	[tilespmem:$0x1AC78] =	vst v63  }
0x3e: {  	_ =	swait.ge [sflag:s31], $0x2800  }
0x3f: {  	[sflag:s31] =	ssyncset.done $0x0  }
0x40: {  	[sflag:s31] =	ssyncadd.s32 $0xFFFFD800  }
0x41: {  	[spmem:s16] =	stream.linear.scatter [tilespmem:s30], [sflag:$0x2], $0x2800, $0x38;
	[tilespmem:$0x1AC78] =	vst v63  }
0x42: {  	_ =	swait.ge [sflag:s31], $0x2800  }
0x43: {  	[sflag:s31] =	ssyncset.done $0x0  }
0x44: {  	[sflag:s31] =	ssyncadd.s32 $0xFFFFD800  }
0x45: {  	[spmem:s17] =	stream.linear.scatter [tilespmem:s30], [sflag:$0x2], $0x2800, $0x38;
	[tilespmem:$0x1AC78] =	vst v63  }
0x46: {  	_ =	swait.ge [sflag:s31], $0x2800  }
0x47: {  	[sflag:s31] =	ssyncset.done $0x0  }
0x48: {  	[sflag:s31] =	ssyncadd.s32 $0xFFFFD800  }
0x49: {  	[spmem:s18] =	stream.linear.scatter [tilespmem:s30], [sflag:$0x2], $0x2800, $0x38;
	[tilespmem:$0x1AC78] =	vst v63  }
0x4a: {  	_ =	swait.ge [sflag:s31], $0x2800  }
0x4b: {  	[sflag:s31] =	ssyncset.done $0x0  }
0x4c: {  	[sflag:s31] =	ssyncadd.s32 $0xFFFFD800  }
0x4d: {  	[spmem:s19] =	stream.linear.scatter [tilespmem:s30], [sflag:$0x2], $0x2800, $0x38;
	[tilespmem:$0x1AC78] =	vst v63  }
0x4e: {  	_ =	swait.ge [sflag:s31], $0x2800  }
0x4f: {  	[sflag:s31] =	ssyncset.done $0x0  }
0x50: {  	[sflag:s31] =	ssyncadd.s32 $0xFFFFD800  }
0x51: {  	[spmem:s20] =	stream.linear.scatter [tilespmem:s30], [sflag:$0x2], $0x2800, $0x38;
	[tilespmem:$0x1AC78] =	vst v63  }
0x52: {  	_ =	swait.ge [sflag:s31], $0x2800  }
0x53: {  	[sflag:s31] =	ssyncset.done $0x0  }
0x54: {  	[sflag:s31] =	ssyncadd.s32 $0xFFFFD800  }
0x55: {  	[spmem:s21] =	stream.linear.scatter [tilespmem:s30], [sflag:$0x2], $0x2800, $0x38;
	[tilespmem:$0x1AC78] =	vst v63  }
0x56: {  	_ =	swait.ge [sflag:s31], $0x2800  }
0x57: {  	[sflag:s31] =	ssyncset.done $0x0  }
0x58: {  	s10 =	simm.s32 @!p0 $0x17980;
	[sflag:s31] =	ssyncadd.s32 $0xFFFFD800  }
0x59: {  	[spmem:s22] =	stream.linear.scatter @!p0 [tilespmem:s10], [sflag:$0x2], $0x2800, $0x38;
	[tilespmem:$0x1AC78] =	vst v63  }
0x5a: {  	s10 =	simm.s32 @!p0 $0x2  }
0x5b: {  	_ =	swait.ge @!p0 [sflag:s10], $0x2800  }
0x5c: {  	[sflag:s10] =	ssyncset.done @!p0 $0x0  }
0x5d: {  	s13 =	simm.s32 $0x0;
	[sflag:s10] =	ssyncadd.s32 @!p0 $0xFFFFD800;
	s10 =	simm.s32 $0x40  }
.LBB2_4:
0x5e: {  	p3 =	sne.s32 s10, $0x1F00;
	[tilespmem:s13+$0x1A478] =	vst v0;
	s13 =	smov.u32 s10;
	s10 =	sadd.s32 $0x40, s10  }
.Ltmp1:
0x5f: {  	(pc) =	sbr.rel @p3 .LBB2_4-.Ltmp1, $2  }
0x60: {  	_ =	sdelay $0x2  }
0x61: {  	s13 =	sshra.s32 s13, $0x2  }
0x62: {  	[tilespmem:s13+$0x1A478] =	vst v0;
	s10 =	simm.s32 @!p1 $0x1A478;
	s13 =	rddreg [dreg:$0xd]  }
0x63: {  	[spmem:s13] =	stream.linear.scatter @!p1 [tilespmem:s10], [sflag:$0x2], $0x7D0, $0x38;
	[tilespmem:$0x1AC78] =	vst v63  }
0x64: {  	s10 =	simm.s32 @!p1 $0x2  }
0x65: {  	_ =	swait.ge @!p1 [sflag:s10], $0x7D0  }
0x66: {  	[sflag:s10] =	ssyncset.done @!p1 $0x0  }
0x67: {  	[sflag:s10] =	ssyncadd.s32 @!p1 $0xFFFFF830  }
0x68: {  	[tilespmem:$0x1A3F8] =	vst v1  }
0x69: {  	[tilespmem:$0x1A408] =	vst v1  }
0x6a: {  	[tilespmem:$0x1A418] =	vst v1  }
0x6b: {  	[tilespmem:$0x1A428] =	vst v1  }
0x6c: {  	[tilespmem:$0x1A438] =	vst v1  }
0x6d: {  	[tilespmem:$0x1A448] =	vst v1  }
0x6e: {  	[tilespmem:$0x1A458] =	vst v1  }
0x6f: {  	[tilespmem:$0x1A468] =	vst v1  }
0x70: {  	[bflag:$0x0] =	sbarrier.arrive $0xFFFF  }
0x71: {  	[tilespmem:s0], [sflag:$0x2] =	stream.linear.gather [hbm4b:s12+s4], $0x80, $0x38;
	[tilespmem:$0x1AC78] =	vst v63  }
0x72: {  	_ =	swait.ge [sflag:s31], $0x80  }
0x73: {  	[sflag:s31] =	ssyncset.done $0x0  }
0x74: {  	[sflag:s31] =	ssyncadd.s32 $0xFFFFFF80  }
0x75: {  	[tilespmem:s1], [sflag:$0x2] =	stream.linear.gather [hbm4b:s11+s4], $0x80, $0x38;
	[tilespmem:$0x1AC78] =	vst v63  }
0x76: {  	_ =	swait.ge [sflag:s31], $0x80  }
0x77: {  	[sflag:s31] =	ssyncset.done $0x0  }
0x78: {  	[sflag:s31] =	ssyncadd.s32 $0xFFFFFF80  }
0x79: {  	[tilespmem:s6], [sflag:$0x1] =	stream.indirect.gather [hbm4b:s14+s5], $0x80, s0, s5, $0xb8;
	[tilespmem:$0x1AC78] =	vst v63  }
0x7a: {  	_ =	swait.ge [sflag:s7], $0x4000  }
0x7b: {  	[sflag:s7] =	ssyncset.done $0x0  }
0x7c: {  	[sflag:s7] =	ssyncadd.s32 $0xFFFFC000  }
0x7d: {  	[spmem:s2] =	stream.indirect.scatter.add.f32 [tilespmem:s6], [sflag:$0x2], $0x80, s1, s5, $0xb8;
	[tilespmem:$0x1AC78] =	vst v63  }
0x7e: {  	p3 =	sne.s32 s24, $0x1;
	_ =	swait.ge [sflag:s31], $0x4000  }
.Ltmp2:
0x7f: {  	[sflag:s31] =	ssyncset.done $0x0;
	(pc) =	sbr.rel @!p3 .LBB2_7-.Ltmp2, $4  }
0x80: {  	[sflag:s31] =	ssyncadd.s32 $0xFFFFC000  }
0x81: {  	[spmem:s3] =	stream.indirect.scatter.add.f32 [tilespmem:s8], [sflag:$0x2], $0x1, s1, s5, $0xb8;
	[tilespmem:$0x1AC78] =	vst v63  }
0x82: {  	s29 =	smov.u32 s12;
	_ =	swait.ge [sflag:s31], $0x80  }
0x83: {  	s13 =	smov.u32 s11;
	s10 =	sadd.s32 $0xFFFFFFFF, s24;
	[sflag:s31] =	ssyncset.done $0x0  }
.LBB2_6:
0x84: {  	[sflag:s31] =	ssyncadd.s32 $0xFFFFFF80;
	s13 =	sadd.s32 $0x200, s13;
	s29 =	sadd.s32 $0x200, s29  }
0x85: {  	[tilespmem:s0], [sflag:$0x2] =	stream.linear.gather [hbm4b:s29+s4], $0x80, $0x38;
	[tilespmem:$0x1AC78] =	vst v63  }
0x86: {  	p3 =	sne.s32 s10, $0x1;
	s10 =	sadd.s32 $0xFFFFFFFF, s10;
	_ =	swait.ge [sflag:s31], $0x80  }
0x87: {  	[sflag:s31] =	ssyncset.done $0x0  }
0x88: {  	[sflag:s31] =	ssyncadd.s32 $0xFFFFFF80  }
0x89: {  	[tilespmem:s1], [sflag:$0x2] =	stream.linear.gather [hbm4b:s13+s4], $0x80, $0x38;
	[tilespmem:$0x1AC78] =	vst v63  }
0x8a: {  	_ =	swait.ge [sflag:s31], $0x80  }
0x8b: {  	[sflag:s31] =	ssyncset.done $0x0  }
0x8c: {  	[sflag:s31] =	ssyncadd.s32 $0xFFFFFF80  }
0x8d: {  	[tilespmem:s6], [sflag:$0x1] =	stream.indirect.gather [hbm4b:s14+s5], $0x80, s0, s5, $0xb8;
	[tilespmem:$0x1AC78] =	vst v63  }
0x8e: {  	_ =	swait.ge [sflag:s7], $0x4000  }
0x8f: {  	[sflag:s7] =	ssyncset.done $0x0  }
0x90: {  	[sflag:s7] =	ssyncadd.s32 $0xFFFFC000  }
0x91: {  	[spmem:s2] =	stream.indirect.scatter.add.f32 [tilespmem:s6], [sflag:$0x2], $0x80, s1, s5, $0xb8;
	[tilespmem:$0x1AC78] =	vst v63  }
0x92: {  	_ =	swait.ge [sflag:s31], $0x4000  }
.Ltmp3:
0x93: {  	[sflag:s31] =	ssyncset.done $0x0;
	(pc) =	sbr.rel @p3 .LBB2_6-.Ltmp3, $4  }
0x94: {  	[sflag:s31] =	ssyncadd.s32 $0xFFFFC000  }
0x95: {  	[spmem:s3] =	stream.indirect.scatter.add.f32 [tilespmem:s8], [sflag:$0x2], $0x1, s1, s5, $0xb8;
	[tilespmem:$0x1AC78] =	vst v63  }
0x96: {  	_ =	swait.ge [sflag:s31], $0x80  }
0x97: {  	[sflag:s31] =	ssyncset.done $0x0  }
.LBB2_7:
0x98: {  	[sflag:s31] =	ssyncadd.s32 $0xFFFFFF80  }
0x99: {  	[bflag:$0x0] =	sbarrier.arrive $0xFFFF  }
0x9a: {  	[tilespmem:s30], [sflag:$0x2] =	stream.linear.gather [spmem:s15], $0x2800, $0x38;
	[tilespmem:$0x1AC78] =	vst v63  }
0x9b: {  	_ =	swait.ge [sflag:s31], $0x2800  }
0x9c: {  	[sflag:s31] =	ssyncset.done $0x0  }
0x9d: {  	s10 =	rddreg [dreg:$0x5];
	[sflag:s31] =	ssyncadd.s32 $0xFFFFD800  }
0x9e: {  	[hbm4b:s10+s4] =	stream.linear.scatter [tilespmem:s30], [sflag:$0x2], $0x2800, $0x38;
	[tilespmem:$0x1AC78] =	vst v63  }
0x9f: {  	_ =	swait.ge [sflag:s31], $0x2800  }
0xa0: {  	[sflag:s31] =	ssyncset.done $0x0  }
0xa1: {  	[sflag:s31] =	ssyncadd.s32 $0xFFFFD800  }
0xa2: {  	[tilespmem:s30], [sflag:$0x2] =	stream.linear.gather [spmem:s16], $0x2800, $0x38;
	[tilespmem:$0x1AC78] =	vst v63  }
0xa3: {  	_ =	swait.ge [sflag:s31], $0x2800  }
0xa4: {  	[sflag:s31] =	ssyncset.done $0x0  }
0xa5: {  	s13 =	rddreg [dreg:$0x6];
	[sflag:s31] =	ssyncadd.s32 $0xFFFFD800  }
0xa6: {  	[hbm4b:s13+s4] =	stream.linear.scatter [tilespmem:s30], [sflag:$0x2], $0x2800, $0x38;
	[tilespmem:$0x1AC78] =	vst v63  }
0xa7: {  	_ =	swait.ge [sflag:s31], $0x2800  }
0xa8: {  	[sflag:s31] =	ssyncset.done $0x0  }
0xa9: {  	[sflag:s31] =	ssyncadd.s32 $0xFFFFD800  }
0xaa: {  	[tilespmem:s30], [sflag:$0x2] =	stream.linear.gather [spmem:s17], $0x2800, $0x38;
	[tilespmem:$0x1AC78] =	vst v63  }
0xab: {  	_ =	swait.ge [sflag:s31], $0x2800  }
0xac: {  	[sflag:s31] =	ssyncset.done $0x0  }
0xad: {  	s23 =	rddreg [dreg:$0x7];
	[sflag:s31] =	ssyncadd.s32 $0xFFFFD800  }
0xae: {  	[hbm4b:s23+s4] =	stream.linear.scatter [tilespmem:s30], [sflag:$0x2], $0x2800, $0x38;
	[tilespmem:$0x1AC78] =	vst v63  }
0xaf: {  	_ =	swait.ge [sflag:s31], $0x2800  }
0xb0: {  	[sflag:s31] =	ssyncset.done $0x0  }
0xb1: {  	[sflag:s31] =	ssyncadd.s32 $0xFFFFD800  }
0xb2: {  	[tilespmem:s30], [sflag:$0x2] =	stream.linear.gather [spmem:s18], $0x2800, $0x38;
	[tilespmem:$0x1AC78] =	vst v63  }
0xb3: {  	_ =	swait.ge [sflag:s31], $0x2800  }
0xb4: {  	[sflag:s31] =	ssyncset.done $0x0  }
0xb5: {  	s29 =	rddreg [dreg:$0x8];
	[sflag:s31] =	ssyncadd.s32 $0xFFFFD800  }
0xb6: {  	[hbm4b:s29+s4] =	stream.linear.scatter [tilespmem:s30], [sflag:$0x2], $0x2800, $0x38;
	[tilespmem:$0x1AC78] =	vst v63  }
0xb7: {  	_ =	swait.ge [sflag:s31], $0x2800  }
0xb8: {  	[sflag:s31] =	ssyncset.done $0x0  }
0xb9: {  	[sflag:s31] =	ssyncadd.s32 $0xFFFFD800  }
0xba: {  	[tilespmem:s30], [sflag:$0x2] =	stream.linear.gather [spmem:s19], $0x2800, $0x38;
	[tilespmem:$0x1AC78] =	vst v63  }
0xbb: {  	_ =	swait.ge [sflag:s31], $0x2800  }
0xbc: {  	[sflag:s31] =	ssyncset.done $0x0  }
0xbd: {  	s13 =	rddreg [dreg:$0x9];
	[sflag:s31] =	ssyncadd.s32 $0xFFFFD800  }
0xbe: {  	[hbm4b:s13+s4] =	stream.linear.scatter [tilespmem:s30], [sflag:$0x2], $0x2800, $0x38;
	[tilespmem:$0x1AC78] =	vst v63  }
0xbf: {  	_ =	swait.ge [sflag:s31], $0x2800  }
0xc0: {  	[sflag:s31] =	ssyncset.done $0x0  }
0xc1: {  	[sflag:s31] =	ssyncadd.s32 $0xFFFFD800  }
0xc2: {  	[tilespmem:s30], [sflag:$0x2] =	stream.linear.gather [spmem:s20], $0x2800, $0x38;
	[tilespmem:$0x1AC78] =	vst v63  }
0xc3: {  	_ =	swait.ge [sflag:s31], $0x2800  }
0xc4: {  	[sflag:s31] =	ssyncset.done $0x0  }
0xc5: {  	s23 =	rddreg [dreg:$0xa];
	[sflag:s31] =	ssyncadd.s32 $0xFFFFD800  }
0xc6: {  	[hbm4b:s23+s4] =	stream.linear.scatter [tilespmem:s30], [sflag:$0x2], $0x2800, $0x38;
	[tilespmem:$0x1AC78] =	vst v63  }
0xc7: {  	_ =	swait.ge [sflag:s31], $0x2800  }
0xc8: {  	[sflag:s31] =	ssyncset.done $0x0  }
0xc9: {  	[sflag:s31] =	ssyncadd.s32 $0xFFFFD800  }
0xca: {  	[tilespmem:s30], [sflag:$0x2] =	stream.linear.gather [spmem:s21], $0x2800, $0x38;
	[tilespmem:$0x1AC78] =	vst v63  }
0xcb: {  	_ =	swait.ge [sflag:s31], $0x2800  }
0xcc: {  	[sflag:s31] =	ssyncset.done $0x0  }
0xcd: {  	s29 =	rddreg [dreg:$0xb];
	[sflag:s31] =	ssyncadd.s32 $0xFFFFD800  }
0xce: {  	[hbm4b:s29+s4] =	stream.linear.scatter [tilespmem:s30], [sflag:$0x2], $0x2800, $0x38;
	[tilespmem:$0x1AC78] =	vst v63  }
0xcf: {  	_ =	swait.ge [sflag:s31], $0x2800  }
0xd0: {  	[sflag:s31] =	ssyncset.done $0x0  }
0xd1: {  	s10 =	simm.s32 @!p0 $0x17980;
	s13 =	simm.s32 @!p0 $0x2;
	[sflag:s31] =	ssyncadd.s32 $0xFFFFD800  }
0xd2: {  	[tilespmem:s10], [sflag:$0x2] =	stream.linear.gather @!p0 [spmem:s22], $0x2800, $0x38;
	[tilespmem:$0x1AC78] =	vst v63  }
0xd3: {  	_ =	swait.ge @!p0 [sflag:s13], $0x2800  }
0xd4: {  	[sflag:s13] =	ssyncset.done @!p0 $0x0  }
0xd5: {  	s29 =	simm.s32 @!p0 $0x0;
	s23 =	rddreg [dreg:$0xc];
	[sflag:s13] =	ssyncadd.s32 @!p0 $0xFFFFD800  }
0xd6: {  	[hbm4b:s23+s29] =	stream.linear.scatter @!p0 [tilespmem:s10], [sflag:$0x2], $0x2800, $0x38;
	[tilespmem:$0x1AC78] =	vst v63  }
0xd7: {  	_ =	swait.ge @!p0 [sflag:s13], $0x2800  }
0xd8: {  	[sflag:s13] =	ssyncset.done @!p0 $0x0  }
0xd9: {  	s10 =	simm.s32 @!p2 $0x1A478;
	[sflag:s13] =	ssyncadd.s32 @!p0 $0xFFFFD800;
	s13 =	simm.s32 @!p2 $0x2  }
0xda: {  	[tilespmem:s10], [sflag:$0x2] =	stream.linear.gather @!p2 [spmem:s25], $0x7D0, $0x38;
	[tilespmem:$0x1AC78] =	vst v63  }
0xdb: {  	s9 =	sadd.s32 $0x1, s9;
	_ =	swait.ge @!p2 [sflag:s13], $0x7D0  }
0xdc: {  	p3 =	sne.s32 s9, s28;
	[sflag:s13] =	ssyncset.done @!p2 $0x0  }
.Ltmp4:
0xdd: {  	s29 =	simm.s32 @!p2 $0x0;
	[sflag:s13] =	ssyncadd.s32 @!p2 $0xFFFFF830;
	(pc) =	sbr.rel @p3 .LBB2_1-.Ltmp4, $4  }
0xde: {  	[hbm4b:s26+s29] =	stream.linear.scatter @!p2 [tilespmem:s10], [sflag:$0x2], $0x7D0, $0x38;
	[tilespmem:$0x1AC78] =	vst v63  }
0xdf: {  	_ =	swait.ge @!p2 [sflag:s13], $0x7D0  }
0xe0: {  	[sflag:s13] =	ssyncset.done @!p2 $0x0  }
0xe1: {  	[sflag:s13] =	ssyncadd.s32 @!p2 $0xFFFFF830  }
0xe2: {  	_ =	sfence.sel $0x180000  }
0xe3: {  	[bflag:$0x0] =	sbarrier.arrive $0xFFFF  }
0xe4: {  	_ =	strace $0x90000047  }
0xe5: {  	s0 =	stileid.u32;
	[bflag:$0x2] =	sbarrier.arrive $0xFFFF  }
0xe6: {  	p0 =	sne.s32 s0, $0x0;
	s0 =	rddreg [dreg:$0x4]  }
0xe7: {  	s0 =	sadd.s32 @!p0 $0x100000, s0  }
0xe8: {  	[sflag:s0] =	ssyncadd.tile.s32 @!p0 $0x1;
	_ =	shalt  }
.Lfunc_end2:
_tile_overlayer_lowered:
.L_overlay_start_2:
0xe9: {  	(tag) =	ssettag $0x2  }
0xea: {  	s0 =	rddreg [dreg:$0x0];
	s2 =	stileid.u32  }
0xeb: {  	s1 =	rddreg [dreg:$0x1];
	p0 =	sne.s32 s2, $0x0  }
0xec: {  	s3 =	rddreg [dreg:$0x2];
	[bflag:$0x3] =	sbarrier.arrive $0xFFFF;
	s2 =	simm.s32 @!p0 $0x1C02  }
0xed: {  	[timem:s3], [sflag:s2] =	dma.local @!p0 [hbm:s0], s1  }
0xee: {  	s0 =	simm.s32 @!p0 $0x2  }
0xef: {  	_ =	swait.ge @!p0 [sflag:s0], s1  }
0xf0: {  	s1 =	ssub.s32 @!p0 $0x0, s1;
	[sflag:s0] =	ssyncset.done @!p0 $0x0  }
0xf1: {  	[sflag:s0] =	ssyncadd.s32 @!p0 s1  }
0xf2: {  	[bflag:$0x3] =	sbarrier.arrive $0xFFFF  }
0xf3: {  	_ =	shalt  }

</sc_bundles>
